<compile_context>
chip_gen: v7x
topology: tpu7x:2x2x1
jax: 0.10.2.dev20260603
libtpu: 0.0.44.dev20260713+nightly
codegen_flags: <defaults>
</compile_context>

<pallas_src>
import functools

import jax
import jax.numpy as jnp
from jax import lax
from jax.experimental import pallas as pl
from jax.experimental.pallas import tpu as pltpu
from jax.experimental.pallas import tpu_sc as plsc

_N = 10000
_D = 128
_L = 4
_OUT = 64
_CHUNK = 128
_NSUB = 16
_NACC = 10240
_ROWS_PER_TILE = _NACC // _NSUB


def _spmm_kernel(ch_per_tile):
    mesh = plsc.VectorSubcoreMesh(core_axis_name="c", subcore_axis_name="s",
                                  num_cores=2, num_subcores=_NSUB)
    out_type = jax.ShapeDtypeStruct((2 * _NACC, _D), jnp.float32)
    scratch = (
        pltpu.VMEM((_CHUNK, _D), jnp.float32),
        pltpu.VMEM((_CHUNK,), jnp.int32),
        pltpu.VMEM((_CHUNK,), jnp.int32),
        pltpu.VMEM_SHARED((_NACC, _D), jnp.float32),
        pltpu.SemaphoreType.DMA,
    )

    def body(x_hbm, g_hbm, s_hbm, zr_hbm, out_hbm,
             rows_v, gidx_v, sidx_v, acc, sem):
        c = lax.axis_index("c")
        s = lax.axis_index("s")
        base = s * _ROWS_PER_TILE
        pltpu.sync_copy(zr_hbm, acc.at[pl.ds(base, _ROWS_PER_TILE)])
        plsc.subcore_barrier()
        ebase = c * (ch_per_tile * _NSUB * _CHUNK) + s * (ch_per_tile * _CHUNK)

        def step(i, carry):
            off = ebase + i * _CHUNK
            pltpu.sync_copy(g_hbm.at[pl.ds(off, _CHUNK)], gidx_v)
            pltpu.sync_copy(s_hbm.at[pl.ds(off, _CHUNK)], sidx_v)
            pltpu.async_copy(x_hbm.at[gidx_v], rows_v, sem).wait()
            pltpu.sync_copy(rows_v, acc.at[sidx_v], add=True)
            return carry

        lax.fori_loop(0, ch_per_tile, step, 0)
        plsc.subcore_barrier()
        obase = c * _NACC + base
        pltpu.sync_copy(acc.at[pl.ds(base, _ROWS_PER_TILE)],
                        out_hbm.at[pl.ds(obase, _ROWS_PER_TILE)])

    return pl.kernel(body, out_type=out_type, mesh=mesh,
                     scratch_types=scratch)




def _tc_body(*refs, first, last):
    k = 0
    x = refs[k][...]; k += 1
    sin = refs[k][...]; k += 1
    sout = refs[k][...]; k += 1
    din = refs[k][...]; k += 1
    dout = refs[k][...]; k += 1
    if not first:
        fused_in = refs[k][...]; k += 1
    wselfT = refs[k][...]; k += 1
    bself = refs[k][...]; k += 1
    w1T = refs[k][...]; k += 1
    wdT = refs[k][...]; k += 1
    bctx = refs[k][...]; k += 1
    a1T = refs[k][...]; k += 1
    b1 = refs[k][...]; k += 1
    a2 = refs[k][...]; k += 1
    lng = refs[k][...]; k += 1
    lnb = refs[k][...]; k += 1
    fwl = refs[k][...]; k += 1
    if last:
        wclsT = refs[k][...]; k += 1
        bcls = refs[k][...]; k += 1

    f32 = jnp.float32
    dinc = din[:, 0:1]
    doutc = dout[:, 0:1]
    p = jnp.dot(x, w1T, preferred_element_type=f32)
    sv = jnp.dot(x, wselfT, preferred_element_type=f32) + bself
    outg = dinc * p + jnp.dot(sin, wdT, preferred_element_type=f32) + bctx
    inc = doutc * p + jnp.dot(sout, wdT, preferred_element_type=f32) + bctx

    def score(v):
        t = jnp.tanh(jnp.dot(v, a1T, preferred_element_type=f32) + b1)
        return jnp.sum(t * a2, axis=-1, keepdims=True)

    s0, s1, s2 = score(sv), score(outg), score(inc)
    m = jnp.maximum(jnp.maximum(s0, s1), s2)
    e0 = jnp.exp(s0 - m)
    e1 = jnp.exp(s1 - m)
    e2 = jnp.exp(s2 - m)
    h = (e0 * sv + e1 * outg + e2 * inc) / (e0 + e1 + e2)
    mu = jnp.mean(h, axis=-1, keepdims=True)
    var = jnp.mean((h - mu) ** 2, axis=-1, keepdims=True)
    hn = (h - mu) * lax.rsqrt(var + 1e-5) * lng + lnb
    hr = jnp.maximum(hn, 0.0)
    cur = hr if first else hr + x
    f = fwl * cur if first else fused_in + fwl * cur
    if last:
        refs[-1][...] = jnp.dot(f, wclsT, preferred_element_type=f32) + bcls
    else:
        refs[-2][...] = cur
        refs[-1][...] = f


def _tc_layer(x, sin, sout, din, dout, fused, w, first, last):
    bn = min(400, _N)
    grid = (_N // bn,)

    def rowspec(a):
        return pl.BlockSpec((bn, a.shape[1]), lambda i: (i, 0))

    def fullspec(a):
        return pl.BlockSpec(a.shape, lambda i: (0,) * a.ndim)

    operands = [x, sin, sout, din, dout]
    specs = [rowspec(a) for a in operands]
    if not first:
        operands.append(fused)
        specs.append(rowspec(fused))
    operands += w
    specs += [fullspec(a) for a in w]
    if last:
        out_shape = jax.ShapeDtypeStruct((_N, _OUT), jnp.float32)
        out_specs = pl.BlockSpec((bn, _OUT), lambda i: (i, 0))
    else:
        out_shape = (jax.ShapeDtypeStruct((_N, _D), jnp.float32),
                     jax.ShapeDtypeStruct((_N, _D), jnp.float32))
        out_specs = (pl.BlockSpec((bn, _D), lambda i: (i, 0)),
                     pl.BlockSpec((bn, _D), lambda i: (i, 0)))
    return pl.pallas_call(
        functools.partial(_tc_body, first=first, last=last),
        grid=grid, in_specs=specs, out_specs=out_specs,
        out_shape=out_shape)(*operands)


def kernel(node_features, edge_index, Wself, bself, Wctx, bctx, A1, b1, A2,
           ln_g, ln_b, fusion_w, Wcls, bcls):
    e = edge_index.shape[1]
    ch_per_tile = -(-e // (_NSUB * _CHUNK))
    e_pad = ch_per_tile * _NSUB * _CHUNK
    pad = e_pad - e
    src = edge_index[0]
    dst = edge_index[1]
    zi = jnp.zeros((pad,), jnp.int32)
    di = jnp.full((pad,), _N, jnp.int32)
    gmat = jnp.concatenate([src, zi, dst, zi])
    smat = jnp.concatenate([dst, di, src, di])
    zr = jnp.zeros((_ROWS_PER_TILE, _D), jnp.float32)
    ones_rows = jnp.ones((_N, _D), jnp.float32)
    fw = jax.nn.softmax(fusion_w)

    spmm = _spmm_kernel(ch_per_tile)

    deg = spmm(ones_rows, gmat, smat, zr)
    din = deg[:_N]
    dout = deg[_NACC:_NACC + _N]

    cur = node_features
    fused = None
    out = None
    for l in range(_L):
        s_acc = spmm(cur, gmat, smat, zr)
        sin = s_acc[:_N]
        sout = s_acc[_NACC:_NACC + _N]
        w = [
            Wself[l].T, bself[l][None, :],
            Wctx[l, :, :_D].T, (Wctx[l, :, _D:] - Wctx[l, :, :_D]).T,
            bctx[l][None, :],
            A1[l].T, b1[l][None, :], A2[l],
            ln_g[l][None, :], ln_b[l][None, :],
            jnp.broadcast_to(fw[l], (1, _D)),
        ]
        first = l == 0
        last = l == _L - 1
        if last:
            w += [Wcls.T, bcls[None, :]]
        res = _tc_layer(cur, sin, sout, din, dout, fused, w, first, last)
        if last:
            out = res
        else:
            cur, fused = res
    return out

# --- scband reference (transcript-rebuilt; emitter-appended) ---
"""Pipeline reference for scband-dual-catanet-11484742550056 (READ-ONLY COPY).

The authoritative reference and input builder live on the scoring server;
editing this copy changes nothing except your own understanding.
"""

import jax, jax.numpy as jnp
import numpy as np

N = 10000
E = 320000
D = 128
L = 4
AH = 16
OUT = 64


def setup_inputs(seed: int = 0) -> dict:
    key = jax.random.key(seed)
    ks = jax.random.split(key, 8)
    inp = {}
    inp["node_features"] = jax.random.normal(ks[0], (N, D), dtype=jnp.float32)
    inp["edge_index"] = jax.random.randint(ks[1], (2, E), 0, N, dtype=jnp.int32)
    inp["Wself"] = jax.random.normal(ks[2], (L, D, D), dtype=jnp.float32) / np.sqrt(D)
    inp["bself"] = jnp.zeros((L, D), dtype=jnp.float32)
    inp["Wctx"] = jax.random.normal(ks[3], (L, D, 2 * D), dtype=jnp.float32) / np.sqrt(2 * D)
    inp["bctx"] = jnp.zeros((L, D), dtype=jnp.float32)
    inp["A1"] = jax.random.normal(ks[4], (L, AH, D), dtype=jnp.float32) / np.sqrt(D)
    inp["b1"] = jnp.zeros((L, AH), dtype=jnp.float32)
    inp["A2"] = jax.random.normal(ks[5], (L, 1, AH), dtype=jnp.float32) / np.sqrt(AH)
    inp["ln_g"] = jnp.ones((L, D), dtype=jnp.float32)
    inp["ln_b"] = jnp.zeros((L, D), dtype=jnp.float32)
    inp["fusion_w"] = jnp.ones((L,), dtype=jnp.float32)
    inp["Wcls"] = jax.random.normal(ks[6], (OUT, D), dtype=jnp.float32) / np.sqrt(D)
    inp["bcls"] = jnp.zeros((OUT,), dtype=jnp.float32)
    return inp


def _layer_norm(h, g, b):
    mu = h.mean(axis=-1, keepdims=True)
    var = ((h - mu) ** 2).mean(axis=-1, keepdims=True)
    return (h - mu) / jnp.sqrt(var + 1e-5) * g + b


def _conv(x, src, dst, Wself, bself, Wctx, bctx, A1, b1, A2):
    n = x.shape[0]
    self_view = x @ Wself.T + bself
    xs = x[src]
    xd = x[dst]
    # propagate(edge_index): message = cat([x_i - x_j, x_j]) aggregated (add) at dst
    m_fwd = jnp.concatenate([xd - xs, xs], axis=-1)
    agg_fwd = jnp.zeros((n, m_fwd.shape[-1]), dtype=x.dtype).at[dst].add(m_fwd)
    outgoing = agg_fwd @ Wctx.T + bctx
    # propagate(reversed_edges): message aggregated at src
    m_bwd = jnp.concatenate([xs - xd, xd], axis=-1)
    agg_bwd = jnp.zeros((n, m_bwd.shape[-1]), dtype=x.dtype).at[src].add(m_bwd)
    incoming = agg_bwd @ Wctx.T + bctx
    mv = jnp.stack([self_view, outgoing, incoming], axis=1)  # [N, 3, D]
    scores = jnp.tanh(mv @ A1.T + b1) @ A2.T  # [N, 3, 1]
    w = jax.nn.softmax(scores, axis=1)
    return (w * mv).sum(axis=1)


def reference(node_features, edge_index, Wself, bself, Wctx, bctx, A1, b1, A2, ln_g, ln_b, fusion_w, Wcls, bcls):
    src = edge_index[0]
    dst = edge_index[1]
    cur = node_features
    outs = []
    for l in range(L):
        h = _conv(cur, src, dst, Wself[l], bself[l], Wctx[l], bctx[l], A1[l], b1[l], A2[l])
        h = jax.nn.relu(_layer_norm(h, ln_g[l], ln_b[l]))
        # dropout is identity in eval mode
        cur = h + cur if l > 0 else h
        outs.append(cur)
    fw = jax.nn.softmax(fusion_w, axis=0)
    fused = sum(fw[l] * outs[l] for l in range(L))
    return fused @ Wcls.T + bcls

if __name__ == "__main__":
    import jax
    _d = setup_inputs()
    print(jax.jit(kernel)(*tuple(_d.values())))

</pallas_src>

<mosaic_0001>
#map = affine_map<(d0, d1) -> (0, 0)>
#map1 = affine_map<(d0, d1) -> (0)>
module attributes {stable_mosaic.version = 14 : i64} {
  func.func @body(%arg0: i32, %arg1: i32, %arg2: memref<10000x128xf32, #tpu.memory_space<hbm>>, %arg3: memref<643072xi32, #tpu.memory_space<hbm>>, %arg4: memref<643072xi32, #tpu.memory_space<hbm>>, %arg5: memref<640x128xf32, #tpu.memory_space<hbm>>, %arg6: memref<20480x128xf32, #tpu.memory_space<hbm>>, %arg7: memref<128x128xf32, #tpu.memory_space<vmem>>, %arg8: memref<128xi32, #tpu.memory_space<vmem>>, %arg9: memref<128xi32, #tpu.memory_space<vmem>>, %arg10: memref<10240x128xf32, #tpu.memory_space<vmem_shared>>, %arg11: memref<!tpu.dma_semaphore, #tpu.memory_space<semaphore_mem>>) attributes {dimension_semantics = [#tpu.dimension_semantics<core_parallel>, #tpu.dimension_semantics<subcore_parallel>], iteration_bounds = array<i64: 2, 16>, scalar_prefetch = 0 : i64, scratch_operands = 5 : i64, tpu.core_type = #tpu.core_type<sc_vector_subcore>, window_params = [{transform_indices = #map}, {transform_indices = #map1}, {transform_indices = #map1}, {transform_indices = #map}, {transform_indices = #map}]} {
    %mul3A = arith.constant 640 : i32
    %mul3A_0 = arith.muli %arg1, %mul3A : i32
    "tpu.region"() ({
      %run_scoped3A = tpu.sem_alloc : memref<!tpu.dma_semaphore, #tpu.memory_space<semaphore_mem>>
      %dma_start3A = arith.constant 0 : i32
      %dma_start3A_14 = tpu.memref_slice %arg10[%mul3A_0, %dma_start3A] : memref<10240x128xf32, #tpu.memory_space<vmem_shared>> -> memref<640x128xf32, #tpu.memory_space<vmem_shared>>
      tpu.enqueue_dma source(%arg5 : memref<640x128xf32, #tpu.memory_space<hbm>>) target(%dma_start3A_14 : memref<640x128xf32, #tpu.memory_space<vmem_shared>>) target_semaphore(%run_scoped3A : memref<!tpu.dma_semaphore, #tpu.memory_space<semaphore_mem>>)
      %dma_wait3A = arith.constant 0 : i32
      %dma_wait3A_15 = tpu.memref_slice %arg10[%mul3A_0, %dma_wait3A] : memref<10240x128xf32, #tpu.memory_space<vmem_shared>> -> memref<640x128xf32, #tpu.memory_space<vmem_shared>>
      tpu.wait_dma2 semaphore(%run_scoped3A : memref<!tpu.dma_semaphore, #tpu.memory_space<semaphore_mem>>) src(%arg5 : memref<640x128xf32, #tpu.memory_space<hbm>>) dst(%dma_wait3A_15 : memref<640x128xf32, #tpu.memory_space<vmem_shared>>)
      tpu.yield
    }) : () -> ()
    %barrier3A = arith.constant 0 : index
    tpu.barrier barrier_id(%barrier3A)
    %mul3A_1 = arith.constant 321536 : i32
    %mul3A_2 = arith.muli %arg0, %mul3A_1 : i32
    %mul3A_3 = arith.constant 20096 : i32
    %mul3A_4 = arith.muli %arg1, %mul3A_3 : i32
    %add3A = arith.addi %mul3A_2, %mul3A_4 : i32
    %scan3A = arith.constant 0 : i32
    %scan3A_5 = arith.constant 0 : i32
    %scan3A_6 = arith.constant 157 : i32
    %scan3A_7 = arith.addi %scan3A_5, %scan3A_6 : i32
    %scan3A_8 = arith.constant 1 : i32
    scf.for %scan3A_14 = %scan3A_5 to %scan3A_7 step %scan3A_8  : i32 {
      %mul3A_15 = arith.constant 128 : i32
      %mul3A_16 = arith.muli %scan3A_14, %mul3A_15 : i32
      %add3A_17 = arith.addi %add3A, %mul3A_16 : i32
      "tpu.region"() ({
        %run_scoped3A = tpu.sem_alloc : memref<!tpu.dma_semaphore, #tpu.memory_space<semaphore_mem>>
        %dma_start3A_22 = tpu.memref_slice %arg3[%add3A_17] : memref<643072xi32, #tpu.memory_space<hbm>> -> memref<128xi32, #tpu.memory_space<hbm>>
        %dma_start3A_23 = tpu.memref_slice %arg3[%add3A_17] : memref<643072xi32, #tpu.memory_space<hbm>> -> memref<128xi32, #tpu.memory_space<hbm>>
        tpu.enqueue_dma source(%dma_start3A_23 : memref<128xi32, #tpu.memory_space<hbm>>) target(%arg8 : memref<128xi32, #tpu.memory_space<vmem>>) target_semaphore(%run_scoped3A : memref<!tpu.dma_semaphore, #tpu.memory_space<semaphore_mem>>)
        %dma_wait3A_24 = tpu.memref_slice %arg3[%add3A_17] : memref<643072xi32, #tpu.memory_space<hbm>> -> memref<128xi32, #tpu.memory_space<hbm>>
        %dma_wait3A_25 = tpu.memref_slice %arg3[%add3A_17] : memref<643072xi32, #tpu.memory_space<hbm>> -> memref<128xi32, #tpu.memory_space<hbm>>
        tpu.wait_dma2 semaphore(%run_scoped3A : memref<!tpu.dma_semaphore, #tpu.memory_space<semaphore_mem>>) src(%dma_wait3A_25 : memref<128xi32, #tpu.memory_space<hbm>>) dst(%arg8 : memref<128xi32, #tpu.memory_space<vmem>>)
        tpu.yield
      }) : () -> ()
      "tpu.region"() ({
        %run_scoped3A = tpu.sem_alloc : memref<!tpu.dma_semaphore, #tpu.memory_space<semaphore_mem>>
        %dma_start3A_22 = tpu.memref_slice %arg4[%add3A_17] : memref<643072xi32, #tpu.memory_space<hbm>> -> memref<128xi32, #tpu.memory_space<hbm>>
        %dma_start3A_23 = tpu.memref_slice %arg4[%add3A_17] : memref<643072xi32, #tpu.memory_space<hbm>> -> memref<128xi32, #tpu.memory_space<hbm>>
        tpu.enqueue_dma source(%dma_start3A_23 : memref<128xi32, #tpu.memory_space<hbm>>) target(%arg9 : memref<128xi32, #tpu.memory_space<vmem>>) target_semaphore(%run_scoped3A : memref<!tpu.dma_semaphore, #tpu.memory_space<semaphore_mem>>)
        %dma_wait3A_24 = tpu.memref_slice %arg4[%add3A_17] : memref<643072xi32, #tpu.memory_space<hbm>> -> memref<128xi32, #tpu.memory_space<hbm>>
        %dma_wait3A_25 = tpu.memref_slice %arg4[%add3A_17] : memref<643072xi32, #tpu.memory_space<hbm>> -> memref<128xi32, #tpu.memory_space<hbm>>
        tpu.wait_dma2 semaphore(%run_scoped3A : memref<!tpu.dma_semaphore, #tpu.memory_space<semaphore_mem>>) src(%dma_wait3A_25 : memref<128xi32, #tpu.memory_space<hbm>>) dst(%arg9 : memref<128xi32, #tpu.memory_space<vmem>>)
        tpu.yield
      }) : () -> ()
      %dma_start3A = arith.constant 0 : i32
      %dma_start3A_18 = arith.constant 0 : i32
      %dma_start3A_19 = tpu.memref_slice %arg2[%dma_start3A, %dma_start3A_18] : memref<10000x128xf32, #tpu.memory_space<hbm>> -> memref<10000x128xf32, #tpu.memory_space<hbm>>
      tpu.enqueue_indirect_dma source(%dma_start3A_19 : memref<10000x128xf32, #tpu.memory_space<hbm>>) target(%arg7 : memref<128x128xf32, #tpu.memory_space<vmem>>) offsets(%arg8 : memref<128xi32, #tpu.memory_space<vmem>>) semaphore(%arg11 : memref<!tpu.dma_semaphore, #tpu.memory_space<semaphore_mem>>)
      %dma_wait3A = arith.constant 0 : i32
      %dma_wait3A_20 = arith.constant 0 : i32
      %dma_wait3A_21 = tpu.memref_slice %arg2[%dma_wait3A, %dma_wait3A_20] : memref<10000x128xf32, #tpu.memory_space<hbm>> -> memref<10000x128xf32, #tpu.memory_space<hbm>>
      tpu.wait_indirect_dma semaphore(%arg11 : memref<!tpu.dma_semaphore, #tpu.memory_space<semaphore_mem>>) src(%dma_wait3A_21 : memref<10000x128xf32, #tpu.memory_space<hbm>>) dst(%arg7 : memref<128x128xf32, #tpu.memory_space<vmem>>)
      "tpu.region"() ({
        %run_scoped3A = tpu.sem_alloc : memref<!tpu.dma_semaphore, #tpu.memory_space<semaphore_mem>>
        %dma_start3A_22 = arith.constant 0 : i32
        %dma_start3A_23 = arith.constant 0 : i32
        %dma_start3A_24 = tpu.memref_slice %arg10[%dma_start3A_22, %dma_start3A_23] : memref<10240x128xf32, #tpu.memory_space<vmem_shared>> -> memref<10240x128xf32, #tpu.memory_space<vmem_shared>>
        tpu.enqueue_indirect_dma source(%arg7 : memref<128x128xf32, #tpu.memory_space<vmem>>) target(%dma_start3A_24 : memref<10240x128xf32, #tpu.memory_space<vmem_shared>>) offsets(%arg9 : memref<128xi32, #tpu.memory_space<vmem>>) semaphore(%run_scoped3A : memref<!tpu.dma_semaphore, #tpu.memory_space<semaphore_mem>>) {add = true}
        %dma_wait3A_25 = arith.constant 0 : i32
        %dma_wait3A_26 = arith.constant 0 : i32
        %dma_wait3A_27 = tpu.memref_slice %arg10[%dma_wait3A_25, %dma_wait3A_26] : memref<10240x128xf32, #tpu.memory_space<vmem_shared>> -> memref<10240x128xf32, #tpu.memory_space<vmem_shared>>
        tpu.wait_indirect_dma semaphore(%run_scoped3A : memref<!tpu.dma_semaphore, #tpu.memory_space<semaphore_mem>>) src(%arg7 : memref<128x128xf32, #tpu.memory_space<vmem>>) dst(%dma_wait3A_27 : memref<10240x128xf32, #tpu.memory_space<vmem_shared>>)
        tpu.yield
      }) : () -> ()
    }
    %scan3A_9 = arith.constant 157 : i32
    %barrier3A_10 = arith.constant 0 : index
    tpu.barrier barrier_id(%barrier3A_10)
    %mul3A_11 = arith.constant 10240 : i32
    %mul3A_12 = arith.muli %arg0, %mul3A_11 : i32
    %add3A_13 = arith.addi %mul3A_12, %mul3A_0 : i32
    "tpu.region"() ({
      %run_scoped3A = tpu.sem_alloc : memref<!tpu.dma_semaphore, #tpu.memory_space<semaphore_mem>>
      %dma_start3A = arith.constant 0 : i32
      %dma_start3A_14 = tpu.memref_slice %arg6[%add3A_13, %dma_start3A] : memref<20480x128xf32, #tpu.memory_space<hbm>> -> memref<640x128xf32, #tpu.memory_space<hbm>>
      %dma_start3A_15 = arith.constant 0 : i32
      %dma_start3A_16 = tpu.memref_slice %arg10[%mul3A_0, %dma_start3A_15] : memref<10240x128xf32, #tpu.memory_space<vmem_shared>> -> memref<640x128xf32, #tpu.memory_space<vmem_shared>>
      tpu.enqueue_dma source(%dma_start3A_16 : memref<640x128xf32, #tpu.memory_space<vmem_shared>>) target(%dma_start3A_14 : memref<640x128xf32, #tpu.memory_space<hbm>>) target_semaphore(%run_scoped3A : memref<!tpu.dma_semaphore, #tpu.memory_space<semaphore_mem>>)
      %dma_wait3A = arith.constant 0 : i32
      %dma_wait3A_17 = tpu.memref_slice %arg6[%add3A_13, %dma_wait3A] : memref<20480x128xf32, #tpu.memory_space<hbm>> -> memref<640x128xf32, #tpu.memory_space<hbm>>
      %dma_wait3A_18 = arith.constant 0 : i32
      %dma_wait3A_19 = tpu.memref_slice %arg10[%mul3A_0, %dma_wait3A_18] : memref<10240x128xf32, #tpu.memory_space<vmem_shared>> -> memref<640x128xf32, #tpu.memory_space<vmem_shared>>
      tpu.wait_dma2 semaphore(%run_scoped3A : memref<!tpu.dma_semaphore, #tpu.memory_space<semaphore_mem>>) src(%dma_wait3A_19 : memref<640x128xf32, #tpu.memory_space<vmem_shared>>) dst(%dma_wait3A_17 : memref<640x128xf32, #tpu.memory_space<hbm>>)
      tpu.yield
    }) : () -> ()
    return
  }
}

#map = affine_map<(d0, d1) -> (0, 0)>
#map1 = affine_map<(d0, d1) -> (0)>
module attributes {stable_mosaic.version = 14 : i64} {
  func.func @body(%arg0: i32, %arg1: i32, %arg2: memref<10000x128xf32, #tpu.memory_space<hbm>>, %arg3: memref<643072xi32, #tpu.memory_space<hbm>>, %arg4: memref<643072xi32, #tpu.memory_space<hbm>>, %arg5: memref<640x128xf32, #tpu.memory_space<hbm>>, %arg6: memref<20480x128xf32, #tpu.memory_space<hbm>>, %arg7: memref<128x128xf32, #tpu.memory_space<vmem>>, %arg8: memref<128xi32, #tpu.memory_space<vmem>>, %arg9: memref<128xi32, #tpu.memory_space<vmem>>, %arg10: memref<10240x128xf32, #tpu.memory_space<vmem_shared>>, %arg11: memref<!tpu.dma_semaphore, #tpu.memory_space<semaphore_mem>>) attributes {dimension_semantics = [#tpu.dimension_semantics<core_parallel>, #tpu.dimension_semantics<subcore_parallel>], iteration_bounds = array<i64: 2, 16>, scalar_prefetch = 0 : i64, scratch_operands = 5 : i64, tpu.core_type = #tpu.core_type<sc_vector_subcore>, window_params = [{transform_indices = #map}, {transform_indices = #map1}, {transform_indices = #map1}, {transform_indices = #map}, {transform_indices = #map}]} {
    %mul3A = arith.constant 640 : i32
    %mul3A_0 = arith.muli %arg1, %mul3A : i32
    "tpu.region"() ({
      %run_scoped3A = tpu.sem_alloc : memref<!tpu.dma_semaphore, #tpu.memory_space<semaphore_mem>>
      %dma_start3A = arith.constant 0 : i32
      %dma_start3A_14 = tpu.memref_slice %arg10[%mul3A_0, %dma_start3A] : memref<10240x128xf32, #tpu.memory_space<vmem_shared>> -> memref<640x128xf32, #tpu.memory_space<vmem_shared>>
      tpu.enqueue_dma source(%arg5 : memref<640x128xf32, #tpu.memory_space<hbm>>) target(%dma_start3A_14 : memref<640x128xf32, #tpu.memory_space<vmem_shared>>) target_semaphore(%run_scoped3A : memref<!tpu.dma_semaphore, #tpu.memory_space<semaphore_mem>>)
      %dma_wait3A = arith.constant 0 : i32
      %dma_wait3A_15 = tpu.memref_slice %arg10[%mul3A_0, %dma_wait3A] : memref<10240x128xf32, #tpu.memory_space<vmem_shared>> -> memref<640x128xf32, #tpu.memory_space<vmem_shared>>
      tpu.wait_dma2 semaphore(%run_scoped3A : memref<!tpu.dma_semaphore, #tpu.memory_space<semaphore_mem>>) src(%arg5 : memref<640x128xf32, #tpu.memory_space<hbm>>) dst(%dma_wait3A_15 : memref<640x128xf32, #tpu.memory_space<vmem_shared>>)
      tpu.yield
    }) : () -> ()
    %barrier3A = arith.constant 0 : index
    tpu.barrier barrier_id(%barrier3A)
    %mul3A_1 = arith.constant 321536 : i32
    %mul3A_2 = arith.muli %arg0, %mul3A_1 : i32
    %mul3A_3 = arith.constant 20096 : i32
    %mul3A_4 = arith.muli %arg1, %mul3A_3 : i32
    %add3A = arith.addi %mul3A_2, %mul3A_4 : i32
    %scan3A = arith.constant 0 : i32
    %scan3A_5 = arith.constant 0 : i32
    %scan3A_6 = arith.constant 157 : i32
    %scan3A_7 = arith.addi %scan3A_5, %scan3A_6 : i32
    %scan3A_8 = arith.constant 1 : i32
    scf.for %scan3A_14 = %scan3A_5 to %scan3A_7 step %scan3A_8  : i32 {
      %mul3A_15 = arith.constant 128 : i32
      %mul3A_16 = arith.muli %scan3A_14, %mul3A_15 : i32
      %add3A_17 = arith.addi %add3A, %mul3A_16 : i32
      "tpu.region"() ({
        %run_scoped3A = tpu.sem_alloc : memref<!tpu.dma_semaphore, #tpu.memory_space<semaphore_mem>>
        %dma_start3A_22 = tpu.memref_slice %arg3[%add3A_17] : memref<643072xi32, #tpu.memory_space<hbm>> -> memref<128xi32, #tpu.memory_space<hbm>>
        %dma_start3A_23 = tpu.memref_slice %arg3[%add3A_17] : memref<643072xi32, #tpu.memory_space<hbm>> -> memref<128xi32, #tpu.memory_space<hbm>>
        tpu.enqueue_dma source(%dma_start3A_23 : memref<128xi32, #tpu.memory_space<hbm>>) target(%arg8 : memref<128xi32, #tpu.memory_space<vmem>>) target_semaphore(%run_scoped3A : memref<!tpu.dma_semaphore, #tpu.memory_space<semaphore_mem>>)
        %dma_wait3A_24 = tpu.memref_slice %arg3[%add3A_17] : memref<643072xi32, #tpu.memory_space<hbm>> -> memref<128xi32, #tpu.memory_space<hbm>>
        %dma_wait3A_25 = tpu.memref_slice %arg3[%add3A_17] : memref<643072xi32, #tpu.memory_space<hbm>> -> memref<128xi32, #tpu.memory_space<hbm>>
        tpu.wait_dma2 semaphore(%run_scoped3A : memref<!tpu.dma_semaphore, #tpu.memory_space<semaphore_mem>>) src(%dma_wait3A_25 : memref<128xi32, #tpu.memory_space<hbm>>) dst(%arg8 : memref<128xi32, #tpu.memory_space<vmem>>)
        tpu.yield
      }) : () -> ()
      "tpu.region"() ({
        %run_scoped3A = tpu.sem_alloc : memref<!tpu.dma_semaphore, #tpu.memory_space<semaphore_mem>>
        %dma_start3A_22 = tpu.memref_slice %arg4[%add3A_17] : memref<643072xi32, #tpu.memory_space<hbm>> -> memref<128xi32, #tpu.memory_space<hbm>>
        %dma_start3A_23 = tpu.memref_slice %arg4[%add3A_17] : memref<643072xi32, #tpu.memory_space<hbm>> -> memref<128xi32, #tpu.memory_space<hbm>>
        tpu.enqueue_dma source(%dma_start3A_23 : memref<128xi32, #tpu.memory_space<hbm>>) target(%arg9 : memref<128xi32, #tpu.memory_space<vmem>>) target_semaphore(%run_scoped3A : memref<!tpu.dma_semaphore, #tpu.memory_space<semaphore_mem>>)
        %dma_wait3A_24 = tpu.memref_slice %arg4[%add3A_17] : memref<643072xi32, #tpu.memory_space<hbm>> -> memref<128xi32, #tpu.memory_space<hbm>>
        %dma_wait3A_25 = tpu.memref_slice %arg4[%add3A_17] : memref<643072xi32, #tpu.memory_space<hbm>> -> memref<128xi32, #tpu.memory_space<hbm>>
        tpu.wait_dma2 semaphore(%run_scoped3A : memref<!tpu.dma_semaphore, #tpu.memory_space<semaphore_mem>>) src(%dma_wait3A_25 : memref<128xi32, #tpu.memory_space<hbm>>) dst(%arg9 : memref<128xi32, #tpu.memory_space<vmem>>)
        tpu.yield
      }) : () -> ()
      %dma_start3A = arith.constant 0 : i32
      %dma_start3A_18 = arith.constant 0 : i32
      %dma_start3A_19 = tpu.memref_slice %arg2[%dma_start3A, %dma_start3A_18] : memref<10000x128xf32, #tpu.memory_space<hbm>> -> memref<10000x128xf32, #tpu.memory_space<hbm>>
      tpu.enqueue_indirect_dma source(%dma_start3A_19 : memref<10000x128xf32, #tpu.memory_space<hbm>>) target(%arg7 : memref<128x128xf32, #tpu.memory_space<vmem>>) offsets(%arg8 : memref<128xi32, #tpu.memory_space<vmem>>) semaphore(%arg11 : memref<!tpu.dma_semaphore, #tpu.memory_space<semaphore_mem>>)
      %dma_wait3A = arith.constant 0 : i32
      %dma_wait3A_20 = arith.constant 0 : i32
      %dma_wait3A_21 = tpu.memref_slice %arg2[%dma_wait3A, %dma_wait3A_20] : memref<10000x128xf32, #tpu.memory_space<hbm>> -> memref<10000x128xf32, #tpu.memory_space<hbm>>
      tpu.wait_indirect_dma semaphore(%arg11 : memref<!tpu.dma_semaphore, #tpu.memory_space<semaphore_mem>>) src(%dma_wait3A_21 : memref<10000x128xf32, #tpu.memory_space<hbm>>) dst(%arg7 : memref<128x128xf32, #tpu.memory_space<vmem>>)
      "tpu.region"() ({
        %run_scoped3A = tpu.sem_alloc : memref<!tpu.dma_semaphore, #tpu.memory_space<semaphore_mem>>
        %dma_start3A_22 = arith.constant 0 : i32
        %dma_start3A_23 = arith.constant 0 : i32
        %dma_start3A_24 = tpu.memref_slice %arg10[%dma_start3A_22, %dma_start3A_23] : memref<10240x128xf32, #tpu.memory_space<vmem_shared>> -> memref<10240x128xf32, #tpu.memory_space<vmem_shared>>
        tpu.enqueue_indirect_dma source(%arg7 : memref<128x128xf32, #tpu.memory_space<vmem>>) target(%dma_start3A_24 : memref<10240x128xf32, #tpu.memory_space<vmem_shared>>) offsets(%arg9 : memref<128xi32, #tpu.memory_space<vmem>>) semaphore(%run_scoped3A : memref<!tpu.dma_semaphore, #tpu.memory_space<semaphore_mem>>) {add = true}
        %dma_wait3A_25 = arith.constant 0 : i32
        %dma_wait3A_26 = arith.constant 0 : i32
        %dma_wait3A_27 = tpu.memref_slice %arg10[%dma_wait3A_25, %dma_wait3A_26] : memref<10240x128xf32, #tpu.memory_space<vmem_shared>> -> memref<10240x128xf32, #tpu.memory_space<vmem_shared>>
        tpu.wait_indirect_dma semaphore(%run_scoped3A : memref<!tpu.dma_semaphore, #tpu.memory_space<semaphore_mem>>) src(%arg7 : memref<128x128xf32, #tpu.memory_space<vmem>>) dst(%dma_wait3A_27 : memref<10240x128xf32, #tpu.memory_space<vmem_shared>>)
        tpu.yield
      }) : () -> ()
    }
    %scan3A_9 = arith.constant 157 : i32
    %barrier3A_10 = arith.constant 0 : index
    tpu.barrier barrier_id(%barrier3A_10)
    %mul3A_11 = arith.constant 10240 : i32
    %mul3A_12 = arith.muli %arg0, %mul3A_11 : i32
    %add3A_13 = arith.addi %mul3A_12, %mul3A_0 : i32
    "tpu.region"() ({
      %run_scoped3A = tpu.sem_alloc : memref<!tpu.dma_semaphore, #tpu.memory_space<semaphore_mem>>
      %dma_start3A = arith.constant 0 : i32
      %dma_start3A_14 = tpu.memref_slice %arg6[%add3A_13, %dma_start3A] : memref<20480x128xf32, #tpu.memory_space<hbm>> -> memref<640x128xf32, #tpu.memory_space<hbm>>
      %dma_start3A_15 = arith.constant 0 : i32
      %dma_start3A_16 = tpu.memref_slice %arg10[%mul3A_0, %dma_start3A_15] : memref<10240x128xf32, #tpu.memory_space<vmem_shared>> -> memref<640x128xf32, #tpu.memory_space<vmem_shared>>
      tpu.enqueue_dma source(%dma_start3A_16 : memref<640x128xf32, #tpu.memory_space<vmem_shared>>) target(%dma_start3A_14 : memref<640x128xf32, #tpu.memory_space<hbm>>) target_semaphore(%run_scoped3A : memref<!tpu.dma_semaphore, #tpu.memory_space<semaphore_mem>>)
      %dma_wait3A = arith.constant 0 : i32
      %dma_wait3A_17 = tpu.memref_slice %arg6[%add3A_13, %dma_wait3A] : memref<20480x128xf32, #tpu.memory_space<hbm>> -> memref<640x128xf32, #tpu.memory_space<hbm>>
      %dma_wait3A_18 = arith.constant 0 : i32
      %dma_wait3A_19 = tpu.memref_slice %arg10[%mul3A_0, %dma_wait3A_18] : memref<10240x128xf32, #tpu.memory_space<vmem_shared>> -> memref<640x128xf32, #tpu.memory_space<vmem_shared>>
      tpu.wait_dma2 semaphore(%run_scoped3A : memref<!tpu.dma_semaphore, #tpu.memory_space<semaphore_mem>>) src(%dma_wait3A_19 : memref<640x128xf32, #tpu.memory_space<vmem_shared>>) dst(%dma_wait3A_17 : memref<640x128xf32, #tpu.memory_space<hbm>>)
      tpu.yield
    }) : () -> ()
    return
  }
}

#map = affine_map<(d0, d1) -> (0, 0)>
#map1 = affine_map<(d0, d1) -> (0)>
module attributes {stable_mosaic.version = 14 : i64} {
  func.func @body(%arg0: i32, %arg1: i32, %arg2: memref<10000x128xf32, #tpu.memory_space<hbm>>, %arg3: memref<643072xi32, #tpu.memory_space<hbm>>, %arg4: memref<643072xi32, #tpu.memory_space<hbm>>, %arg5: memref<640x128xf32, #tpu.memory_space<hbm>>, %arg6: memref<20480x128xf32, #tpu.memory_space<hbm>>, %arg7: memref<128x128xf32, #tpu.memory_space<vmem>>, %arg8: memref<128xi32, #tpu.memory_space<vmem>>, %arg9: memref<128xi32, #tpu.memory_space<vmem>>, %arg10: memref<10240x128xf32, #tpu.memory_space<vmem_shared>>, %arg11: memref<!tpu.dma_semaphore, #tpu.memory_space<semaphore_mem>>) attributes {dimension_semantics = [#tpu.dimension_semantics<core_parallel>, #tpu.dimension_semantics<subcore_parallel>], iteration_bounds = array<i64: 2, 16>, scalar_prefetch = 0 : i64, scratch_operands = 5 : i64, tpu.core_type = #tpu.core_type<sc_vector_subcore>, window_params = [{transform_indices = #map}, {transform_indices = #map1}, {transform_indices = #map1}, {transform_indices = #map}, {transform_indices = #map}]} {
    %mul3A = arith.constant 640 : i32
    %mul3A_0 = arith.muli %arg1, %mul3A : i32
    "tpu.region"() ({
      %run_scoped3A = tpu.sem_alloc : memref<!tpu.dma_semaphore, #tpu.memory_space<semaphore_mem>>
      %dma_start3A = arith.constant 0 : i32
      %dma_start3A_14 = tpu.memref_slice %arg10[%mul3A_0, %dma_start3A] : memref<10240x128xf32, #tpu.memory_space<vmem_shared>> -> memref<640x128xf32, #tpu.memory_space<vmem_shared>>
      tpu.enqueue_dma source(%arg5 : memref<640x128xf32, #tpu.memory_space<hbm>>) target(%dma_start3A_14 : memref<640x128xf32, #tpu.memory_space<vmem_shared>>) target_semaphore(%run_scoped3A : memref<!tpu.dma_semaphore, #tpu.memory_space<semaphore_mem>>)
      %dma_wait3A = arith.constant 0 : i32
      %dma_wait3A_15 = tpu.memref_slice %arg10[%mul3A_0, %dma_wait3A] : memref<10240x128xf32, #tpu.memory_space<vmem_shared>> -> memref<640x128xf32, #tpu.memory_space<vmem_shared>>
      tpu.wait_dma2 semaphore(%run_scoped3A : memref<!tpu.dma_semaphore, #tpu.memory_space<semaphore_mem>>) src(%arg5 : memref<640x128xf32, #tpu.memory_space<hbm>>) dst(%dma_wait3A_15 : memref<640x128xf32, #tpu.memory_space<vmem_shared>>)
      tpu.yield
    }) : () -> ()
    %barrier3A = arith.constant 0 : index
    tpu.barrier barrier_id(%barrier3A)
    %mul3A_1 = arith.constant 321536 : i32
    %mul3A_2 = arith.muli %arg0, %mul3A_1 : i32
    %mul3A_3 = arith.constant 20096 : i32
    %mul3A_4 = arith.muli %arg1, %mul3A_3 : i32
    %add3A = arith.addi %mul3A_2, %mul3A_4 : i32
    %scan3A = arith.constant 0 : i32
    %scan3A_5 = arith.constant 0 : i32
    %scan3A_6 = arith.constant 157 : i32
    %scan3A_7 = arith.addi %scan3A_5, %scan3A_6 : i32
    %scan3A_8 = arith.constant 1 : i32
    scf.for %scan3A_14 = %scan3A_5 to %scan3A_7 step %scan3A_8  : i32 {
      %mul3A_15 = arith.constant 128 : i32
      %mul3A_16 = arith.muli %scan3A_14, %mul3A_15 : i32
      %add3A_17 = arith.addi %add3A, %mul3A_16 : i32
      "tpu.region"() ({
        %run_scoped3A = tpu.sem_alloc : memref<!tpu.dma_semaphore, #tpu.memory_space<semaphore_mem>>
        %dma_start3A_22 = tpu.memref_slice %arg3[%add3A_17] : memref<643072xi32, #tpu.memory_space<hbm>> -> memref<128xi32, #tpu.memory_space<hbm>>
        %dma_start3A_23 = tpu.memref_slice %arg3[%add3A_17] : memref<643072xi32, #tpu.memory_space<hbm>> -> memref<128xi32, #tpu.memory_space<hbm>>
        tpu.enqueue_dma source(%dma_start3A_23 : memref<128xi32, #tpu.memory_space<hbm>>) target(%arg8 : memref<128xi32, #tpu.memory_space<vmem>>) target_semaphore(%run_scoped3A : memref<!tpu.dma_semaphore, #tpu.memory_space<semaphore_mem>>)
        %dma_wait3A_24 = tpu.memref_slice %arg3[%add3A_17] : memref<643072xi32, #tpu.memory_space<hbm>> -> memref<128xi32, #tpu.memory_space<hbm>>
        %dma_wait3A_25 = tpu.memref_slice %arg3[%add3A_17] : memref<643072xi32, #tpu.memory_space<hbm>> -> memref<128xi32, #tpu.memory_space<hbm>>
        tpu.wait_dma2 semaphore(%run_scoped3A : memref<!tpu.dma_semaphore, #tpu.memory_space<semaphore_mem>>) src(%dma_wait3A_25 : memref<128xi32, #tpu.memory_space<hbm>>) dst(%arg8 : memref<128xi32, #tpu.memory_space<vmem>>)
        tpu.yield
      }) : () -> ()
      "tpu.region"() ({
        %run_scoped3A = tpu.sem_alloc : memref<!tpu.dma_semaphore, #tpu.memory_space<semaphore_mem>>
        %dma_start3A_22 = tpu.memref_slice %arg4[%add3A_17] : memref<643072xi32, #tpu.memory_space<hbm>> -> memref<128xi32, #tpu.memory_space<hbm>>
        %dma_start3A_23 = tpu.memref_slice %arg4[%add3A_17] : memref<643072xi32, #tpu.memory_space<hbm>> -> memref<128xi32, #tpu.memory_space<hbm>>
        tpu.enqueue_dma source(%dma_start3A_23 : memref<128xi32, #tpu.memory_space<hbm>>) target(%arg9 : memref<128xi32, #tpu.memory_space<vmem>>) target_semaphore(%run_scoped3A : memref<!tpu.dma_semaphore, #tpu.memory_space<semaphore_mem>>)
        %dma_wait3A_24 = tpu.memref_slice %arg4[%add3A_17] : memref<643072xi32, #tpu.memory_space<hbm>> -> memref<128xi32, #tpu.memory_space<hbm>>
        %dma_wait3A_25 = tpu.memref_slice %arg4[%add3A_17] : memref<643072xi32, #tpu.memory_space<hbm>> -> memref<128xi32, #tpu.memory_space<hbm>>
        tpu.wait_dma2 semaphore(%run_scoped3A : memref<!tpu.dma_semaphore, #tpu.memory_space<semaphore_mem>>) src(%dma_wait3A_25 : memref<128xi32, #tpu.memory_space<hbm>>) dst(%arg9 : memref<128xi32, #tpu.memory_space<vmem>>)
        tpu.yield
      }) : () -> ()
      %dma_start3A = arith.constant 0 : i32
      %dma_start3A_18 = arith.constant 0 : i32
      %dma_start3A_19 = tpu.memref_slice %arg2[%dma_start3A, %dma_start3A_18] : memref<10000x128xf32, #tpu.memory_space<hbm>> -> memref<10000x128xf32, #tpu.memory_space<hbm>>
      tpu.enqueue_indirect_dma source(%dma_start3A_19 : memref<10000x128xf32, #tpu.memory_space<hbm>>) target(%arg7 : memref<128x128xf32, #tpu.memory_space<vmem>>) offsets(%arg8 : memref<128xi32, #tpu.memory_space<vmem>>) semaphore(%arg11 : memref<!tpu.dma_semaphore, #tpu.memory_space<semaphore_mem>>)
      %dma_wait3A = arith.constant 0 : i32
      %dma_wait3A_20 = arith.constant 0 : i32
      %dma_wait3A_21 = tpu.memref_slice %arg2[%dma_wait3A, %dma_wait3A_20] : memref<10000x128xf32, #tpu.memory_space<hbm>> -> memref<10000x128xf32, #tpu.memory_space<hbm>>
      tpu.wait_indirect_dma semaphore(%arg11 : memref<!tpu.dma_semaphore, #tpu.memory_space<semaphore_mem>>) src(%dma_wait3A_21 : memref<10000x128xf32, #tpu.memory_space<hbm>>) dst(%arg7 : memref<128x128xf32, #tpu.memory_space<vmem>>)
      "tpu.region"() ({
        %run_scoped3A = tpu.sem_alloc : memref<!tpu.dma_semaphore, #tpu.memory_space<semaphore_mem>>
        %dma_start3A_22 = arith.constant 0 : i32
        %dma_start3A_23 = arith.constant 0 : i32
        %dma_start3A_24 = tpu.memref_slice %arg10[%dma_start3A_22, %dma_start3A_23] : memref<10240x128xf32, #tpu.memory_space<vmem_shared>> -> memref<10240x128xf32, #tpu.memory_space<vmem_shared>>
        tpu.enqueue_indirect_dma source(%arg7 : memref<128x128xf32, #tpu.memory_space<vmem>>) target(%dma_start3A_24 : memref<10240x128xf32, #tpu.memory_space<vmem_shared>>) offsets(%arg9 : memref<128xi32, #tpu.memory_space<vmem>>) semaphore(%run_scoped3A : memref<!tpu.dma_semaphore, #tpu.memory_space<semaphore_mem>>) {add = true}
        %dma_wait3A_25 = arith.constant 0 : i32
        %dma_wait3A_26 = arith.constant 0 : i32
        %dma_wait3A_27 = tpu.memref_slice %arg10[%dma_wait3A_25, %dma_wait3A_26] : memref<10240x128xf32, #tpu.memory_space<vmem_shared>> -> memref<10240x128xf32, #tpu.memory_space<vmem_shared>>
        tpu.wait_indirect_dma semaphore(%run_scoped3A : memref<!tpu.dma_semaphore, #tpu.memory_space<semaphore_mem>>) src(%arg7 : memref<128x128xf32, #tpu.memory_space<vmem>>) dst(%dma_wait3A_27 : memref<10240x128xf32, #tpu.memory_space<vmem_shared>>)
        tpu.yield
      }) : () -> ()
    }
    %scan3A_9 = arith.constant 157 : i32
    %barrier3A_10 = arith.constant 0 : index
    tpu.barrier barrier_id(%barrier3A_10)
    %mul3A_11 = arith.constant 10240 : i32
    %mul3A_12 = arith.muli %arg0, %mul3A_11 : i32
    %add3A_13 = arith.addi %mul3A_12, %mul3A_0 : i32
    "tpu.region"() ({
      %run_scoped3A = tpu.sem_alloc : memref<!tpu.dma_semaphore, #tpu.memory_space<semaphore_mem>>
      %dma_start3A = arith.constant 0 : i32
      %dma_start3A_14 = tpu.memref_slice %arg6[%add3A_13, %dma_start3A] : memref<20480x128xf32, #tpu.memory_space<hbm>> -> memref<640x128xf32, #tpu.memory_space<hbm>>
      %dma_start3A_15 = arith.constant 0 : i32
      %dma_start3A_16 = tpu.memref_slice %arg10[%mul3A_0, %dma_start3A_15] : memref<10240x128xf32, #tpu.memory_space<vmem_shared>> -> memref<640x128xf32, #tpu.memory_space<vmem_shared>>
      tpu.enqueue_dma source(%dma_start3A_16 : memref<640x128xf32, #tpu.memory_space<vmem_shared>>) target(%dma_start3A_14 : memref<640x128xf32, #tpu.memory_space<hbm>>) target_semaphore(%run_scoped3A : memref<!tpu.dma_semaphore, #tpu.memory_space<semaphore_mem>>)
      %dma_wait3A = arith.constant 0 : i32
      %dma_wait3A_17 = tpu.memref_slice %arg6[%add3A_13, %dma_wait3A] : memref<20480x128xf32, #tpu.memory_space<hbm>> -> memref<640x128xf32, #tpu.memory_space<hbm>>
      %dma_wait3A_18 = arith.constant 0 : i32
      %dma_wait3A_19 = tpu.memref_slice %arg10[%mul3A_0, %dma_wait3A_18] : memref<10240x128xf32, #tpu.memory_space<vmem_shared>> -> memref<640x128xf32, #tpu.memory_space<vmem_shared>>
      tpu.wait_dma2 semaphore(%run_scoped3A : memref<!tpu.dma_semaphore, #tpu.memory_space<semaphore_mem>>) src(%dma_wait3A_19 : memref<640x128xf32, #tpu.memory_space<vmem_shared>>) dst(%dma_wait3A_17 : memref<640x128xf32, #tpu.memory_space<hbm>>)
      tpu.yield
    }) : () -> ()
    return
  }
}

#map = affine_map<(d0, d1) -> (0, 0)>
#map1 = affine_map<(d0, d1) -> (0)>
module attributes {stable_mosaic.version = 14 : i64} {
  func.func @body(%arg0: i32, %arg1: i32, %arg2: memref<10000x128xf32, #tpu.memory_space<hbm>>, %arg3: memref<643072xi32, #tpu.memory_space<hbm>>, %arg4: memref<643072xi32, #tpu.memory_space<hbm>>, %arg5: memref<640x128xf32, #tpu.memory_space<hbm>>, %arg6: memref<20480x128xf32, #tpu.memory_space<hbm>>, %arg7: memref<128x128xf32, #tpu.memory_space<vmem>>, %arg8: memref<128xi32, #tpu.memory_space<vmem>>, %arg9: memref<128xi32, #tpu.memory_space<vmem>>, %arg10: memref<10240x128xf32, #tpu.memory_space<vmem_shared>>, %arg11: memref<!tpu.dma_semaphore, #tpu.memory_space<semaphore_mem>>) attributes {dimension_semantics = [#tpu.dimension_semantics<core_parallel>, #tpu.dimension_semantics<subcore_parallel>], iteration_bounds = array<i64: 2, 16>, scalar_prefetch = 0 : i64, scratch_operands = 5 : i64, tpu.core_type = #tpu.core_type<sc_vector_subcore>, window_params = [{transform_indices = #map}, {transform_indices = #map1}, {transform_indices = #map1}, {transform_indices = #map}, {transform_indices = #map}]} {
    %mul3A = arith.constant 640 : i32
    %mul3A_0 = arith.muli %arg1, %mul3A : i32
    "tpu.region"() ({
      %run_scoped3A = tpu.sem_alloc : memref<!tpu.dma_semaphore, #tpu.memory_space<semaphore_mem>>
      %dma_start3A = arith.constant 0 : i32
      %dma_start3A_14 = tpu.memref_slice %arg10[%mul3A_0, %dma_start3A] : memref<10240x128xf32, #tpu.memory_space<vmem_shared>> -> memref<640x128xf32, #tpu.memory_space<vmem_shared>>
      tpu.enqueue_dma source(%arg5 : memref<640x128xf32, #tpu.memory_space<hbm>>) target(%dma_start3A_14 : memref<640x128xf32, #tpu.memory_space<vmem_shared>>) target_semaphore(%run_scoped3A : memref<!tpu.dma_semaphore, #tpu.memory_space<semaphore_mem>>)
      %dma_wait3A = arith.constant 0 : i32
      %dma_wait3A_15 = tpu.memref_slice %arg10[%mul3A_0, %dma_wait3A] : memref<10240x128xf32, #tpu.memory_space<vmem_shared>> -> memref<640x128xf32, #tpu.memory_space<vmem_shared>>
      tpu.wait_dma2 semaphore(%run_scoped3A : memref<!tpu.dma_semaphore, #tpu.memory_space<semaphore_mem>>) src(%arg5 : memref<640x128xf32, #tpu.memory_space<hbm>>) dst(%dma_wait3A_15 : memref<640x128xf32, #tpu.memory_space<vmem_shared>>)
      tpu.yield
    }) : () -> ()
    %barrier3A = arith.constant 0 : index
    tpu.barrier barrier_id(%barrier3A)
    %mul3A_1 = arith.constant 321536 : i32
    %mul3A_2 = arith.muli %arg0, %mul3A_1 : i32
    %mul3A_3 = arith.constant 20096 : i32
    %mul3A_4 = arith.muli %arg1, %mul3A_3 : i32
    %add3A = arith.addi %mul3A_2, %mul3A_4 : i32
    %scan3A = arith.constant 0 : i32
    %scan3A_5 = arith.constant 0 : i32
    %scan3A_6 = arith.constant 157 : i32
    %scan3A_7 = arith.addi %scan3A_5, %scan3A_6 : i32
    %scan3A_8 = arith.constant 1 : i32
    scf.for %scan3A_14 = %scan3A_5 to %scan3A_7 step %scan3A_8  : i32 {
      %mul3A_15 = arith.constant 128 : i32
      %mul3A_16 = arith.muli %scan3A_14, %mul3A_15 : i32
      %add3A_17 = arith.addi %add3A, %mul3A_16 : i32
      "tpu.region"() ({
        %run_scoped3A = tpu.sem_alloc : memref<!tpu.dma_semaphore, #tpu.memory_space<semaphore_mem>>
        %dma_start3A_22 = tpu.memref_slice %arg3[%add3A_17] : memref<643072xi32, #tpu.memory_space<hbm>> -> memref<128xi32, #tpu.memory_space<hbm>>
        %dma_start3A_23 = tpu.memref_slice %arg3[%add3A_17] : memref<643072xi32, #tpu.memory_space<hbm>> -> memref<128xi32, #tpu.memory_space<hbm>>
        tpu.enqueue_dma source(%dma_start3A_23 : memref<128xi32, #tpu.memory_space<hbm>>) target(%arg8 : memref<128xi32, #tpu.memory_space<vmem>>) target_semaphore(%run_scoped3A : memref<!tpu.dma_semaphore, #tpu.memory_space<semaphore_mem>>)
        %dma_wait3A_24 = tpu.memref_slice %arg3[%add3A_17] : memref<643072xi32, #tpu.memory_space<hbm>> -> memref<128xi32, #tpu.memory_space<hbm>>
        %dma_wait3A_25 = tpu.memref_slice %arg3[%add3A_17] : memref<643072xi32, #tpu.memory_space<hbm>> -> memref<128xi32, #tpu.memory_space<hbm>>
        tpu.wait_dma2 semaphore(%run_scoped3A : memref<!tpu.dma_semaphore, #tpu.memory_space<semaphore_mem>>) src(%dma_wait3A_25 : memref<128xi32, #tpu.memory_space<hbm>>) dst(%arg8 : memref<128xi32, #tpu.memory_space<vmem>>)
        tpu.yield
      }) : () -> ()
      "tpu.region"() ({
        %run_scoped3A = tpu.sem_alloc : memref<!tpu.dma_semaphore, #tpu.memory_space<semaphore_mem>>
        %dma_start3A_22 = tpu.memref_slice %arg4[%add3A_17] : memref<643072xi32, #tpu.memory_space<hbm>> -> memref<128xi32, #tpu.memory_space<hbm>>
        %dma_start3A_23 = tpu.memref_slice %arg4[%add3A_17] : memref<643072xi32, #tpu.memory_space<hbm>> -> memref<128xi32, #tpu.memory_space<hbm>>
        tpu.enqueue_dma source(%dma_start3A_23 : memref<128xi32, #tpu.memory_space<hbm>>) target(%arg9 : memref<128xi32, #tpu.memory_space<vmem>>) target_semaphore(%run_scoped3A : memref<!tpu.dma_semaphore, #tpu.memory_space<semaphore_mem>>)
        %dma_wait3A_24 = tpu.memref_slice %arg4[%add3A_17] : memref<643072xi32, #tpu.memory_space<hbm>> -> memref<128xi32, #tpu.memory_space<hbm>>
        %dma_wait3A_25 = tpu.memref_slice %arg4[%add3A_17] : memref<643072xi32, #tpu.memory_space<hbm>> -> memref<128xi32, #tpu.memory_space<hbm>>
        tpu.wait_dma2 semaphore(%run_scoped3A : memref<!tpu.dma_semaphore, #tpu.memory_space<semaphore_mem>>) src(%dma_wait3A_25 : memref<128xi32, #tpu.memory_space<hbm>>) dst(%arg9 : memref<128xi32, #tpu.memory_space<vmem>>)
        tpu.yield
      }) : () -> ()
      %dma_start3A = arith.constant 0 : i32
      %dma_start3A_18 = arith.constant 0 : i32
      %dma_start3A_19 = tpu.memref_slice %arg2[%dma_start3A, %dma_start3A_18] : memref<10000x128xf32, #tpu.memory_space<hbm>> -> memref<10000x128xf32, #tpu.memory_space<hbm>>
      tpu.enqueue_indirect_dma source(%dma_start3A_19 : memref<10000x128xf32, #tpu.memory_space<hbm>>) target(%arg7 : memref<128x128xf32, #tpu.memory_space<vmem>>) offsets(%arg8 : memref<128xi32, #tpu.memory_space<vmem>>) semaphore(%arg11 : memref<!tpu.dma_semaphore, #tpu.memory_space<semaphore_mem>>)
      %dma_wait3A = arith.constant 0 : i32
      %dma_wait3A_20 = arith.constant 0 : i32
      %dma_wait3A_21 = tpu.memref_slice %arg2[%dma_wait3A, %dma_wait3A_20] : memref<10000x128xf32, #tpu.memory_space<hbm>> -> memref<10000x128xf32, #tpu.memory_space<hbm>>
      tpu.wait_indirect_dma semaphore(%arg11 : memref<!tpu.dma_semaphore, #tpu.memory_space<semaphore_mem>>) src(%dma_wait3A_21 : memref<10000x128xf32, #tpu.memory_space<hbm>>) dst(%arg7 : memref<128x128xf32, #tpu.memory_space<vmem>>)
      "tpu.region"() ({
        %run_scoped3A = tpu.sem_alloc : memref<!tpu.dma_semaphore, #tpu.memory_space<semaphore_mem>>
        %dma_start3A_22 = arith.constant 0 : i32
        %dma_start3A_23 = arith.constant 0 : i32
        %dma_start3A_24 = tpu.memref_slice %arg10[%dma_start3A_22, %dma_start3A_23] : memref<10240x128xf32, #tpu.memory_space<vmem_shared>> -> memref<10240x128xf32, #tpu.memory_space<vmem_shared>>
        tpu.enqueue_indirect_dma source(%arg7 : memref<128x128xf32, #tpu.memory_space<vmem>>) target(%dma_start3A_24 : memref<10240x128xf32, #tpu.memory_space<vmem_shared>>) offsets(%arg9 : memref<128xi32, #tpu.memory_space<vmem>>) semaphore(%run_scoped3A : memref<!tpu.dma_semaphore, #tpu.memory_space<semaphore_mem>>) {add = true}
        %dma_wait3A_25 = arith.constant 0 : i32
        %dma_wait3A_26 = arith.constant 0 : i32
        %dma_wait3A_27 = tpu.memref_slice %arg10[%dma_wait3A_25, %dma_wait3A_26] : memref<10240x128xf32, #tpu.memory_space<vmem_shared>> -> memref<10240x128xf32, #tpu.memory_space<vmem_shared>>
        tpu.wait_indirect_dma semaphore(%run_scoped3A : memref<!tpu.dma_semaphore, #tpu.memory_space<semaphore_mem>>) src(%arg7 : memref<128x128xf32, #tpu.memory_space<vmem>>) dst(%dma_wait3A_27 : memref<10240x128xf32, #tpu.memory_space<vmem_shared>>)
        tpu.yield
      }) : () -> ()
    }
    %scan3A_9 = arith.constant 157 : i32
    %barrier3A_10 = arith.constant 0 : index
    tpu.barrier barrier_id(%barrier3A_10)
    %mul3A_11 = arith.constant 10240 : i32
    %mul3A_12 = arith.muli %arg0, %mul3A_11 : i32
    %add3A_13 = arith.addi %mul3A_12, %mul3A_0 : i32
    "tpu.region"() ({
      %run_scoped3A = tpu.sem_alloc : memref<!tpu.dma_semaphore, #tpu.memory_space<semaphore_mem>>
      %dma_start3A = arith.constant 0 : i32
      %dma_start3A_14 = tpu.memref_slice %arg6[%add3A_13, %dma_start3A] : memref<20480x128xf32, #tpu.memory_space<hbm>> -> memref<640x128xf32, #tpu.memory_space<hbm>>
      %dma_start3A_15 = arith.constant 0 : i32
      %dma_start3A_16 = tpu.memref_slice %arg10[%mul3A_0, %dma_start3A_15] : memref<10240x128xf32, #tpu.memory_space<vmem_shared>> -> memref<640x128xf32, #tpu.memory_space<vmem_shared>>
      tpu.enqueue_dma source(%dma_start3A_16 : memref<640x128xf32, #tpu.memory_space<vmem_shared>>) target(%dma_start3A_14 : memref<640x128xf32, #tpu.memory_space<hbm>>) target_semaphore(%run_scoped3A : memref<!tpu.dma_semaphore, #tpu.memory_space<semaphore_mem>>)
      %dma_wait3A = arith.constant 0 : i32
      %dma_wait3A_17 = tpu.memref_slice %arg6[%add3A_13, %dma_wait3A] : memref<20480x128xf32, #tpu.memory_space<hbm>> -> memref<640x128xf32, #tpu.memory_space<hbm>>
      %dma_wait3A_18 = arith.constant 0 : i32
      %dma_wait3A_19 = tpu.memref_slice %arg10[%mul3A_0, %dma_wait3A_18] : memref<10240x128xf32, #tpu.memory_space<vmem_shared>> -> memref<640x128xf32, #tpu.memory_space<vmem_shared>>
      tpu.wait_dma2 semaphore(%run_scoped3A : memref<!tpu.dma_semaphore, #tpu.memory_space<semaphore_mem>>) src(%dma_wait3A_19 : memref<640x128xf32, #tpu.memory_space<vmem_shared>>) dst(%dma_wait3A_17 : memref<640x128xf32, #tpu.memory_space<hbm>>)
      tpu.yield
    }) : () -> ()
    return
  }
}

#map = affine_map<(d0, d1) -> (0, 0)>
#map1 = affine_map<(d0, d1) -> (0)>
module attributes {stable_mosaic.version = 14 : i64} {
  func.func @body(%arg0: i32, %arg1: i32, %arg2: memref<10000x128xf32, #tpu.memory_space<hbm>>, %arg3: memref<643072xi32, #tpu.memory_space<hbm>>, %arg4: memref<643072xi32, #tpu.memory_space<hbm>>, %arg5: memref<640x128xf32, #tpu.memory_space<hbm>>, %arg6: memref<20480x128xf32, #tpu.memory_space<hbm>>, %arg7: memref<128x128xf32, #tpu.memory_space<vmem>>, %arg8: memref<128xi32, #tpu.memory_space<vmem>>, %arg9: memref<128xi32, #tpu.memory_space<vmem>>, %arg10: memref<10240x128xf32, #tpu.memory_space<vmem_shared>>, %arg11: memref<!tpu.dma_semaphore, #tpu.memory_space<semaphore_mem>>) attributes {dimension_semantics = [#tpu.dimension_semantics<core_parallel>, #tpu.dimension_semantics<subcore_parallel>], iteration_bounds = array<i64: 2, 16>, scalar_prefetch = 0 : i64, scratch_operands = 5 : i64, tpu.core_type = #tpu.core_type<sc_vector_subcore>, window_params = [{transform_indices = #map}, {transform_indices = #map1}, {transform_indices = #map1}, {transform_indices = #map}, {transform_indices = #map}]} {
    %mul3A = arith.constant 640 : i32
    %mul3A_0 = arith.muli %arg1, %mul3A : i32
    "tpu.region"() ({
      %run_scoped3A = tpu.sem_alloc : memref<!tpu.dma_semaphore, #tpu.memory_space<semaphore_mem>>
      %dma_start3A = arith.constant 0 : i32
      %dma_start3A_14 = tpu.memref_slice %arg10[%mul3A_0, %dma_start3A] : memref<10240x128xf32, #tpu.memory_space<vmem_shared>> -> memref<640x128xf32, #tpu.memory_space<vmem_shared>>
      tpu.enqueue_dma source(%arg5 : memref<640x128xf32, #tpu.memory_space<hbm>>) target(%dma_start3A_14 : memref<640x128xf32, #tpu.memory_space<vmem_shared>>) target_semaphore(%run_scoped3A : memref<!tpu.dma_semaphore, #tpu.memory_space<semaphore_mem>>)
      %dma_wait3A = arith.constant 0 : i32
      %dma_wait3A_15 = tpu.memref_slice %arg10[%mul3A_0, %dma_wait3A] : memref<10240x128xf32, #tpu.memory_space<vmem_shared>> -> memref<640x128xf32, #tpu.memory_space<vmem_shared>>
      tpu.wait_dma2 semaphore(%run_scoped3A : memref<!tpu.dma_semaphore, #tpu.memory_space<semaphore_mem>>) src(%arg5 : memref<640x128xf32, #tpu.memory_space<hbm>>) dst(%dma_wait3A_15 : memref<640x128xf32, #tpu.memory_space<vmem_shared>>)
      tpu.yield
    }) : () -> ()
    %barrier3A = arith.constant 0 : index
    tpu.barrier barrier_id(%barrier3A)
    %mul3A_1 = arith.constant 321536 : i32
    %mul3A_2 = arith.muli %arg0, %mul3A_1 : i32
    %mul3A_3 = arith.constant 20096 : i32
    %mul3A_4 = arith.muli %arg1, %mul3A_3 : i32
    %add3A = arith.addi %mul3A_2, %mul3A_4 : i32
    %scan3A = arith.constant 0 : i32
    %scan3A_5 = arith.constant 0 : i32
    %scan3A_6 = arith.constant 157 : i32
    %scan3A_7 = arith.addi %scan3A_5, %scan3A_6 : i32
    %scan3A_8 = arith.constant 1 : i32
    scf.for %scan3A_14 = %scan3A_5 to %scan3A_7 step %scan3A_8  : i32 {
      %mul3A_15 = arith.constant 128 : i32
      %mul3A_16 = arith.muli %scan3A_14, %mul3A_15 : i32
      %add3A_17 = arith.addi %add3A, %mul3A_16 : i32
      "tpu.region"() ({
        %run_scoped3A = tpu.sem_alloc : memref<!tpu.dma_semaphore, #tpu.memory_space<semaphore_mem>>
        %dma_start3A_22 = tpu.memref_slice %arg3[%add3A_17] : memref<643072xi32, #tpu.memory_space<hbm>> -> memref<128xi32, #tpu.memory_space<hbm>>
        %dma_start3A_23 = tpu.memref_slice %arg3[%add3A_17] : memref<643072xi32, #tpu.memory_space<hbm>> -> memref<128xi32, #tpu.memory_space<hbm>>
        tpu.enqueue_dma source(%dma_start3A_23 : memref<128xi32, #tpu.memory_space<hbm>>) target(%arg8 : memref<128xi32, #tpu.memory_space<vmem>>) target_semaphore(%run_scoped3A : memref<!tpu.dma_semaphore, #tpu.memory_space<semaphore_mem>>)
        %dma_wait3A_24 = tpu.memref_slice %arg3[%add3A_17] : memref<643072xi32, #tpu.memory_space<hbm>> -> memref<128xi32, #tpu.memory_space<hbm>>
        %dma_wait3A_25 = tpu.memref_slice %arg3[%add3A_17] : memref<643072xi32, #tpu.memory_space<hbm>> -> memref<128xi32, #tpu.memory_space<hbm>>
        tpu.wait_dma2 semaphore(%run_scoped3A : memref<!tpu.dma_semaphore, #tpu.memory_space<semaphore_mem>>) src(%dma_wait3A_25 : memref<128xi32, #tpu.memory_space<hbm>>) dst(%arg8 : memref<128xi32, #tpu.memory_space<vmem>>)
        tpu.yield
      }) : () -> ()
      "tpu.region"() ({
        %run_scoped3A = tpu.sem_alloc : memref<!tpu.dma_semaphore, #tpu.memory_space<semaphore_mem>>
        %dma_start3A_22 = tpu.memref_slice %arg4[%add3A_17] : memref<643072xi32, #tpu.memory_space<hbm>> -> memref<128xi32, #tpu.memory_space<hbm>>
        %dma_start3A_23 = tpu.memref_slice %arg4[%add3A_17] : memref<643072xi32, #tpu.memory_space<hbm>> -> memref<128xi32, #tpu.memory_space<hbm>>
        tpu.enqueue_dma source(%dma_start3A_23 : memref<128xi32, #tpu.memory_space<hbm>>) target(%arg9 : memref<128xi32, #tpu.memory_space<vmem>>) target_semaphore(%run_scoped3A : memref<!tpu.dma_semaphore, #tpu.memory_space<semaphore_mem>>)
        %dma_wait3A_24 = tpu.memref_slice %arg4[%add3A_17] : memref<643072xi32, #tpu.memory_space<hbm>> -> memref<128xi32, #tpu.memory_space<hbm>>
        %dma_wait3A_25 = tpu.memref_slice %arg4[%add3A_17] : memref<643072xi32, #tpu.memory_space<hbm>> -> memref<128xi32, #tpu.memory_space<hbm>>
        tpu.wait_dma2 semaphore(%run_scoped3A : memref<!tpu.dma_semaphore, #tpu.memory_space<semaphore_mem>>) src(%dma_wait3A_25 : memref<128xi32, #tpu.memory_space<hbm>>) dst(%arg9 : memref<128xi32, #tpu.memory_space<vmem>>)
        tpu.yield
      }) : () -> ()
      %dma_start3A = arith.constant 0 : i32
      %dma_start3A_18 = arith.constant 0 : i32
      %dma_start3A_19 = tpu.memref_slice %arg2[%dma_start3A, %dma_start3A_18] : memref<10000x128xf32, #tpu.memory_space<hbm>> -> memref<10000x128xf32, #tpu.memory_space<hbm>>
      tpu.enqueue_indirect_dma source(%dma_start3A_19 : memref<10000x128xf32, #tpu.memory_space<hbm>>) target(%arg7 : memref<128x128xf32, #tpu.memory_space<vmem>>) offsets(%arg8 : memref<128xi32, #tpu.memory_space<vmem>>) semaphore(%arg11 : memref<!tpu.dma_semaphore, #tpu.memory_space<semaphore_mem>>)
      %dma_wait3A = arith.constant 0 : i32
      %dma_wait3A_20 = arith.constant 0 : i32
      %dma_wait3A_21 = tpu.memref_slice %arg2[%dma_wait3A, %dma_wait3A_20] : memref<10000x128xf32, #tpu.memory_space<hbm>> -> memref<10000x128xf32, #tpu.memory_space<hbm>>
      tpu.wait_indirect_dma semaphore(%arg11 : memref<!tpu.dma_semaphore, #tpu.memory_space<semaphore_mem>>) src(%dma_wait3A_21 : memref<10000x128xf32, #tpu.memory_space<hbm>>) dst(%arg7 : memref<128x128xf32, #tpu.memory_space<vmem>>)
      "tpu.region"() ({
        %run_scoped3A = tpu.sem_alloc : memref<!tpu.dma_semaphore, #tpu.memory_space<semaphore_mem>>
        %dma_start3A_22 = arith.constant 0 : i32
        %dma_start3A_23 = arith.constant 0 : i32
        %dma_start3A_24 = tpu.memref_slice %arg10[%dma_start3A_22, %dma_start3A_23] : memref<10240x128xf32, #tpu.memory_space<vmem_shared>> -> memref<10240x128xf32, #tpu.memory_space<vmem_shared>>
        tpu.enqueue_indirect_dma source(%arg7 : memref<128x128xf32, #tpu.memory_space<vmem>>) target(%dma_start3A_24 : memref<10240x128xf32, #tpu.memory_space<vmem_shared>>) offsets(%arg9 : memref<128xi32, #tpu.memory_space<vmem>>) semaphore(%run_scoped3A : memref<!tpu.dma_semaphore, #tpu.memory_space<semaphore_mem>>) {add = true}
        %dma_wait3A_25 = arith.constant 0 : i32
        %dma_wait3A_26 = arith.constant 0 : i32
        %dma_wait3A_27 = tpu.memref_slice %arg10[%dma_wait3A_25, %dma_wait3A_26] : memref<10240x128xf32, #tpu.memory_space<vmem_shared>> -> memref<10240x128xf32, #tpu.memory_space<vmem_shared>>
        tpu.wait_indirect_dma semaphore(%run_scoped3A : memref<!tpu.dma_semaphore, #tpu.memory_space<semaphore_mem>>) src(%arg7 : memref<128x128xf32, #tpu.memory_space<vmem>>) dst(%dma_wait3A_27 : memref<10240x128xf32, #tpu.memory_space<vmem_shared>>)
        tpu.yield
      }) : () -> ()
    }
    %scan3A_9 = arith.constant 157 : i32
    %barrier3A_10 = arith.constant 0 : index
    tpu.barrier barrier_id(%barrier3A_10)
    %mul3A_11 = arith.constant 10240 : i32
    %mul3A_12 = arith.muli %arg0, %mul3A_11 : i32
    %add3A_13 = arith.addi %mul3A_12, %mul3A_0 : i32
    "tpu.region"() ({
      %run_scoped3A = tpu.sem_alloc : memref<!tpu.dma_semaphore, #tpu.memory_space<semaphore_mem>>
      %dma_start3A = arith.constant 0 : i32
      %dma_start3A_14 = tpu.memref_slice %arg6[%add3A_13, %dma_start3A] : memref<20480x128xf32, #tpu.memory_space<hbm>> -> memref<640x128xf32, #tpu.memory_space<hbm>>
      %dma_start3A_15 = arith.constant 0 : i32
      %dma_start3A_16 = tpu.memref_slice %arg10[%mul3A_0, %dma_start3A_15] : memref<10240x128xf32, #tpu.memory_space<vmem_shared>> -> memref<640x128xf32, #tpu.memory_space<vmem_shared>>
      tpu.enqueue_dma source(%dma_start3A_16 : memref<640x128xf32, #tpu.memory_space<vmem_shared>>) target(%dma_start3A_14 : memref<640x128xf32, #tpu.memory_space<hbm>>) target_semaphore(%run_scoped3A : memref<!tpu.dma_semaphore, #tpu.memory_space<semaphore_mem>>)
      %dma_wait3A = arith.constant 0 : i32
      %dma_wait3A_17 = tpu.memref_slice %arg6[%add3A_13, %dma_wait3A] : memref<20480x128xf32, #tpu.memory_space<hbm>> -> memref<640x128xf32, #tpu.memory_space<hbm>>
      %dma_wait3A_18 = arith.constant 0 : i32
      %dma_wait3A_19 = tpu.memref_slice %arg10[%mul3A_0, %dma_wait3A_18] : memref<10240x128xf32, #tpu.memory_space<vmem_shared>> -> memref<640x128xf32, #tpu.memory_space<vmem_shared>>
      tpu.wait_dma2 semaphore(%run_scoped3A : memref<!tpu.dma_semaphore, #tpu.memory_space<semaphore_mem>>) src(%dma_wait3A_19 : memref<640x128xf32, #tpu.memory_space<vmem_shared>>) dst(%dma_wait3A_17 : memref<640x128xf32, #tpu.memory_space<hbm>>)
      tpu.yield
    }) : () -> ()
    return
  }
}

module attributes {stable_mosaic.version = 14 : i64} {
  func.func @_tc_body(%arg0: i32, %arg1: memref<400x128xf32, #tpu.memory_space<vmem>>, %arg2: memref<400x128xf32, #tpu.memory_space<vmem>>, %arg3: memref<400x128xf32, #tpu.memory_space<vmem>>, %arg4: memref<400x128xf32, #tpu.memory_space<vmem>>, %arg5: memref<400x128xf32, #tpu.memory_space<vmem>>, %arg6: memref<128x128xf32, #tpu.memory_space<vmem>>, %arg7: memref<1x128xf32, #tpu.memory_space<vmem>>, %arg8: memref<128x128xf32, #tpu.memory_space<vmem>>, %arg9: memref<128x128xf32, #tpu.memory_space<vmem>>, %arg10: memref<1x128xf32, #tpu.memory_space<vmem>>, %arg11: memref<128x16xf32, #tpu.memory_space<vmem>>, %arg12: memref<1x16xf32, #tpu.memory_space<vmem>>, %arg13: memref<1x16xf32, #tpu.memory_space<vmem>>, %arg14: memref<1x128xf32, #tpu.memory_space<vmem>>, %arg15: memref<1x128xf32, #tpu.memory_space<vmem>>, %arg16: memref<1x128xf32, #tpu.memory_space<vmem>>, %arg17: memref<400x128xf32, #tpu.memory_space<vmem>>, %arg18: memref<400x128xf32, #tpu.memory_space<vmem>>) attributes {dimension_semantics = [#tpu.dimension_semantics<arbitrary>], iteration_bounds = array<i64: 25>, scalar_prefetch = 0 : i64, scratch_operands = 0 : i64, tpu.core_type = #tpu.core_type<tc>, window_params = [{transform_indices = @transform_0, window_bounds = array<i64: 400, 128>}, {transform_indices = @transform_1, window_bounds = array<i64: 400, 128>}, {transform_indices = @transform_2, window_bounds = array<i64: 400, 128>}, {transform_indices = @transform_3, window_bounds = array<i64: 400, 128>}, {transform_indices = @transform_4, window_bounds = array<i64: 400, 128>}, {pipeline_mode = #tpu.pipeline_mode<synchronous>, transform_indices = @transform_5, window_bounds = array<i64: 128, 128>}, {pipeline_mode = #tpu.pipeline_mode<synchronous>, transform_indices = @transform_6, window_bounds = array<i64: 1, 128>}, {pipeline_mode = #tpu.pipeline_mode<synchronous>, transform_indices = @transform_7, window_bounds = array<i64: 128, 128>}, {pipeline_mode = #tpu.pipeline_mode<synchronous>, transform_indices = @transform_8, window_bounds = array<i64: 128, 128>}, {pipeline_mode = #tpu.pipeline_mode<synchronous>, transform_indices = @transform_9, window_bounds = array<i64: 1, 128>}, {pipeline_mode = #tpu.pipeline_mode<synchronous>, transform_indices = @transform_10, window_bounds = array<i64: 128, 16>}, {pipeline_mode = #tpu.pipeline_mode<synchronous>, transform_indices = @transform_11, window_bounds = array<i64: 1, 16>}, {pipeline_mode = #tpu.pipeline_mode<synchronous>, transform_indices = @transform_12, window_bounds = array<i64: 1, 16>}, {pipeline_mode = #tpu.pipeline_mode<synchronous>, transform_indices = @transform_13, window_bounds = array<i64: 1, 128>}, {pipeline_mode = #tpu.pipeline_mode<synchronous>, transform_indices = @transform_14, window_bounds = array<i64: 1, 128>}, {pipeline_mode = #tpu.pipeline_mode<synchronous>, transform_indices = @transform_15, window_bounds = array<i64: 1, 128>}, {transform_indices = @transform_16, window_bounds = array<i64: 400, 128>}, {transform_indices = @transform_17, window_bounds = array<i64: 400, 128>}]} {
    %get3A = arith.constant 0 : index
    %get3A_0 = arith.constant 0 : index
    %get3A_1 = vector.load %arg1[%get3A, %get3A_0] : memref<400x128xf32, #tpu.memory_space<vmem>>, vector<400x128xf32>
    %get3A_2 = arith.constant 0 : index
    %get3A_3 = arith.constant 0 : index
    %get3A_4 = vector.load %arg2[%get3A_2, %get3A_3] : memref<400x128xf32, #tpu.memory_space<vmem>>, vector<400x128xf32>
    %get3A_5 = arith.constant 0 : index
    %get3A_6 = arith.constant 0 : index
    %get3A_7 = vector.load %arg3[%get3A_5, %get3A_6] : memref<400x128xf32, #tpu.memory_space<vmem>>, vector<400x128xf32>
    %get3A_8 = arith.constant 0 : index
    %get3A_9 = arith.constant 0 : index
    %get3A_10 = vector.load %arg4[%get3A_8, %get3A_9] : memref<400x128xf32, #tpu.memory_space<vmem>>, vector<400x128xf32>
    %get3A_11 = arith.constant 0 : index
    %get3A_12 = arith.constant 0 : index
    %get3A_13 = vector.load %arg5[%get3A_11, %get3A_12] : memref<400x128xf32, #tpu.memory_space<vmem>>, vector<400x128xf32>
    %get3A_14 = arith.constant 0 : index
    %get3A_15 = arith.constant 0 : index
    %get3A_16 = vector.load %arg6[%get3A_14, %get3A_15] : memref<128x128xf32, #tpu.memory_space<vmem>>, vector<128x128xf32>
    %get3A_17 = arith.constant 0 : index
    %get3A_18 = arith.constant 0 : index
    %get3A_19 = vector.load %arg7[%get3A_17, %get3A_18] : memref<1x128xf32, #tpu.memory_space<vmem>>, vector<1x128xf32>
    %get3A_20 = arith.constant 0 : index
    %get3A_21 = arith.constant 0 : index
    %get3A_22 = vector.load %arg8[%get3A_20, %get3A_21] : memref<128x128xf32, #tpu.memory_space<vmem>>, vector<128x128xf32>
    %get3A_23 = arith.constant 0 : index
    %get3A_24 = arith.constant 0 : index
    %get3A_25 = vector.load %arg9[%get3A_23, %get3A_24] : memref<128x128xf32, #tpu.memory_space<vmem>>, vector<128x128xf32>
    %get3A_26 = arith.constant 0 : index
    %get3A_27 = arith.constant 0 : index
    %get3A_28 = vector.load %arg10[%get3A_26, %get3A_27] : memref<1x128xf32, #tpu.memory_space<vmem>>, vector<1x128xf32>
    %get3A_29 = arith.constant 0 : index
    %get3A_30 = arith.constant 0 : index
    %get3A_31 = vector.load %arg11[%get3A_29, %get3A_30] : memref<128x16xf32, #tpu.memory_space<vmem>>, vector<128x16xf32>
    %get3A_32 = arith.constant 0 : index
    %get3A_33 = arith.constant 0 : index
    %get3A_34 = vector.load %arg12[%get3A_32, %get3A_33] : memref<1x16xf32, #tpu.memory_space<vmem>>, vector<1x16xf32>
    %get3A_35 = arith.constant 0 : index
    %get3A_36 = arith.constant 0 : index
    %get3A_37 = vector.load %arg13[%get3A_35, %get3A_36] : memref<1x16xf32, #tpu.memory_space<vmem>>, vector<1x16xf32>
    %get3A_38 = arith.constant 0 : index
    %get3A_39 = arith.constant 0 : index
    %get3A_40 = vector.load %arg14[%get3A_38, %get3A_39] : memref<1x128xf32, #tpu.memory_space<vmem>>, vector<1x128xf32>
    %get3A_41 = arith.constant 0 : index
    %get3A_42 = arith.constant 0 : index
    %get3A_43 = vector.load %arg15[%get3A_41, %get3A_42] : memref<1x128xf32, #tpu.memory_space<vmem>>, vector<1x128xf32>
    %get3A_44 = arith.constant 0 : index
    %get3A_45 = arith.constant 0 : index
    %get3A_46 = vector.load %arg16[%get3A_44, %get3A_45] : memref<1x128xf32, #tpu.memory_space<vmem>>, vector<1x128xf32>
    %slice3A = vector.extract_strided_slice %get3A_10 {offsets = [0, 0], sizes = [400, 1], strides = [1, 1]} : vector<400x128xf32> to vector<400x1xf32>
    %slice3A_47 = vector.extract_strided_slice %get3A_13 {offsets = [0, 0], sizes = [400, 1], strides = [1, 1]} : vector<400x128xf32> to vector<400x1xf32>
    %dot_general3A = arith.constant dense<0.000000e+00> : vector<400x128xf32>
    %dot_general3A_48 = tpu.matmul %get3A_1, %get3A_22, %dot_general3A {dimension_numbers = #tpu.dot_dimension_numbers<[1], [0], [0], [1], [0, 0, 1, 1], [], []>, transpose_lhs_hint = false} : vector<400x128xf32>, vector<128x128xf32>, vector<400x128xf32> -> vector<400x128xf32>
    %dot_general3A_49 = arith.constant dense<0.000000e+00> : vector<400x128xf32>
    %dot_general3A_50 = tpu.matmul %get3A_1, %get3A_16, %dot_general3A_49 {dimension_numbers = #tpu.dot_dimension_numbers<[1], [0], [0], [1], [0, 0, 1, 1], [], []>, transpose_lhs_hint = false} : vector<400x128xf32>, vector<128x128xf32>, vector<400x128xf32> -> vector<400x128xf32>
    %add3A = vector.broadcast %get3A_19 : vector<1x128xf32> to vector<400x128xf32>
    %add3A_51 = arith.addf %dot_general3A_50, %add3A : vector<400x128xf32>
    %mul3A = vector.broadcast %slice3A : vector<400x1xf32> to vector<400x128xf32>
    %mul3A_52 = arith.mulf %mul3A, %dot_general3A_48 : vector<400x128xf32>
    %dot_general3A_53 = arith.constant dense<0.000000e+00> : vector<400x128xf32>
    %dot_general3A_54 = tpu.matmul %get3A_4, %get3A_25, %dot_general3A_53 {dimension_numbers = #tpu.dot_dimension_numbers<[1], [0], [0], [1], [0, 0, 1, 1], [], []>, transpose_lhs_hint = false} : vector<400x128xf32>, vector<128x128xf32>, vector<400x128xf32> -> vector<400x128xf32>
    %add3A_55 = arith.addf %mul3A_52, %dot_general3A_54 : vector<400x128xf32>
    %add3A_56 = vector.broadcast %get3A_28 : vector<1x128xf32> to vector<400x128xf32>
    %add3A_57 = arith.addf %add3A_55, %add3A_56 : vector<400x128xf32>
    %mul3A_58 = vector.broadcast %slice3A_47 : vector<400x1xf32> to vector<400x128xf32>
    %mul3A_59 = arith.mulf %mul3A_58, %dot_general3A_48 : vector<400x128xf32>
    %dot_general3A_60 = arith.constant dense<0.000000e+00> : vector<400x128xf32>
    %dot_general3A_61 = tpu.matmul %get3A_7, %get3A_25, %dot_general3A_60 {dimension_numbers = #tpu.dot_dimension_numbers<[1], [0], [0], [1], [0, 0, 1, 1], [], []>, transpose_lhs_hint = false} : vector<400x128xf32>, vector<128x128xf32>, vector<400x128xf32> -> vector<400x128xf32>
    %add3A_62 = arith.addf %mul3A_59, %dot_general3A_61 : vector<400x128xf32>
    %add3A_63 = vector.broadcast %get3A_28 : vector<1x128xf32> to vector<400x128xf32>
    %add3A_64 = arith.addf %add3A_62, %add3A_63 : vector<400x128xf32>
    %dot_general3A_65 = arith.constant dense<0.000000e+00> : vector<400x16xf32>
    %dot_general3A_66 = tpu.matmul %add3A_51, %get3A_31, %dot_general3A_65 {dimension_numbers = #tpu.dot_dimension_numbers<[1], [0], [0], [1], [0, 0, 1, 1], [], []>, transpose_lhs_hint = false} : vector<400x128xf32>, vector<128x16xf32>, vector<400x16xf32> -> vector<400x16xf32>
    %add3A_67 = vector.broadcast %get3A_34 : vector<1x16xf32> to vector<400x16xf32>
    %add3A_68 = arith.addf %dot_general3A_66, %add3A_67 : vector<400x16xf32>
    %tanh3A = math.tanh %add3A_68 : vector<400x16xf32>
    %mul3A_69 = vector.broadcast %get3A_37 : vector<1x16xf32> to vector<400x16xf32>
    %mul3A_70 = arith.mulf %tanh3A, %mul3A_69 : vector<400x16xf32>
    %reduce_sum3A = arith.constant dense<0.000000e+00> : vector<400xf32>
    %reduce_sum3A_71 = vector.multi_reduction <add>, %mul3A_70, %reduce_sum3A [1] : vector<400x16xf32> to vector<400xf32>
    %broadcast_in_dim3A = vector.shape_cast %reduce_sum3A_71 : vector<400xf32> to vector<400x1xf32>
    %dot_general3A_72 = arith.constant dense<0.000000e+00> : vector<400x16xf32>
    %dot_general3A_73 = tpu.matmul %add3A_57, %get3A_31, %dot_general3A_72 {dimension_numbers = #tpu.dot_dimension_numbers<[1], [0], [0], [1], [0, 0, 1, 1], [], []>, transpose_lhs_hint = false} : vector<400x128xf32>, vector<128x16xf32>, vector<400x16xf32> -> vector<400x16xf32>
    %add3A_74 = vector.broadcast %get3A_34 : vector<1x16xf32> to vector<400x16xf32>
    %add3A_75 = arith.addf %dot_general3A_73, %add3A_74 : vector<400x16xf32>
    %tanh3A_76 = math.tanh %add3A_75 : vector<400x16xf32>
    %mul3A_77 = vector.broadcast %get3A_37 : vector<1x16xf32> to vector<400x16xf32>
    %mul3A_78 = arith.mulf %tanh3A_76, %mul3A_77 : vector<400x16xf32>
    %reduce_sum3A_79 = arith.constant dense<0.000000e+00> : vector<400xf32>
    %reduce_sum3A_80 = vector.multi_reduction <add>, %mul3A_78, %reduce_sum3A_79 [1] : vector<400x16xf32> to vector<400xf32>
    %broadcast_in_dim3A_81 = vector.shape_cast %reduce_sum3A_80 : vector<400xf32> to vector<400x1xf32>
    %dot_general3A_82 = arith.constant dense<0.000000e+00> : vector<400x16xf32>
    %dot_general3A_83 = tpu.matmul %add3A_64, %get3A_31, %dot_general3A_82 {dimension_numbers = #tpu.dot_dimension_numbers<[1], [0], [0], [1], [0, 0, 1, 1], [], []>, transpose_lhs_hint = false} : vector<400x128xf32>, vector<128x16xf32>, vector<400x16xf32> -> vector<400x16xf32>
    %add3A_84 = vector.broadcast %get3A_34 : vector<1x16xf32> to vector<400x16xf32>
    %add3A_85 = arith.addf %dot_general3A_83, %add3A_84 : vector<400x16xf32>
    %tanh3A_86 = math.tanh %add3A_85 : vector<400x16xf32>
    %mul3A_87 = vector.broadcast %get3A_37 : vector<1x16xf32> to vector<400x16xf32>
    %mul3A_88 = arith.mulf %tanh3A_86, %mul3A_87 : vector<400x16xf32>
    %reduce_sum3A_89 = arith.constant dense<0.000000e+00> : vector<400xf32>
    %reduce_sum3A_90 = vector.multi_reduction <add>, %mul3A_88, %reduce_sum3A_89 [1] : vector<400x16xf32> to vector<400xf32>
    %broadcast_in_dim3A_91 = vector.shape_cast %reduce_sum3A_90 : vector<400xf32> to vector<400x1xf32>
    %max3A = arith.maximumf %broadcast_in_dim3A, %broadcast_in_dim3A_81 : vector<400x1xf32>
    %max3A_92 = arith.maximumf %max3A, %broadcast_in_dim3A_91 : vector<400x1xf32>
    %sub3A = arith.subf %broadcast_in_dim3A, %max3A_92 : vector<400x1xf32>
    %exp3A = math.exp %sub3A : vector<400x1xf32>
    %sub3A_93 = arith.subf %broadcast_in_dim3A_81, %max3A_92 : vector<400x1xf32>
    %exp3A_94 = math.exp %sub3A_93 : vector<400x1xf32>
    %sub3A_95 = arith.subf %broadcast_in_dim3A_91, %max3A_92 : vector<400x1xf32>
    %exp3A_96 = math.exp %sub3A_95 : vector<400x1xf32>
    %mul3A_97 = vector.broadcast %exp3A : vector<400x1xf32> to vector<400x128xf32>
    %mul3A_98 = arith.mulf %mul3A_97, %add3A_51 : vector<400x128xf32>
    %mul3A_99 = vector.broadcast %exp3A_94 : vector<400x1xf32> to vector<400x128xf32>
    %mul3A_100 = arith.mulf %mul3A_99, %add3A_57 : vector<400x128xf32>
    %add3A_101 = arith.addf %mul3A_98, %mul3A_100 : vector<400x128xf32>
    %mul3A_102 = vector.broadcast %exp3A_96 : vector<400x1xf32> to vector<400x128xf32>
    %mul3A_103 = arith.mulf %mul3A_102, %add3A_64 : vector<400x128xf32>
    %add3A_104 = arith.addf %add3A_101, %mul3A_103 : vector<400x128xf32>
    %add3A_105 = arith.addf %exp3A, %exp3A_94 : vector<400x1xf32>
    %add3A_106 = arith.addf %add3A_105, %exp3A_96 : vector<400x1xf32>
    %div3A = vector.broadcast %add3A_106 : vector<400x1xf32> to vector<400x128xf32>
    %div3A_107 = arith.divf %add3A_104, %div3A : vector<400x128xf32>
    %reduce_sum3A_108 = arith.constant dense<0.000000e+00> : vector<400xf32>
    %reduce_sum3A_109 = vector.multi_reduction <add>, %div3A_107, %reduce_sum3A_108 [1] : vector<400x128xf32> to vector<400xf32>
    %broadcast_in_dim3A_110 = vector.shape_cast %reduce_sum3A_109 : vector<400xf32> to vector<400x1xf32>
    %div3A_111 = arith.constant 1.280000e+02 : f32
    %div3A_112 = vector.broadcast %div3A_111 : f32 to vector<400x1xf32>
    %div3A_113 = arith.divf %broadcast_in_dim3A_110, %div3A_112 : vector<400x1xf32>
    %sub3A_114 = vector.broadcast %div3A_113 : vector<400x1xf32> to vector<400x128xf32>
    %sub3A_115 = arith.subf %div3A_107, %sub3A_114 : vector<400x128xf32>
    %integer_pow3A = arith.mulf %sub3A_115, %sub3A_115 : vector<400x128xf32>
    %reduce_sum3A_116 = arith.constant dense<0.000000e+00> : vector<400xf32>
    %reduce_sum3A_117 = vector.multi_reduction <add>, %integer_pow3A, %reduce_sum3A_116 [1] : vector<400x128xf32> to vector<400xf32>
    %broadcast_in_dim3A_118 = vector.shape_cast %reduce_sum3A_117 : vector<400xf32> to vector<400x1xf32>
    %div3A_119 = arith.constant 1.280000e+02 : f32
    %div3A_120 = vector.broadcast %div3A_119 : f32 to vector<400x1xf32>
    %div3A_121 = arith.divf %broadcast_in_dim3A_118, %div3A_120 : vector<400x1xf32>
    %sub3A_122 = vector.broadcast %div3A_113 : vector<400x1xf32> to vector<400x128xf32>
    %sub3A_123 = arith.subf %div3A_107, %sub3A_122 : vector<400x128xf32>
    %add3A_124 = arith.constant 9.99999974E-6 : f32
    %add3A_125 = vector.broadcast %add3A_124 : f32 to vector<400x1xf32>
    %add3A_126 = arith.addf %div3A_121, %add3A_125 : vector<400x1xf32>
    %rsqrt3A = math.rsqrt %add3A_126 : vector<400x1xf32>
    %mul3A_127 = vector.broadcast %rsqrt3A : vector<400x1xf32> to vector<400x128xf32>
    %mul3A_128 = arith.mulf %sub3A_123, %mul3A_127 : vector<400x128xf32>
    %mul3A_129 = vector.broadcast %get3A_40 : vector<1x128xf32> to vector<400x128xf32>
    %mul3A_130 = arith.mulf %mul3A_128, %mul3A_129 : vector<400x128xf32>
    %add3A_131 = vector.broadcast %get3A_43 : vector<1x128xf32> to vector<400x128xf32>
    %add3A_132 = arith.addf %mul3A_130, %add3A_131 : vector<400x128xf32>
    %max3A_133 = arith.constant 0.000000e+00 : f32
    %max3A_134 = vector.broadcast %max3A_133 : f32 to vector<400x128xf32>
    %max3A_135 = arith.maximumf %add3A_132, %max3A_134 : vector<400x128xf32>
    %mul3A_136 = vector.broadcast %get3A_46 : vector<1x128xf32> to vector<400x128xf32>
    %mul3A_137 = arith.mulf %mul3A_136, %max3A_135 : vector<400x128xf32>
    %swap3A = arith.constant 0 : index
    %swap3A_138 = arith.constant 0 : index
    %swap3A_139 = vector.load %arg17[%swap3A, %swap3A_138] : memref<400x128xf32, #tpu.memory_space<vmem>>, vector<400x128xf32>
    tpu.vector_store %arg17[%swap3A, %swap3A_138], %max3A_135 {strides = array<i32>} : memref<400x128xf32, #tpu.memory_space<vmem>>, vector<400x128xf32>,
    %swap3A_140 = arith.constant 0 : index
    %swap3A_141 = arith.constant 0 : index
    %swap3A_142 = vector.load %arg18[%swap3A_140, %swap3A_141] : memref<400x128xf32, #tpu.memory_space<vmem>>, vector<400x128xf32>
    tpu.vector_store %arg18[%swap3A_140, %swap3A_141], %mul3A_137 {strides = array<i32>} : memref<400x128xf32, #tpu.memory_space<vmem>>, vector<400x128xf32>,
    return
  }
  func.func @transform_0(%arg0: i32) -> (i32, i32) {
    %c0_i32 = arith.constant 0 : i32
    %c0_i32_0 = arith.constant 0 : i32
    return %arg0, %c0_i32 : i32, i32
  }
  func.func @transform_1(%arg0: i32) -> (i32, i32) {
    %c0_i32 = arith.constant 0 : i32
    %c0_i32_0 = arith.constant 0 : i32
    return %arg0, %c0_i32 : i32, i32
  }
  func.func @transform_2(%arg0: i32) -> (i32, i32) {
    %c0_i32 = arith.constant 0 : i32
    %c0_i32_0 = arith.constant 0 : i32
    return %arg0, %c0_i32 : i32, i32
  }
  func.func @transform_3(%arg0: i32) -> (i32, i32) {
    %c0_i32 = arith.constant 0 : i32
    %c0_i32_0 = arith.constant 0 : i32
    return %arg0, %c0_i32 : i32, i32
  }
  func.func @transform_4(%arg0: i32) -> (i32, i32) {
    %c0_i32 = arith.constant 0 : i32
    %c0_i32_0 = arith.constant 0 : i32
    return %arg0, %c0_i32 : i32, i32
  }
  func.func @transform_5(%arg0: i32) -> (i32, i32) {
    %c0_i32 = arith.constant 0 : i32
    %c0_i32_0 = arith.constant 0 : i32
    %c0_i32_1 = arith.constant 0 : i32
    return %c0_i32, %c0_i32_0 : i32, i32
  }
  func.func @transform_6(%arg0: i32) -> (i32, i32) {
    %c0_i32 = arith.constant 0 : i32
    %c0_i32_0 = arith.constant 0 : i32
    %c0_i32_1 = arith.constant 0 : i32
    return %c0_i32, %c0_i32_0 : i32, i32
  }
  func.func @transform_7(%arg0: i32) -> (i32, i32) {
    %c0_i32 = arith.constant 0 : i32
    %c0_i32_0 = arith.constant 0 : i32
    %c0_i32_1 = arith.constant 0 : i32
    return %c0_i32, %c0_i32_0 : i32, i32
  }
  func.func @transform_8(%arg0: i32) -> (i32, i32) {
    %c0_i32 = arith.constant 0 : i32
    %c0_i32_0 = arith.constant 0 : i32
    %c0_i32_1 = arith.constant 0 : i32
    return %c0_i32, %c0_i32_0 : i32, i32
  }
  func.func @transform_9(%arg0: i32) -> (i32, i32) {
    %c0_i32 = arith.constant 0 : i32
    %c0_i32_0 = arith.constant 0 : i32
    %c0_i32_1 = arith.constant 0 : i32
    return %c0_i32, %c0_i32_0 : i32, i32
  }
  func.func @transform_10(%arg0: i32) -> (i32, i32) {
    %c0_i32 = arith.constant 0 : i32
    %c0_i32_0 = arith.constant 0 : i32
    %c0_i32_1 = arith.constant 0 : i32
    return %c0_i32, %c0_i32_0 : i32, i32
  }
  func.func @transform_11(%arg0: i32) -> (i32, i32) {
    %c0_i32 = arith.constant 0 : i32
    %c0_i32_0 = arith.constant 0 : i32
    %c0_i32_1 = arith.constant 0 : i32
    return %c0_i32, %c0_i32_0 : i32, i32
  }
  func.func @transform_12(%arg0: i32) -> (i32, i32) {
    %c0_i32 = arith.constant 0 : i32
    %c0_i32_0 = arith.constant 0 : i32
    %c0_i32_1 = arith.constant 0 : i32
    return %c0_i32, %c0_i32_0 : i32, i32
  }
  func.func @transform_13(%arg0: i32) -> (i32, i32) {
    %c0_i32 = arith.constant 0 : i32
    %c0_i32_0 = arith.constant 0 : i32
    %c0_i32_1 = arith.constant 0 : i32
    return %c0_i32, %c0_i32_0 : i32, i32
  }
  func.func @transform_14(%arg0: i32) -> (i32, i32) {
    %c0_i32 = arith.constant 0 : i32
    %c0_i32_0 = arith.constant 0 : i32
    %c0_i32_1 = arith.constant 0 : i32
    return %c0_i32, %c0_i32_0 : i32, i32
  }
  func.func @transform_15(%arg0: i32) -> (i32, i32) {
    %c0_i32 = arith.constant 0 : i32
    %c0_i32_0 = arith.constant 0 : i32
    %c0_i32_1 = arith.constant 0 : i32
    return %c0_i32, %c0_i32_0 : i32, i32
  }
  func.func @transform_16(%arg0: i32) -> (i32, i32) {
    %c0_i32 = arith.constant 0 : i32
    %c0_i32_0 = arith.constant 0 : i32
    return %arg0, %c0_i32 : i32, i32
  }
  func.func @transform_17(%arg0: i32) -> (i32, i32) {
    %c0_i32 = arith.constant 0 : i32
    %c0_i32_0 = arith.constant 0 : i32
    return %arg0, %c0_i32 : i32, i32
  }
}

module attributes {stable_mosaic.version = 14 : i64} {
  func.func @_tc_body(%arg0: i32, %arg1: memref<400x128xf32, #tpu.memory_space<vmem>>, %arg2: memref<400x128xf32, #tpu.memory_space<vmem>>, %arg3: memref<400x128xf32, #tpu.memory_space<vmem>>, %arg4: memref<400x128xf32, #tpu.memory_space<vmem>>, %arg5: memref<400x128xf32, #tpu.memory_space<vmem>>, %arg6: memref<400x128xf32, #tpu.memory_space<vmem>>, %arg7: memref<128x128xf32, #tpu.memory_space<vmem>>, %arg8: memref<1x128xf32, #tpu.memory_space<vmem>>, %arg9: memref<128x128xf32, #tpu.memory_space<vmem>>, %arg10: memref<128x128xf32, #tpu.memory_space<vmem>>, %arg11: memref<1x128xf32, #tpu.memory_space<vmem>>, %arg12: memref<128x16xf32, #tpu.memory_space<vmem>>, %arg13: memref<1x16xf32, #tpu.memory_space<vmem>>, %arg14: memref<1x16xf32, #tpu.memory_space<vmem>>, %arg15: memref<1x128xf32, #tpu.memory_space<vmem>>, %arg16: memref<1x128xf32, #tpu.memory_space<vmem>>, %arg17: memref<1x128xf32, #tpu.memory_space<vmem>>, %arg18: memref<400x128xf32, #tpu.memory_space<vmem>>, %arg19: memref<400x128xf32, #tpu.memory_space<vmem>>) attributes {dimension_semantics = [#tpu.dimension_semantics<arbitrary>], iteration_bounds = array<i64: 25>, scalar_prefetch = 0 : i64, scratch_operands = 0 : i64, tpu.core_type = #tpu.core_type<tc>, window_params = [{transform_indices = @transform_0, window_bounds = array<i64: 400, 128>}, {transform_indices = @transform_1, window_bounds = array<i64: 400, 128>}, {transform_indices = @transform_2, window_bounds = array<i64: 400, 128>}, {transform_indices = @transform_3, window_bounds = array<i64: 400, 128>}, {transform_indices = @transform_4, window_bounds = array<i64: 400, 128>}, {transform_indices = @transform_5, window_bounds = array<i64: 400, 128>}, {pipeline_mode = #tpu.pipeline_mode<synchronous>, transform_indices = @transform_6, window_bounds = array<i64: 128, 128>}, {pipeline_mode = #tpu.pipeline_mode<synchronous>, transform_indices = @transform_7, window_bounds = array<i64: 1, 128>}, {pipeline_mode = #tpu.pipeline_mode<synchronous>, transform_indices = @transform_8, window_bounds = array<i64: 128, 128>}, {pipeline_mode = #tpu.pipeline_mode<synchronous>, transform_indices = @transform_9, window_bounds = array<i64: 128, 128>}, {pipeline_mode = #tpu.pipeline_mode<synchronous>, transform_indices = @transform_10, window_bounds = array<i64: 1, 128>}, {pipeline_mode = #tpu.pipeline_mode<synchronous>, transform_indices = @transform_11, window_bounds = array<i64: 128, 16>}, {pipeline_mode = #tpu.pipeline_mode<synchronous>, transform_indices = @transform_12, window_bounds = array<i64: 1, 16>}, {pipeline_mode = #tpu.pipeline_mode<synchronous>, transform_indices = @transform_13, window_bounds = array<i64: 1, 16>}, {pipeline_mode = #tpu.pipeline_mode<synchronous>, transform_indices = @transform_14, window_bounds = array<i64: 1, 128>}, {pipeline_mode = #tpu.pipeline_mode<synchronous>, transform_indices = @transform_15, window_bounds = array<i64: 1, 128>}, {pipeline_mode = #tpu.pipeline_mode<synchronous>, transform_indices = @transform_16, window_bounds = array<i64: 1, 128>}, {transform_indices = @transform_17, window_bounds = array<i64: 400, 128>}, {transform_indices = @transform_18, window_bounds = array<i64: 400, 128>}]} {
    %get3A = arith.constant 0 : index
    %get3A_0 = arith.constant 0 : index
    %get3A_1 = vector.load %arg1[%get3A, %get3A_0] : memref<400x128xf32, #tpu.memory_space<vmem>>, vector<400x128xf32>
    %get3A_2 = arith.constant 0 : index
    %get3A_3 = arith.constant 0 : index
    %get3A_4 = vector.load %arg2[%get3A_2, %get3A_3] : memref<400x128xf32, #tpu.memory_space<vmem>>, vector<400x128xf32>
    %get3A_5 = arith.constant 0 : index
    %get3A_6 = arith.constant 0 : index
    %get3A_7 = vector.load %arg3[%get3A_5, %get3A_6] : memref<400x128xf32, #tpu.memory_space<vmem>>, vector<400x128xf32>
    %get3A_8 = arith.constant 0 : index
    %get3A_9 = arith.constant 0 : index
    %get3A_10 = vector.load %arg4[%get3A_8, %get3A_9] : memref<400x128xf32, #tpu.memory_space<vmem>>, vector<400x128xf32>
    %get3A_11 = arith.constant 0 : index
    %get3A_12 = arith.constant 0 : index
    %get3A_13 = vector.load %arg5[%get3A_11, %get3A_12] : memref<400x128xf32, #tpu.memory_space<vmem>>, vector<400x128xf32>
    %get3A_14 = arith.constant 0 : index
    %get3A_15 = arith.constant 0 : index
    %get3A_16 = vector.load %arg6[%get3A_14, %get3A_15] : memref<400x128xf32, #tpu.memory_space<vmem>>, vector<400x128xf32>
    %get3A_17 = arith.constant 0 : index
    %get3A_18 = arith.constant 0 : index
    %get3A_19 = vector.load %arg7[%get3A_17, %get3A_18] : memref<128x128xf32, #tpu.memory_space<vmem>>, vector<128x128xf32>
    %get3A_20 = arith.constant 0 : index
    %get3A_21 = arith.constant 0 : index
    %get3A_22 = vector.load %arg8[%get3A_20, %get3A_21] : memref<1x128xf32, #tpu.memory_space<vmem>>, vector<1x128xf32>
    %get3A_23 = arith.constant 0 : index
    %get3A_24 = arith.constant 0 : index
    %get3A_25 = vector.load %arg9[%get3A_23, %get3A_24] : memref<128x128xf32, #tpu.memory_space<vmem>>, vector<128x128xf32>
    %get3A_26 = arith.constant 0 : index
    %get3A_27 = arith.constant 0 : index
    %get3A_28 = vector.load %arg10[%get3A_26, %get3A_27] : memref<128x128xf32, #tpu.memory_space<vmem>>, vector<128x128xf32>
    %get3A_29 = arith.constant 0 : index
    %get3A_30 = arith.constant 0 : index
    %get3A_31 = vector.load %arg11[%get3A_29, %get3A_30] : memref<1x128xf32, #tpu.memory_space<vmem>>, vector<1x128xf32>
    %get3A_32 = arith.constant 0 : index
    %get3A_33 = arith.constant 0 : index
    %get3A_34 = vector.load %arg12[%get3A_32, %get3A_33] : memref<128x16xf32, #tpu.memory_space<vmem>>, vector<128x16xf32>
    %get3A_35 = arith.constant 0 : index
    %get3A_36 = arith.constant 0 : index
    %get3A_37 = vector.load %arg13[%get3A_35, %get3A_36] : memref<1x16xf32, #tpu.memory_space<vmem>>, vector<1x16xf32>
    %get3A_38 = arith.constant 0 : index
    %get3A_39 = arith.constant 0 : index
    %get3A_40 = vector.load %arg14[%get3A_38, %get3A_39] : memref<1x16xf32, #tpu.memory_space<vmem>>, vector<1x16xf32>
    %get3A_41 = arith.constant 0 : index
    %get3A_42 = arith.constant 0 : index
    %get3A_43 = vector.load %arg15[%get3A_41, %get3A_42] : memref<1x128xf32, #tpu.memory_space<vmem>>, vector<1x128xf32>
    %get3A_44 = arith.constant 0 : index
    %get3A_45 = arith.constant 0 : index
    %get3A_46 = vector.load %arg16[%get3A_44, %get3A_45] : memref<1x128xf32, #tpu.memory_space<vmem>>, vector<1x128xf32>
    %get3A_47 = arith.constant 0 : index
    %get3A_48 = arith.constant 0 : index
    %get3A_49 = vector.load %arg17[%get3A_47, %get3A_48] : memref<1x128xf32, #tpu.memory_space<vmem>>, vector<1x128xf32>
    %slice3A = vector.extract_strided_slice %get3A_10 {offsets = [0, 0], sizes = [400, 1], strides = [1, 1]} : vector<400x128xf32> to vector<400x1xf32>
    %slice3A_50 = vector.extract_strided_slice %get3A_13 {offsets = [0, 0], sizes = [400, 1], strides = [1, 1]} : vector<400x128xf32> to vector<400x1xf32>
    %dot_general3A = arith.constant dense<0.000000e+00> : vector<400x128xf32>
    %dot_general3A_51 = tpu.matmul %get3A_1, %get3A_25, %dot_general3A {dimension_numbers = #tpu.dot_dimension_numbers<[1], [0], [0], [1], [0, 0, 1, 1], [], []>, transpose_lhs_hint = false} : vector<400x128xf32>, vector<128x128xf32>, vector<400x128xf32> -> vector<400x128xf32>
    %dot_general3A_52 = arith.constant dense<0.000000e+00> : vector<400x128xf32>
    %dot_general3A_53 = tpu.matmul %get3A_1, %get3A_19, %dot_general3A_52 {dimension_numbers = #tpu.dot_dimension_numbers<[1], [0], [0], [1], [0, 0, 1, 1], [], []>, transpose_lhs_hint = false} : vector<400x128xf32>, vector<128x128xf32>, vector<400x128xf32> -> vector<400x128xf32>
    %add3A = vector.broadcast %get3A_22 : vector<1x128xf32> to vector<400x128xf32>
    %add3A_54 = arith.addf %dot_general3A_53, %add3A : vector<400x128xf32>
    %mul3A = vector.broadcast %slice3A : vector<400x1xf32> to vector<400x128xf32>
    %mul3A_55 = arith.mulf %mul3A, %dot_general3A_51 : vector<400x128xf32>
    %dot_general3A_56 = arith.constant dense<0.000000e+00> : vector<400x128xf32>
    %dot_general3A_57 = tpu.matmul %get3A_4, %get3A_28, %dot_general3A_56 {dimension_numbers = #tpu.dot_dimension_numbers<[1], [0], [0], [1], [0, 0, 1, 1], [], []>, transpose_lhs_hint = false} : vector<400x128xf32>, vector<128x128xf32>, vector<400x128xf32> -> vector<400x128xf32>
    %add3A_58 = arith.addf %mul3A_55, %dot_general3A_57 : vector<400x128xf32>
    %add3A_59 = vector.broadcast %get3A_31 : vector<1x128xf32> to vector<400x128xf32>
    %add3A_60 = arith.addf %add3A_58, %add3A_59 : vector<400x128xf32>
    %mul3A_61 = vector.broadcast %slice3A_50 : vector<400x1xf32> to vector<400x128xf32>
    %mul3A_62 = arith.mulf %mul3A_61, %dot_general3A_51 : vector<400x128xf32>
    %dot_general3A_63 = arith.constant dense<0.000000e+00> : vector<400x128xf32>
    %dot_general3A_64 = tpu.matmul %get3A_7, %get3A_28, %dot_general3A_63 {dimension_numbers = #tpu.dot_dimension_numbers<[1], [0], [0], [1], [0, 0, 1, 1], [], []>, transpose_lhs_hint = false} : vector<400x128xf32>, vector<128x128xf32>, vector<400x128xf32> -> vector<400x128xf32>
    %add3A_65 = arith.addf %mul3A_62, %dot_general3A_64 : vector<400x128xf32>
    %add3A_66 = vector.broadcast %get3A_31 : vector<1x128xf32> to vector<400x128xf32>
    %add3A_67 = arith.addf %add3A_65, %add3A_66 : vector<400x128xf32>
    %dot_general3A_68 = arith.constant dense<0.000000e+00> : vector<400x16xf32>
    %dot_general3A_69 = tpu.matmul %add3A_54, %get3A_34, %dot_general3A_68 {dimension_numbers = #tpu.dot_dimension_numbers<[1], [0], [0], [1], [0, 0, 1, 1], [], []>, transpose_lhs_hint = false} : vector<400x128xf32>, vector<128x16xf32>, vector<400x16xf32> -> vector<400x16xf32>
    %add3A_70 = vector.broadcast %get3A_37 : vector<1x16xf32> to vector<400x16xf32>
    %add3A_71 = arith.addf %dot_general3A_69, %add3A_70 : vector<400x16xf32>
    %tanh3A = math.tanh %add3A_71 : vector<400x16xf32>
    %mul3A_72 = vector.broadcast %get3A_40 : vector<1x16xf32> to vector<400x16xf32>
    %mul3A_73 = arith.mulf %tanh3A, %mul3A_72 : vector<400x16xf32>
    %reduce_sum3A = arith.constant dense<0.000000e+00> : vector<400xf32>
    %reduce_sum3A_74 = vector.multi_reduction <add>, %mul3A_73, %reduce_sum3A [1] : vector<400x16xf32> to vector<400xf32>
    %broadcast_in_dim3A = vector.shape_cast %reduce_sum3A_74 : vector<400xf32> to vector<400x1xf32>
    %dot_general3A_75 = arith.constant dense<0.000000e+00> : vector<400x16xf32>
    %dot_general3A_76 = tpu.matmul %add3A_60, %get3A_34, %dot_general3A_75 {dimension_numbers = #tpu.dot_dimension_numbers<[1], [0], [0], [1], [0, 0, 1, 1], [], []>, transpose_lhs_hint = false} : vector<400x128xf32>, vector<128x16xf32>, vector<400x16xf32> -> vector<400x16xf32>
    %add3A_77 = vector.broadcast %get3A_37 : vector<1x16xf32> to vector<400x16xf32>
    %add3A_78 = arith.addf %dot_general3A_76, %add3A_77 : vector<400x16xf32>
    %tanh3A_79 = math.tanh %add3A_78 : vector<400x16xf32>
    %mul3A_80 = vector.broadcast %get3A_40 : vector<1x16xf32> to vector<400x16xf32>
    %mul3A_81 = arith.mulf %tanh3A_79, %mul3A_80 : vector<400x16xf32>
    %reduce_sum3A_82 = arith.constant dense<0.000000e+00> : vector<400xf32>
    %reduce_sum3A_83 = vector.multi_reduction <add>, %mul3A_81, %reduce_sum3A_82 [1] : vector<400x16xf32> to vector<400xf32>
    %broadcast_in_dim3A_84 = vector.shape_cast %reduce_sum3A_83 : vector<400xf32> to vector<400x1xf32>
    %dot_general3A_85 = arith.constant dense<0.000000e+00> : vector<400x16xf32>
    %dot_general3A_86 = tpu.matmul %add3A_67, %get3A_34, %dot_general3A_85 {dimension_numbers = #tpu.dot_dimension_numbers<[1], [0], [0], [1], [0, 0, 1, 1], [], []>, transpose_lhs_hint = false} : vector<400x128xf32>, vector<128x16xf32>, vector<400x16xf32> -> vector<400x16xf32>
    %add3A_87 = vector.broadcast %get3A_37 : vector<1x16xf32> to vector<400x16xf32>
    %add3A_88 = arith.addf %dot_general3A_86, %add3A_87 : vector<400x16xf32>
    %tanh3A_89 = math.tanh %add3A_88 : vector<400x16xf32>
    %mul3A_90 = vector.broadcast %get3A_40 : vector<1x16xf32> to vector<400x16xf32>
    %mul3A_91 = arith.mulf %tanh3A_89, %mul3A_90 : vector<400x16xf32>
    %reduce_sum3A_92 = arith.constant dense<0.000000e+00> : vector<400xf32>
    %reduce_sum3A_93 = vector.multi_reduction <add>, %mul3A_91, %reduce_sum3A_92 [1] : vector<400x16xf32> to vector<400xf32>
    %broadcast_in_dim3A_94 = vector.shape_cast %reduce_sum3A_93 : vector<400xf32> to vector<400x1xf32>
    %max3A = arith.maximumf %broadcast_in_dim3A, %broadcast_in_dim3A_84 : vector<400x1xf32>
    %max3A_95 = arith.maximumf %max3A, %broadcast_in_dim3A_94 : vector<400x1xf32>
    %sub3A = arith.subf %broadcast_in_dim3A, %max3A_95 : vector<400x1xf32>
    %exp3A = math.exp %sub3A : vector<400x1xf32>
    %sub3A_96 = arith.subf %broadcast_in_dim3A_84, %max3A_95 : vector<400x1xf32>
    %exp3A_97 = math.exp %sub3A_96 : vector<400x1xf32>
    %sub3A_98 = arith.subf %broadcast_in_dim3A_94, %max3A_95 : vector<400x1xf32>
    %exp3A_99 = math.exp %sub3A_98 : vector<400x1xf32>
    %mul3A_100 = vector.broadcast %exp3A : vector<400x1xf32> to vector<400x128xf32>
    %mul3A_101 = arith.mulf %mul3A_100, %add3A_54 : vector<400x128xf32>
    %mul3A_102 = vector.broadcast %exp3A_97 : vector<400x1xf32> to vector<400x128xf32>
    %mul3A_103 = arith.mulf %mul3A_102, %add3A_60 : vector<400x128xf32>
    %add3A_104 = arith.addf %mul3A_101, %mul3A_103 : vector<400x128xf32>
    %mul3A_105 = vector.broadcast %exp3A_99 : vector<400x1xf32> to vector<400x128xf32>
    %mul3A_106 = arith.mulf %mul3A_105, %add3A_67 : vector<400x128xf32>
    %add3A_107 = arith.addf %add3A_104, %mul3A_106 : vector<400x128xf32>
    %add3A_108 = arith.addf %exp3A, %exp3A_97 : vector<400x1xf32>
    %add3A_109 = arith.addf %add3A_108, %exp3A_99 : vector<400x1xf32>
    %div3A = vector.broadcast %add3A_109 : vector<400x1xf32> to vector<400x128xf32>
    %div3A_110 = arith.divf %add3A_107, %div3A : vector<400x128xf32>
    %reduce_sum3A_111 = arith.constant dense<0.000000e+00> : vector<400xf32>
    %reduce_sum3A_112 = vector.multi_reduction <add>, %div3A_110, %reduce_sum3A_111 [1] : vector<400x128xf32> to vector<400xf32>
    %broadcast_in_dim3A_113 = vector.shape_cast %reduce_sum3A_112 : vector<400xf32> to vector<400x1xf32>
    %div3A_114 = arith.constant 1.280000e+02 : f32
    %div3A_115 = vector.broadcast %div3A_114 : f32 to vector<400x1xf32>
    %div3A_116 = arith.divf %broadcast_in_dim3A_113, %div3A_115 : vector<400x1xf32>
    %sub3A_117 = vector.broadcast %div3A_116 : vector<400x1xf32> to vector<400x128xf32>
    %sub3A_118 = arith.subf %div3A_110, %sub3A_117 : vector<400x128xf32>
    %integer_pow3A = arith.mulf %sub3A_118, %sub3A_118 : vector<400x128xf32>
    %reduce_sum3A_119 = arith.constant dense<0.000000e+00> : vector<400xf32>
    %reduce_sum3A_120 = vector.multi_reduction <add>, %integer_pow3A, %reduce_sum3A_119 [1] : vector<400x128xf32> to vector<400xf32>
    %broadcast_in_dim3A_121 = vector.shape_cast %reduce_sum3A_120 : vector<400xf32> to vector<400x1xf32>
    %div3A_122 = arith.constant 1.280000e+02 : f32
    %div3A_123 = vector.broadcast %div3A_122 : f32 to vector<400x1xf32>
    %div3A_124 = arith.divf %broadcast_in_dim3A_121, %div3A_123 : vector<400x1xf32>
    %sub3A_125 = vector.broadcast %div3A_116 : vector<400x1xf32> to vector<400x128xf32>
    %sub3A_126 = arith.subf %div3A_110, %sub3A_125 : vector<400x128xf32>
    %add3A_127 = arith.constant 9.99999974E-6 : f32
    %add3A_128 = vector.broadcast %add3A_127 : f32 to vector<400x1xf32>
    %add3A_129 = arith.addf %div3A_124, %add3A_128 : vector<400x1xf32>
    %rsqrt3A = math.rsqrt %add3A_129 : vector<400x1xf32>
    %mul3A_130 = vector.broadcast %rsqrt3A : vector<400x1xf32> to vector<400x128xf32>
    %mul3A_131 = arith.mulf %sub3A_126, %mul3A_130 : vector<400x128xf32>
    %mul3A_132 = vector.broadcast %get3A_43 : vector<1x128xf32> to vector<400x128xf32>
    %mul3A_133 = arith.mulf %mul3A_131, %mul3A_132 : vector<400x128xf32>
    %add3A_134 = vector.broadcast %get3A_46 : vector<1x128xf32> to vector<400x128xf32>
    %add3A_135 = arith.addf %mul3A_133, %add3A_134 : vector<400x128xf32>
    %max3A_136 = arith.constant 0.000000e+00 : f32
    %max3A_137 = vector.broadcast %max3A_136 : f32 to vector<400x128xf32>
    %max3A_138 = arith.maximumf %add3A_135, %max3A_137 : vector<400x128xf32>
    %add3A_139 = arith.addf %max3A_138, %get3A_1 : vector<400x128xf32>
    %mul3A_140 = vector.broadcast %get3A_49 : vector<1x128xf32> to vector<400x128xf32>
    %mul3A_141 = arith.mulf %mul3A_140, %add3A_139 : vector<400x128xf32>
    %add3A_142 = arith.addf %get3A_16, %mul3A_141 : vector<400x128xf32>
    %swap3A = arith.constant 0 : index
    %swap3A_143 = arith.constant 0 : index
    %swap3A_144 = vector.load %arg18[%swap3A, %swap3A_143] : memref<400x128xf32, #tpu.memory_space<vmem>>, vector<400x128xf32>
    tpu.vector_store %arg18[%swap3A, %swap3A_143], %add3A_139 {strides = array<i32>} : memref<400x128xf32, #tpu.memory_space<vmem>>, vector<400x128xf32>,
    %swap3A_145 = arith.constant 0 : index
    %swap3A_146 = arith.constant 0 : index
    %swap3A_147 = vector.load %arg19[%swap3A_145, %swap3A_146] : memref<400x128xf32, #tpu.memory_space<vmem>>, vector<400x128xf32>
    tpu.vector_store %arg19[%swap3A_145, %swap3A_146], %add3A_142 {strides = array<i32>} : memref<400x128xf32, #tpu.memory_space<vmem>>, vector<400x128xf32>,
    return
  }
  func.func @transform_0(%arg0: i32) -> (i32, i32) {
    %c0_i32 = arith.constant 0 : i32
    %c0_i32_0 = arith.constant 0 : i32
    return %arg0, %c0_i32 : i32, i32
  }
  func.func @transform_1(%arg0: i32) -> (i32, i32) {
    %c0_i32 = arith.constant 0 : i32
    %c0_i32_0 = arith.constant 0 : i32
    return %arg0, %c0_i32 : i32, i32
  }
  func.func @transform_2(%arg0: i32) -> (i32, i32) {
    %c0_i32 = arith.constant 0 : i32
    %c0_i32_0 = arith.constant 0 : i32
    return %arg0, %c0_i32 : i32, i32
  }
  func.func @transform_3(%arg0: i32) -> (i32, i32) {
    %c0_i32 = arith.constant 0 : i32
    %c0_i32_0 = arith.constant 0 : i32
    return %arg0, %c0_i32 : i32, i32
  }
  func.func @transform_4(%arg0: i32) -> (i32, i32) {
    %c0_i32 = arith.constant 0 : i32
    %c0_i32_0 = arith.constant 0 : i32
    return %arg0, %c0_i32 : i32, i32
  }
  func.func @transform_5(%arg0: i32) -> (i32, i32) {
    %c0_i32 = arith.constant 0 : i32
    %c0_i32_0 = arith.constant 0 : i32
    return %arg0, %c0_i32 : i32, i32
  }
  func.func @transform_6(%arg0: i32) -> (i32, i32) {
    %c0_i32 = arith.constant 0 : i32
    %c0_i32_0 = arith.constant 0 : i32
    %c0_i32_1 = arith.constant 0 : i32
    return %c0_i32, %c0_i32_0 : i32, i32
  }
  func.func @transform_7(%arg0: i32) -> (i32, i32) {
    %c0_i32 = arith.constant 0 : i32
    %c0_i32_0 = arith.constant 0 : i32
    %c0_i32_1 = arith.constant 0 : i32
    return %c0_i32, %c0_i32_0 : i32, i32
  }
  func.func @transform_8(%arg0: i32) -> (i32, i32) {
    %c0_i32 = arith.constant 0 : i32
    %c0_i32_0 = arith.constant 0 : i32
    %c0_i32_1 = arith.constant 0 : i32
    return %c0_i32, %c0_i32_0 : i32, i32
  }
  func.func @transform_9(%arg0: i32) -> (i32, i32) {
    %c0_i32 = arith.constant 0 : i32
    %c0_i32_0 = arith.constant 0 : i32
    %c0_i32_1 = arith.constant 0 : i32
    return %c0_i32, %c0_i32_0 : i32, i32
  }
  func.func @transform_10(%arg0: i32) -> (i32, i32) {
    %c0_i32 = arith.constant 0 : i32
    %c0_i32_0 = arith.constant 0 : i32
    %c0_i32_1 = arith.constant 0 : i32
    return %c0_i32, %c0_i32_0 : i32, i32
  }
  func.func @transform_11(%arg0: i32) -> (i32, i32) {
    %c0_i32 = arith.constant 0 : i32
    %c0_i32_0 = arith.constant 0 : i32
    %c0_i32_1 = arith.constant 0 : i32
    return %c0_i32, %c0_i32_0 : i32, i32
  }
  func.func @transform_12(%arg0: i32) -> (i32, i32) {
    %c0_i32 = arith.constant 0 : i32
    %c0_i32_0 = arith.constant 0 : i32
    %c0_i32_1 = arith.constant 0 : i32
    return %c0_i32, %c0_i32_0 : i32, i32
  }
  func.func @transform_13(%arg0: i32) -> (i32, i32) {
    %c0_i32 = arith.constant 0 : i32
    %c0_i32_0 = arith.constant 0 : i32
    %c0_i32_1 = arith.constant 0 : i32
    return %c0_i32, %c0_i32_0 : i32, i32
  }
  func.func @transform_14(%arg0: i32) -> (i32, i32) {
    %c0_i32 = arith.constant 0 : i32
    %c0_i32_0 = arith.constant 0 : i32
    %c0_i32_1 = arith.constant 0 : i32
    return %c0_i32, %c0_i32_0 : i32, i32
  }
  func.func @transform_15(%arg0: i32) -> (i32, i32) {
    %c0_i32 = arith.constant 0 : i32
    %c0_i32_0 = arith.constant 0 : i32
    %c0_i32_1 = arith.constant 0 : i32
    return %c0_i32, %c0_i32_0 : i32, i32
  }
  func.func @transform_16(%arg0: i32) -> (i32, i32) {
    %c0_i32 = arith.constant 0 : i32
    %c0_i32_0 = arith.constant 0 : i32
    %c0_i32_1 = arith.constant 0 : i32
    return %c0_i32, %c0_i32_0 : i32, i32
  }
  func.func @transform_17(%arg0: i32) -> (i32, i32) {
    %c0_i32 = arith.constant 0 : i32
    %c0_i32_0 = arith.constant 0 : i32
    return %arg0, %c0_i32 : i32, i32
  }
  func.func @transform_18(%arg0: i32) -> (i32, i32) {
    %c0_i32 = arith.constant 0 : i32
    %c0_i32_0 = arith.constant 0 : i32
    return %arg0, %c0_i32 : i32, i32
  }
}

module attributes {stable_mosaic.version = 14 : i64} {
  func.func @_tc_body(%arg0: i32, %arg1: memref<400x128xf32, #tpu.memory_space<vmem>>, %arg2: memref<400x128xf32, #tpu.memory_space<vmem>>, %arg3: memref<400x128xf32, #tpu.memory_space<vmem>>, %arg4: memref<400x128xf32, #tpu.memory_space<vmem>>, %arg5: memref<400x128xf32, #tpu.memory_space<vmem>>, %arg6: memref<400x128xf32, #tpu.memory_space<vmem>>, %arg7: memref<128x128xf32, #tpu.memory_space<vmem>>, %arg8: memref<1x128xf32, #tpu.memory_space<vmem>>, %arg9: memref<128x128xf32, #tpu.memory_space<vmem>>, %arg10: memref<128x128xf32, #tpu.memory_space<vmem>>, %arg11: memref<1x128xf32, #tpu.memory_space<vmem>>, %arg12: memref<128x16xf32, #tpu.memory_space<vmem>>, %arg13: memref<1x16xf32, #tpu.memory_space<vmem>>, %arg14: memref<1x16xf32, #tpu.memory_space<vmem>>, %arg15: memref<1x128xf32, #tpu.memory_space<vmem>>, %arg16: memref<1x128xf32, #tpu.memory_space<vmem>>, %arg17: memref<1x128xf32, #tpu.memory_space<vmem>>, %arg18: memref<128x64xf32, #tpu.memory_space<vmem>>, %arg19: memref<1x64xf32, #tpu.memory_space<vmem>>, %arg20: memref<400x64xf32, #tpu.memory_space<vmem>>) attributes {dimension_semantics = [#tpu.dimension_semantics<arbitrary>], iteration_bounds = array<i64: 25>, scalar_prefetch = 0 : i64, scratch_operands = 0 : i64, tpu.core_type = #tpu.core_type<tc>, window_params = [{transform_indices = @transform_0, window_bounds = array<i64: 400, 128>}, {transform_indices = @transform_1, window_bounds = array<i64: 400, 128>}, {transform_indices = @transform_2, window_bounds = array<i64: 400, 128>}, {transform_indices = @transform_3, window_bounds = array<i64: 400, 128>}, {transform_indices = @transform_4, window_bounds = array<i64: 400, 128>}, {transform_indices = @transform_5, window_bounds = array<i64: 400, 128>}, {pipeline_mode = #tpu.pipeline_mode<synchronous>, transform_indices = @transform_6, window_bounds = array<i64: 128, 128>}, {pipeline_mode = #tpu.pipeline_mode<synchronous>, transform_indices = @transform_7, window_bounds = array<i64: 1, 128>}, {pipeline_mode = #tpu.pipeline_mode<synchronous>, transform_indices = @transform_8, window_bounds = array<i64: 128, 128>}, {pipeline_mode = #tpu.pipeline_mode<synchronous>, transform_indices = @transform_9, window_bounds = array<i64: 128, 128>}, {pipeline_mode = #tpu.pipeline_mode<synchronous>, transform_indices = @transform_10, window_bounds = array<i64: 1, 128>}, {pipeline_mode = #tpu.pipeline_mode<synchronous>, transform_indices = @transform_11, window_bounds = array<i64: 128, 16>}, {pipeline_mode = #tpu.pipeline_mode<synchronous>, transform_indices = @transform_12, window_bounds = array<i64: 1, 16>}, {pipeline_mode = #tpu.pipeline_mode<synchronous>, transform_indices = @transform_13, window_bounds = array<i64: 1, 16>}, {pipeline_mode = #tpu.pipeline_mode<synchronous>, transform_indices = @transform_14, window_bounds = array<i64: 1, 128>}, {pipeline_mode = #tpu.pipeline_mode<synchronous>, transform_indices = @transform_15, window_bounds = array<i64: 1, 128>}, {pipeline_mode = #tpu.pipeline_mode<synchronous>, transform_indices = @transform_16, window_bounds = array<i64: 1, 128>}, {pipeline_mode = #tpu.pipeline_mode<synchronous>, transform_indices = @transform_17, window_bounds = array<i64: 128, 64>}, {pipeline_mode = #tpu.pipeline_mode<synchronous>, transform_indices = @transform_18, window_bounds = array<i64: 1, 64>}, {transform_indices = @transform_19, window_bounds = array<i64: 400, 64>}]} {
    %get3A = arith.constant 0 : index
    %get3A_0 = arith.constant 0 : index
    %get3A_1 = vector.load %arg1[%get3A, %get3A_0] : memref<400x128xf32, #tpu.memory_space<vmem>>, vector<400x128xf32>
    %get3A_2 = arith.constant 0 : index
    %get3A_3 = arith.constant 0 : index
    %get3A_4 = vector.load %arg2[%get3A_2, %get3A_3] : memref<400x128xf32, #tpu.memory_space<vmem>>, vector<400x128xf32>
    %get3A_5 = arith.constant 0 : index
    %get3A_6 = arith.constant 0 : index
    %get3A_7 = vector.load %arg3[%get3A_5, %get3A_6] : memref<400x128xf32, #tpu.memory_space<vmem>>, vector<400x128xf32>
    %get3A_8 = arith.constant 0 : index
    %get3A_9 = arith.constant 0 : index
    %get3A_10 = vector.load %arg4[%get3A_8, %get3A_9] : memref<400x128xf32, #tpu.memory_space<vmem>>, vector<400x128xf32>
    %get3A_11 = arith.constant 0 : index
    %get3A_12 = arith.constant 0 : index
    %get3A_13 = vector.load %arg5[%get3A_11, %get3A_12] : memref<400x128xf32, #tpu.memory_space<vmem>>, vector<400x128xf32>
    %get3A_14 = arith.constant 0 : index
    %get3A_15 = arith.constant 0 : index
    %get3A_16 = vector.load %arg6[%get3A_14, %get3A_15] : memref<400x128xf32, #tpu.memory_space<vmem>>, vector<400x128xf32>
    %get3A_17 = arith.constant 0 : index
    %get3A_18 = arith.constant 0 : index
    %get3A_19 = vector.load %arg7[%get3A_17, %get3A_18] : memref<128x128xf32, #tpu.memory_space<vmem>>, vector<128x128xf32>
    %get3A_20 = arith.constant 0 : index
    %get3A_21 = arith.constant 0 : index
    %get3A_22 = vector.load %arg8[%get3A_20, %get3A_21] : memref<1x128xf32, #tpu.memory_space<vmem>>, vector<1x128xf32>
    %get3A_23 = arith.constant 0 : index
    %get3A_24 = arith.constant 0 : index
    %get3A_25 = vector.load %arg9[%get3A_23, %get3A_24] : memref<128x128xf32, #tpu.memory_space<vmem>>, vector<128x128xf32>
    %get3A_26 = arith.constant 0 : index
    %get3A_27 = arith.constant 0 : index
    %get3A_28 = vector.load %arg10[%get3A_26, %get3A_27] : memref<128x128xf32, #tpu.memory_space<vmem>>, vector<128x128xf32>
    %get3A_29 = arith.constant 0 : index
    %get3A_30 = arith.constant 0 : index
    %get3A_31 = vector.load %arg11[%get3A_29, %get3A_30] : memref<1x128xf32, #tpu.memory_space<vmem>>, vector<1x128xf32>
    %get3A_32 = arith.constant 0 : index
    %get3A_33 = arith.constant 0 : index
    %get3A_34 = vector.load %arg12[%get3A_32, %get3A_33] : memref<128x16xf32, #tpu.memory_space<vmem>>, vector<128x16xf32>
    %get3A_35 = arith.constant 0 : index
    %get3A_36 = arith.constant 0 : index
    %get3A_37 = vector.load %arg13[%get3A_35, %get3A_36] : memref<1x16xf32, #tpu.memory_space<vmem>>, vector<1x16xf32>
    %get3A_38 = arith.constant 0 : index
    %get3A_39 = arith.constant 0 : index
    %get3A_40 = vector.load %arg14[%get3A_38, %get3A_39] : memref<1x16xf32, #tpu.memory_space<vmem>>, vector<1x16xf32>
    %get3A_41 = arith.constant 0 : index
    %get3A_42 = arith.constant 0 : index
    %get3A_43 = vector.load %arg15[%get3A_41, %get3A_42] : memref<1x128xf32, #tpu.memory_space<vmem>>, vector<1x128xf32>
    %get3A_44 = arith.constant 0 : index
    %get3A_45 = arith.constant 0 : index
    %get3A_46 = vector.load %arg16[%get3A_44, %get3A_45] : memref<1x128xf32, #tpu.memory_space<vmem>>, vector<1x128xf32>
    %get3A_47 = arith.constant 0 : index
    %get3A_48 = arith.constant 0 : index
    %get3A_49 = vector.load %arg17[%get3A_47, %get3A_48] : memref<1x128xf32, #tpu.memory_space<vmem>>, vector<1x128xf32>
    %get3A_50 = arith.constant 0 : index
    %get3A_51 = arith.constant 0 : index
    %get3A_52 = vector.load %arg18[%get3A_50, %get3A_51] : memref<128x64xf32, #tpu.memory_space<vmem>>, vector<128x64xf32>
    %get3A_53 = arith.constant 0 : index
    %get3A_54 = arith.constant 0 : index
    %get3A_55 = vector.load %arg19[%get3A_53, %get3A_54] : memref<1x64xf32, #tpu.memory_space<vmem>>, vector<1x64xf32>
    %slice3A = vector.extract_strided_slice %get3A_10 {offsets = [0, 0], sizes = [400, 1], strides = [1, 1]} : vector<400x128xf32> to vector<400x1xf32>
    %slice3A_56 = vector.extract_strided_slice %get3A_13 {offsets = [0, 0], sizes = [400, 1], strides = [1, 1]} : vector<400x128xf32> to vector<400x1xf32>
    %dot_general3A = arith.constant dense<0.000000e+00> : vector<400x128xf32>
    %dot_general3A_57 = tpu.matmul %get3A_1, %get3A_25, %dot_general3A {dimension_numbers = #tpu.dot_dimension_numbers<[1], [0], [0], [1], [0, 0, 1, 1], [], []>, transpose_lhs_hint = false} : vector<400x128xf32>, vector<128x128xf32>, vector<400x128xf32> -> vector<400x128xf32>
    %dot_general3A_58 = arith.constant dense<0.000000e+00> : vector<400x128xf32>
    %dot_general3A_59 = tpu.matmul %get3A_1, %get3A_19, %dot_general3A_58 {dimension_numbers = #tpu.dot_dimension_numbers<[1], [0], [0], [1], [0, 0, 1, 1], [], []>, transpose_lhs_hint = false} : vector<400x128xf32>, vector<128x128xf32>, vector<400x128xf32> -> vector<400x128xf32>
    %add3A = vector.broadcast %get3A_22 : vector<1x128xf32> to vector<400x128xf32>
    %add3A_60 = arith.addf %dot_general3A_59, %add3A : vector<400x128xf32>
    %mul3A = vector.broadcast %slice3A : vector<400x1xf32> to vector<400x128xf32>
    %mul3A_61 = arith.mulf %mul3A, %dot_general3A_57 : vector<400x128xf32>
    %dot_general3A_62 = arith.constant dense<0.000000e+00> : vector<400x128xf32>
    %dot_general3A_63 = tpu.matmul %get3A_4, %get3A_28, %dot_general3A_62 {dimension_numbers = #tpu.dot_dimension_numbers<[1], [0], [0], [1], [0, 0, 1, 1], [], []>, transpose_lhs_hint = false} : vector<400x128xf32>, vector<128x128xf32>, vector<400x128xf32> -> vector<400x128xf32>
    %add3A_64 = arith.addf %mul3A_61, %dot_general3A_63 : vector<400x128xf32>
    %add3A_65 = vector.broadcast %get3A_31 : vector<1x128xf32> to vector<400x128xf32>
    %add3A_66 = arith.addf %add3A_64, %add3A_65 : vector<400x128xf32>
    %mul3A_67 = vector.broadcast %slice3A_56 : vector<400x1xf32> to vector<400x128xf32>
    %mul3A_68 = arith.mulf %mul3A_67, %dot_general3A_57 : vector<400x128xf32>
    %dot_general3A_69 = arith.constant dense<0.000000e+00> : vector<400x128xf32>
    %dot_general3A_70 = tpu.matmul %get3A_7, %get3A_28, %dot_general3A_69 {dimension_numbers = #tpu.dot_dimension_numbers<[1], [0], [0], [1], [0, 0, 1, 1], [], []>, transpose_lhs_hint = false} : vector<400x128xf32>, vector<128x128xf32>, vector<400x128xf32> -> vector<400x128xf32>
    %add3A_71 = arith.addf %mul3A_68, %dot_general3A_70 : vector<400x128xf32>
    %add3A_72 = vector.broadcast %get3A_31 : vector<1x128xf32> to vector<400x128xf32>
    %add3A_73 = arith.addf %add3A_71, %add3A_72 : vector<400x128xf32>
    %dot_general3A_74 = arith.constant dense<0.000000e+00> : vector<400x16xf32>
    %dot_general3A_75 = tpu.matmul %add3A_60, %get3A_34, %dot_general3A_74 {dimension_numbers = #tpu.dot_dimension_numbers<[1], [0], [0], [1], [0, 0, 1, 1], [], []>, transpose_lhs_hint = false} : vector<400x128xf32>, vector<128x16xf32>, vector<400x16xf32> -> vector<400x16xf32>
    %add3A_76 = vector.broadcast %get3A_37 : vector<1x16xf32> to vector<400x16xf32>
    %add3A_77 = arith.addf %dot_general3A_75, %add3A_76 : vector<400x16xf32>
    %tanh3A = math.tanh %add3A_77 : vector<400x16xf32>
    %mul3A_78 = vector.broadcast %get3A_40 : vector<1x16xf32> to vector<400x16xf32>
    %mul3A_79 = arith.mulf %tanh3A, %mul3A_78 : vector<400x16xf32>
    %reduce_sum3A = arith.constant dense<0.000000e+00> : vector<400xf32>
    %reduce_sum3A_80 = vector.multi_reduction <add>, %mul3A_79, %reduce_sum3A [1] : vector<400x16xf32> to vector<400xf32>
    %broadcast_in_dim3A = vector.shape_cast %reduce_sum3A_80 : vector<400xf32> to vector<400x1xf32>
    %dot_general3A_81 = arith.constant dense<0.000000e+00> : vector<400x16xf32>
    %dot_general3A_82 = tpu.matmul %add3A_66, %get3A_34, %dot_general3A_81 {dimension_numbers = #tpu.dot_dimension_numbers<[1], [0], [0], [1], [0, 0, 1, 1], [], []>, transpose_lhs_hint = false} : vector<400x128xf32>, vector<128x16xf32>, vector<400x16xf32> -> vector<400x16xf32>
    %add3A_83 = vector.broadcast %get3A_37 : vector<1x16xf32> to vector<400x16xf32>
    %add3A_84 = arith.addf %dot_general3A_82, %add3A_83 : vector<400x16xf32>
    %tanh3A_85 = math.tanh %add3A_84 : vector<400x16xf32>
    %mul3A_86 = vector.broadcast %get3A_40 : vector<1x16xf32> to vector<400x16xf32>
    %mul3A_87 = arith.mulf %tanh3A_85, %mul3A_86 : vector<400x16xf32>
    %reduce_sum3A_88 = arith.constant dense<0.000000e+00> : vector<400xf32>
    %reduce_sum3A_89 = vector.multi_reduction <add>, %mul3A_87, %reduce_sum3A_88 [1] : vector<400x16xf32> to vector<400xf32>
    %broadcast_in_dim3A_90 = vector.shape_cast %reduce_sum3A_89 : vector<400xf32> to vector<400x1xf32>
    %dot_general3A_91 = arith.constant dense<0.000000e+00> : vector<400x16xf32>
    %dot_general3A_92 = tpu.matmul %add3A_73, %get3A_34, %dot_general3A_91 {dimension_numbers = #tpu.dot_dimension_numbers<[1], [0], [0], [1], [0, 0, 1, 1], [], []>, transpose_lhs_hint = false} : vector<400x128xf32>, vector<128x16xf32>, vector<400x16xf32> -> vector<400x16xf32>
    %add3A_93 = vector.broadcast %get3A_37 : vector<1x16xf32> to vector<400x16xf32>
    %add3A_94 = arith.addf %dot_general3A_92, %add3A_93 : vector<400x16xf32>
    %tanh3A_95 = math.tanh %add3A_94 : vector<400x16xf32>
    %mul3A_96 = vector.broadcast %get3A_40 : vector<1x16xf32> to vector<400x16xf32>
    %mul3A_97 = arith.mulf %tanh3A_95, %mul3A_96 : vector<400x16xf32>
    %reduce_sum3A_98 = arith.constant dense<0.000000e+00> : vector<400xf32>
    %reduce_sum3A_99 = vector.multi_reduction <add>, %mul3A_97, %reduce_sum3A_98 [1] : vector<400x16xf32> to vector<400xf32>
    %broadcast_in_dim3A_100 = vector.shape_cast %reduce_sum3A_99 : vector<400xf32> to vector<400x1xf32>
    %max3A = arith.maximumf %broadcast_in_dim3A, %broadcast_in_dim3A_90 : vector<400x1xf32>
    %max3A_101 = arith.maximumf %max3A, %broadcast_in_dim3A_100 : vector<400x1xf32>
    %sub3A = arith.subf %broadcast_in_dim3A, %max3A_101 : vector<400x1xf32>
    %exp3A = math.exp %sub3A : vector<400x1xf32>
    %sub3A_102 = arith.subf %broadcast_in_dim3A_90, %max3A_101 : vector<400x1xf32>
    %exp3A_103 = math.exp %sub3A_102 : vector<400x1xf32>
    %sub3A_104 = arith.subf %broadcast_in_dim3A_100, %max3A_101 : vector<400x1xf32>
    %exp3A_105 = math.exp %sub3A_104 : vector<400x1xf32>
    %mul3A_106 = vector.broadcast %exp3A : vector<400x1xf32> to vector<400x128xf32>
    %mul3A_107 = arith.mulf %mul3A_106, %add3A_60 : vector<400x128xf32>
    %mul3A_108 = vector.broadcast %exp3A_103 : vector<400x1xf32> to vector<400x128xf32>
    %mul3A_109 = arith.mulf %mul3A_108, %add3A_66 : vector<400x128xf32>
    %add3A_110 = arith.addf %mul3A_107, %mul3A_109 : vector<400x128xf32>
    %mul3A_111 = vector.broadcast %exp3A_105 : vector<400x1xf32> to vector<400x128xf32>
    %mul3A_112 = arith.mulf %mul3A_111, %add3A_73 : vector<400x128xf32>
    %add3A_113 = arith.addf %add3A_110, %mul3A_112 : vector<400x128xf32>
    %add3A_114 = arith.addf %exp3A, %exp3A_103 : vector<400x1xf32>
    %add3A_115 = arith.addf %add3A_114, %exp3A_105 : vector<400x1xf32>
    %div3A = vector.broadcast %add3A_115 : vector<400x1xf32> to vector<400x128xf32>
    %div3A_116 = arith.divf %add3A_113, %div3A : vector<400x128xf32>
    %reduce_sum3A_117 = arith.constant dense<0.000000e+00> : vector<400xf32>
    %reduce_sum3A_118 = vector.multi_reduction <add>, %div3A_116, %reduce_sum3A_117 [1] : vector<400x128xf32> to vector<400xf32>
    %broadcast_in_dim3A_119 = vector.shape_cast %reduce_sum3A_118 : vector<400xf32> to vector<400x1xf32>
    %div3A_120 = arith.constant 1.280000e+02 : f32
    %div3A_121 = vector.broadcast %div3A_120 : f32 to vector<400x1xf32>
    %div3A_122 = arith.divf %broadcast_in_dim3A_119, %div3A_121 : vector<400x1xf32>
    %sub3A_123 = vector.broadcast %div3A_122 : vector<400x1xf32> to vector<400x128xf32>
    %sub3A_124 = arith.subf %div3A_116, %sub3A_123 : vector<400x128xf32>
    %integer_pow3A = arith.mulf %sub3A_124, %sub3A_124 : vector<400x128xf32>
    %reduce_sum3A_125 = arith.constant dense<0.000000e+00> : vector<400xf32>
    %reduce_sum3A_126 = vector.multi_reduction <add>, %integer_pow3A, %reduce_sum3A_125 [1] : vector<400x128xf32> to vector<400xf32>
    %broadcast_in_dim3A_127 = vector.shape_cast %reduce_sum3A_126 : vector<400xf32> to vector<400x1xf32>
    %div3A_128 = arith.constant 1.280000e+02 : f32
    %div3A_129 = vector.broadcast %div3A_128 : f32 to vector<400x1xf32>
    %div3A_130 = arith.divf %broadcast_in_dim3A_127, %div3A_129 : vector<400x1xf32>
    %sub3A_131 = vector.broadcast %div3A_122 : vector<400x1xf32> to vector<400x128xf32>
    %sub3A_132 = arith.subf %div3A_116, %sub3A_131 : vector<400x128xf32>
    %add3A_133 = arith.constant 9.99999974E-6 : f32
    %add3A_134 = vector.broadcast %add3A_133 : f32 to vector<400x1xf32>
    %add3A_135 = arith.addf %div3A_130, %add3A_134 : vector<400x1xf32>
    %rsqrt3A = math.rsqrt %add3A_135 : vector<400x1xf32>
    %mul3A_136 = vector.broadcast %rsqrt3A : vector<400x1xf32> to vector<400x128xf32>
    %mul3A_137 = arith.mulf %sub3A_132, %mul3A_136 : vector<400x128xf32>
    %mul3A_138 = vector.broadcast %get3A_43 : vector<1x128xf32> to vector<400x128xf32>
    %mul3A_139 = arith.mulf %mul3A_137, %mul3A_138 : vector<400x128xf32>
    %add3A_140 = vector.broadcast %get3A_46 : vector<1x128xf32> to vector<400x128xf32>
    %add3A_141 = arith.addf %mul3A_139, %add3A_140 : vector<400x128xf32>
    %max3A_142 = arith.constant 0.000000e+00 : f32
    %max3A_143 = vector.broadcast %max3A_142 : f32 to vector<400x128xf32>
    %max3A_144 = arith.maximumf %add3A_141, %max3A_143 : vector<400x128xf32>
    %add3A_145 = arith.addf %max3A_144, %get3A_1 : vector<400x128xf32>
    %mul3A_146 = vector.broadcast %get3A_49 : vector<1x128xf32> to vector<400x128xf32>
    %mul3A_147 = arith.mulf %mul3A_146, %add3A_145 : vector<400x128xf32>
    %add3A_148 = arith.addf %get3A_16, %mul3A_147 : vector<400x128xf32>
    %dot_general3A_149 = arith.constant dense<0.000000e+00> : vector<400x64xf32>
    %dot_general3A_150 = tpu.matmul %add3A_148, %get3A_52, %dot_general3A_149 {dimension_numbers = #tpu.dot_dimension_numbers<[1], [0], [0], [1], [0, 0, 1, 1], [], []>, transpose_lhs_hint = false} : vector<400x128xf32>, vector<128x64xf32>, vector<400x64xf32> -> vector<400x64xf32>
    %add3A_151 = vector.broadcast %get3A_55 : vector<1x64xf32> to vector<400x64xf32>
    %add3A_152 = arith.addf %dot_general3A_150, %add3A_151 : vector<400x64xf32>
    %swap3A = arith.constant 0 : index
    %swap3A_153 = arith.constant 0 : index
    %swap3A_154 = vector.load %arg20[%swap3A, %swap3A_153] : memref<400x64xf32, #tpu.memory_space<vmem>>, vector<400x64xf32>
    tpu.vector_store %arg20[%swap3A, %swap3A_153], %add3A_152 {strides = array<i32>} : memref<400x64xf32, #tpu.memory_space<vmem>>, vector<400x64xf32>,
    return
  }
  func.func @transform_0(%arg0: i32) -> (i32, i32) {
    %c0_i32 = arith.constant 0 : i32
    %c0_i32_0 = arith.constant 0 : i32
    return %arg0, %c0_i32 : i32, i32
  }
  func.func @transform_1(%arg0: i32) -> (i32, i32) {
    %c0_i32 = arith.constant 0 : i32
    %c0_i32_0 = arith.constant 0 : i32
    return %arg0, %c0_i32 : i32, i32
  }
  func.func @transform_2(%arg0: i32) -> (i32, i32) {
    %c0_i32 = arith.constant 0 : i32
    %c0_i32_0 = arith.constant 0 : i32
    return %arg0, %c0_i32 : i32, i32
  }
  func.func @transform_3(%arg0: i32) -> (i32, i32) {
    %c0_i32 = arith.constant 0 : i32
    %c0_i32_0 = arith.constant 0 : i32
    return %arg0, %c0_i32 : i32, i32
  }
  func.func @transform_4(%arg0: i32) -> (i32, i32) {
    %c0_i32 = arith.constant 0 : i32
    %c0_i32_0 = arith.constant 0 : i32
    return %arg0, %c0_i32 : i32, i32
  }
  func.func @transform_5(%arg0: i32) -> (i32, i32) {
    %c0_i32 = arith.constant 0 : i32
    %c0_i32_0 = arith.constant 0 : i32
    return %arg0, %c0_i32 : i32, i32
  }
  func.func @transform_6(%arg0: i32) -> (i32, i32) {
    %c0_i32 = arith.constant 0 : i32
    %c0_i32_0 = arith.constant 0 : i32
    %c0_i32_1 = arith.constant 0 : i32
    return %c0_i32, %c0_i32_0 : i32, i32
  }
  func.func @transform_7(%arg0: i32) -> (i32, i32) {
    %c0_i32 = arith.constant 0 : i32
    %c0_i32_0 = arith.constant 0 : i32
    %c0_i32_1 = arith.constant 0 : i32
    return %c0_i32, %c0_i32_0 : i32, i32
  }
  func.func @transform_8(%arg0: i32) -> (i32, i32) {
    %c0_i32 = arith.constant 0 : i32
    %c0_i32_0 = arith.constant 0 : i32
    %c0_i32_1 = arith.constant 0 : i32
    return %c0_i32, %c0_i32_0 : i32, i32
  }
  func.func @transform_9(%arg0: i32) -> (i32, i32) {
    %c0_i32 = arith.constant 0 : i32
    %c0_i32_0 = arith.constant 0 : i32
    %c0_i32_1 = arith.constant 0 : i32
    return %c0_i32, %c0_i32_0 : i32, i32
  }
  func.func @transform_10(%arg0: i32) -> (i32, i32) {
    %c0_i32 = arith.constant 0 : i32
    %c0_i32_0 = arith.constant 0 : i32
    %c0_i32_1 = arith.constant 0 : i32
    return %c0_i32, %c0_i32_0 : i32, i32
  }
  func.func @transform_11(%arg0: i32) -> (i32, i32) {
    %c0_i32 = arith.constant 0 : i32
    %c0_i32_0 = arith.constant 0 : i32
    %c0_i32_1 = arith.constant 0 : i32
    return %c0_i32, %c0_i32_0 : i32, i32
  }
  func.func @transform_12(%arg0: i32) -> (i32, i32) {
    %c0_i32 = arith.constant 0 : i32
    %c0_i32_0 = arith.constant 0 : i32
    %c0_i32_1 = arith.constant 0 : i32
    return %c0_i32, %c0_i32_0 : i32, i32
  }
  func.func @transform_13(%arg0: i32) -> (i32, i32) {
    %c0_i32 = arith.constant 0 : i32
    %c0_i32_0 = arith.constant 0 : i32
    %c0_i32_1 = arith.constant 0 : i32
    return %c0_i32, %c0_i32_0 : i32, i32
  }
  func.func @transform_14(%arg0: i32) -> (i32, i32) {
    %c0_i32 = arith.constant 0 : i32
    %c0_i32_0 = arith.constant 0 : i32
    %c0_i32_1 = arith.constant 0 : i32
    return %c0_i32, %c0_i32_0 : i32, i32
  }
  func.func @transform_15(%arg0: i32) -> (i32, i32) {
    %c0_i32 = arith.constant 0 : i32
    %c0_i32_0 = arith.constant 0 : i32
    %c0_i32_1 = arith.constant 0 : i32
    return %c0_i32, %c0_i32_0 : i32, i32
  }
  func.func @transform_16(%arg0: i32) -> (i32, i32) {
    %c0_i32 = arith.constant 0 : i32
    %c0_i32_0 = arith.constant 0 : i32
    %c0_i32_1 = arith.constant 0 : i32
    return %c0_i32, %c0_i32_0 : i32, i32
  }
  func.func @transform_17(%arg0: i32) -> (i32, i32) {
    %c0_i32 = arith.constant 0 : i32
    %c0_i32_0 = arith.constant 0 : i32
    %c0_i32_1 = arith.constant 0 : i32
    return %c0_i32, %c0_i32_0 : i32, i32
  }
  func.func @transform_18(%arg0: i32) -> (i32, i32) {
    %c0_i32 = arith.constant 0 : i32
    %c0_i32_0 = arith.constant 0 : i32
    %c0_i32_1 = arith.constant 0 : i32
    return %c0_i32, %c0_i32_0 : i32, i32
  }
  func.func @transform_19(%arg0: i32) -> (i32, i32) {
    %c0_i32 = arith.constant 0 : i32
    %c0_i32_0 = arith.constant 0 : i32
    return %arg0, %c0_i32 : i32, i32
  }
}

</mosaic_0001>

<sc_bundles>
// kernel: kernel.11.cloned.1.call-start
scs
__scs_entry_jumppad:
0x0: {  	(pc) =	sbr.rel $0x88, $3  }
0x1: {  	(tag) =	ssettag $0x0;
	lr =	simm.s32 $0x1  }
0x2: {  	[smem:$0x3F93] =	sst lr;
	_ =	strace $0xD0000000  }
0x3: {  	_ = 	snop  }
0x4: {  	_ = 	snop  }
0x5: {  	_ = 	snop  }
0x6: {  	_ = 	snop  }
0x7: {  	_ = 	snop  }
__scs_overlays_trampoline_lowered:
0x8: {  	[smem:$0x3FA2] =	sst s0  }
0x9: {  	[smem:$0x3FA3] =	sst s1  }
0xa: {  	[smem:$0x3FA4] =	sst s2  }
0xb: {  	[smem:$0x3FA5] =	sst s3  }
0xc: {  	[smem:$0x3FA6] =	sst s4  }
0xd: {  	[smem:$0x3FA7] =	sst s5  }
0xe: {  	[smem:$0x3FA8] =	sst s6  }
0xf: {  	[smem:$0x3FA9] =	sst s7  }
0x10: {  	[smem:$0x3FAA] =	sst s8  }
0x11: {  	[smem:$0x3FAB] =	sst s9;
	s0 =	simm.s32 @!p0 $0x0  }
0x12: {  	s1 =	sld [smem:$0x3F91];
	s0 =	simm.s32 @p0 $0x1  }
0x13: {  	[smem:$0x3FAC] =	sst s0;
	s0 =	simm.s32 @!p1 $0x0  }
0x14: {  	s2 =	sld [smem:$0x3F90];
	s0 =	simm.s32 @p1 $0x1  }
0x15: {  	[smem:$0x3FAD] =	sst s0;
	s0 =	simm.s32 @!p2 $0x0  }
0x16: {  	s3 =	sld [smem:$0x3FDB];
	s0 =	simm.s32 @p2 $0x1  }
0x17: {  	s4 =	simm.s32 $0x1BF5;
	[smem:$0x3FAF] =	sst s0  }
0x18: {  	s0 =	sld [smem:$0x3F92];
	_ =	swait.ge [sflag:s4], $0x0  }
0x19: {  	s7 =	sld [smem:$0x3F93]  }
0x1a: {  	s8 =	sadd.s32 $0xFFFFE003, lr  }
0x1b: {  	s9 =	sadd.s32 $0xFFFFFEF7, lr;
	s5 =	simm.s32 $0xFFFFFFFF;
	p2 =	slt.u32 s8, $0xFFFFF086  }
0x1c: {  	p1 =	slt.u32 s9, $0xF7A;
	s5 =	simm.s32 @!p2 $0x0  }
0x1d: {  	s5 =	simm.s32 @p1 $0x1;
	p0 =	seq.s32 s7, s2  }
0x1e: {  	s7 =	smul.u32 @!p0 $0xF7A, s2;
	p2 =	seq.s32 @!p0 s5, $0x0  }
0x1f: {  	s9 =	smul.u32 $0xF7A, s1;
	s8 =	simm.s32 @!p0 $0x1BF5;
	p2 =	por !p2, p0  }
0x20: {  	[sflag:s8] =	ssyncset.s32 @!p0 $0xFFFFF086;
	s6 =	sadd.s32 @!p0 s3, s7;
	s7 =	simm.s32 @!p0 $0x108  }
0x21: {  	s3 =	sadd.s32 s3, s9;
	s6 =	sadd.s32 @!p0 $0x88, s6;
	s7 =	simm.s32 @p2 $0x1082  }
0x22: {  	[simem:s7], [sflag:s8] =	dma.local @!p0 [hbm:s6], $0xF7A  }
0x23: {  	s9 =	sor.u32 $0xD0000000, s2;
	s6 =	simm.s32 $0x108;
	_ =	swait.ge @!p0 [sflag:s8], $0x0  }
0x24: {  	s3 =	sadd.s32 $0x88, s3;
	s6 =	simm.s32 @!p1 $0x1082;
	[sflag:s4] =	ssyncset.s32 $0xFFFFF086  }
0x25: {  	[simem:s6], [sflag:s4] =	dma.local [hbm:s3], $0xF7A  }
0x26: {  	[smem:$0x3F93] =	sst s1;
	(tag) =	ssettag s2;
	_ =	strace s9  }
0x27: {  	s1 =	sld [smem:$0x3FA3]  }
0x28: {  	s2 =	sld [smem:$0x3FA4]  }
0x29: {  	s4 =	sld [smem:$0x3FA6]  }
0x2a: {  	p0 =	seq.s32 s5, $0x0;
	s5 =	sld [smem:$0x3FA7]  }
0x2b: {  	s6 =	sld [smem:$0x3FA8]  }
0x2c: {  	s7 =	sld [smem:$0x3FA9]  }
0x2d: {  	s3 =	simm.s32 $0x108;
	s8 =	sld [smem:$0x3FAA]  }
0x2e: {  	s3 =	simm.s32 @!p0 $0x1082;
	s9 =	sld [smem:$0x3FAB]  }
0x2f: {  	lr =	sadd.s32 s0, s3;
	s0 =	sld [smem:$0x3FA2]  }
0x30: {  	s3 =	sld [smem:$0x3FA5]  }
0x31: {  	[smem:$0x3FAE] =	sst s10  }
0x32: {  	s10 =	sld [smem:$0x3FAC];
	_ =	sdelay $0x3  }
0x33: {  	p0 =	seq.s32 s10, $0x1;
	s10 =	sld [smem:$0x3FAE];
	_ =	sdelay $0x3  }
0x34: {  	[smem:$0x3FAE] =	sst s10  }
0x35: {  	s10 =	sld [smem:$0x3FAD];
	_ =	sdelay $0x3  }
0x36: {  	p1 =	seq.s32 s10, $0x1;
	s10 =	sld [smem:$0x3FAE];
	_ =	sdelay $0x3  }
0x37: {  	[smem:$0x3FAE] =	sst s10  }
0x38: {  	s10 =	sld [smem:$0x3FAF]  }
0x39: {  	_ = 	snop;
	(pc) =	sbr.ind lr, $3  }
0x3a: {  	_ = 	snop  }
0x3b: {  	_ = 	snop  }
0x3c: {  	p2 =	seq.s32 s10, $0x1;
	s10 =	sld [smem:$0x3FAE]  }
0x3d: {  	_ =	shalt  }
0x3e: {  	_ =	shalt  }
0x3f: {  	_ =	shalt  }
0x40: {  	_ =	shalt  }
0x41: {  	_ =	shalt  }
0x42: {  	_ =	shalt  }
0x43: {  	_ =	shalt  }
0x44: {  	_ =	shalt  }
0x45: {  	_ =	shalt  }
0x46: {  	_ =	shalt  }
0x47: {  	_ =	shalt  }
0x48: {  	_ =	shalt  }
0x49: {  	_ =	shalt  }
0x4a: {  	_ =	shalt  }
0x4b: {  	_ =	shalt  }
0x4c: {  	_ =	shalt  }
0x4d: {  	_ =	shalt  }
0x4e: {  	_ =	shalt  }
0x4f: {  	_ =	shalt  }
0x50: {  	_ =	shalt  }
0x51: {  	_ =	shalt  }
0x52: {  	_ =	shalt  }
0x53: {  	_ =	shalt  }
0x54: {  	_ =	shalt  }
0x55: {  	_ =	shalt  }
0x56: {  	_ =	shalt  }
0x57: {  	_ =	shalt  }
0x58: {  	_ =	shalt  }
0x59: {  	_ =	shalt  }
0x5a: {  	_ =	shalt  }
0x5b: {  	_ =	shalt  }
0x5c: {  	_ =	shalt  }
0x5d: {  	_ =	shalt  }
0x5e: {  	_ =	shalt  }
0x5f: {  	_ =	shalt  }
0x60: {  	_ =	shalt  }
0x61: {  	_ =	shalt  }
0x62: {  	_ =	shalt  }
0x63: {  	_ =	shalt  }
0x64: {  	_ =	shalt  }
0x65: {  	_ =	shalt  }
0x66: {  	_ =	shalt  }
0x67: {  	_ =	shalt  }
0x68: {  	_ =	shalt  }
0x69: {  	_ =	shalt  }
0x6a: {  	_ =	shalt  }
0x6b: {  	_ =	shalt  }
0x6c: {  	_ =	shalt  }
0x6d: {  	_ =	shalt  }
0x6e: {  	_ =	shalt  }
0x6f: {  	_ =	shalt  }
0x70: {  	_ =	shalt  }
0x71: {  	_ =	shalt  }
0x72: {  	_ =	shalt  }
0x73: {  	_ =	shalt  }
0x74: {  	_ =	shalt  }
0x75: {  	_ =	shalt  }
0x76: {  	_ =	shalt  }
0x77: {  	_ =	shalt  }
0x78: {  	_ =	shalt  }
0x79: {  	_ =	shalt  }
0x7a: {  	_ =	shalt  }
0x7b: {  	_ =	shalt  }
0x7c: {  	_ =	shalt  }
0x7d: {  	_ =	shalt  }
0x7e: {  	_ =	shalt  }
0x7f: {  	_ =	shalt  }
0x80: {  	_ =	shalt  }
0x81: {  	_ =	shalt  }
0x82: {  	_ =	shalt  }
0x83: {  	_ =	shalt  }
0x84: {  	_ =	shalt  }
0x85: {  	_ =	shalt  }
0x86: {  	_ =	shalt  }
0x87: {  	_ =	shalt  }
.Lfunc_end0:
.L_simem_size_0:
called_computation_lowered:
.L_overlay_start_0:
0x88: {  	s2 =	sld [smem:$0x3FD9]  }
0x89: {  	s3 =	sld [smem:$0x3FFE];
	_ =	sdelay $0x1  }
0x8a: {  	s1 =	srdreg.scid  }
0x8b: {  	s0 =	sand.u32 $0x1, s1  }
0x8c: {  	s17 =	sshll.u32 s0, $0xA;
	s2 =	sadd.s32 s3, s2  }
0x8d: {  	s2 =	sadd.s32 s2, s17  }
0x8e: {  	[smem:$0x3FBA] =	sst s2  }
0x8f: {  	_ = 	snop  }
0x90: {  	s18 =	sld [smem:$0x3FD0];
	(tm) =	ssettm $0x1  }
0x91: {  	s19 =	sld [smem:$0x3FFB];
	_ =	sdelay $0x3  }
0x92: {  	_ =	strace s19  }
0x93: {  	s2 =	sld [smem:$0x3FFC];
	_ =	sdelay $0x3  }
0x94: {  	_ =	strace s2  }
0x95: {  	s2 =	sld [smem:$0x3FFD];
	_ =	sdelay $0x3  }
0x96: {  	_ =	strace s2  }
0x97: {  	_ =	strace $0x8FFFFFFF  }
0x98: {  	s20 =	sld [smem:$0x3FDB];
	_ =	sdelay $0x1  }
0x99: {  	s4 =	simm.s32 $_scs_section_size  }
0x9a: {  	s5 =	simm.s32 $_size__tile_overlayer_lowered;
	s6 =	simm.s32 $_tile_overlayer_lowered  }
0x9b: {  	s7 =	simm.s32 $0x1BFF;
	s21 =	sshll.u32 s6, $0x1;
	s4 =	sadd.s32 s4, s20  }
0x9c: {  	s22 =	simm.s32 $0x0;
	s5 =	sshll.u32 s5, $0x1;
	s6 =	sadd.s32 s21, s4  }
0x9d: {  	[timem:s22], [sflag:s7] =	dma.local [hbm:s6], s5  }
0x9e: {  	_ =	swait.ge [sflag:s7], s5  }
0x9f: {  	s5 =	ssub.s32 $0x0, s5;
	[sflag:s7] =	ssyncset.done $0x0  }
0xa0: {  	[sflag:s7] =	ssyncadd.s32 s5;
	_ =	sdelay $0x1  }
0xa1: {  	s23 =	simm.s32 $0x1B8B  }
0xa2: {  	_ =	swait.ge [sflag:s23], $0x1  }
0xa3: {  	[sflag:s23] =	ssyncset.done $0x0  }
0xa4: {  	[sflag:s23] =	ssyncadd.s32 $0xFFFFFFFF  }
0xa5: {  	s5 =	sld [smem:$0x0]  }
0xa6: {  	s6 =	sand.u32 $0xFFFFFFFE, s1  }
0xa7: {  	p0 =	sne.s32 s1, s6  }
0xa8: {  	s6 =	sshll.u32 @p0 s6, $0xE  }
0xa9: {  	s6 =	sadd.s32 @p0 $0x11B8D, s6;
	s7 =	sshll.u32 @p0 s5, $0x11  }
0xaa: {  	s6 =	sor.u32 @p0 s7, s6  }
0xab: {  	[sflag:s6] =	ssyncadd.remote.s32 @p0 $0x1;
	_ =	sdelay $0x1  }
0xac: {  	s6 =	simm.s32 @p0 $0x1B8D  }
0xad: {  	_ =	swait.eq @p0 [sflag:s6], $0x1  }
0xae: {  	[sflag:s6] =	ssyncadd.s32 @p0 $0xFFFFFFFF  }
0xaf: {  	s7 =	sshll.u32 @!p0 s1, $0xE  }
0xb0: {  	s7 =	sor.u32 @!p0 $0x4000, s7;
	s6 =	simm.s32 @!p0 $0x1B8D  }
0xb1: {  	s5 =	sshll.u32 @!p0 s5, $0x11;
	s7 =	sadd.s32 @!p0 $0x11B8D, s7;
	_ =	swait.eq @!p0 [sflag:s6], $0x1  }
0xb2: {  	s5 =	sor.u32 @!p0 s5, s7;
	[sflag:s6] =	ssyncadd.s32 @!p0 $0xFFFFFFFF  }
0xb3: {  	s25 =	simm.s32 $0x1B8E;
	s24 =	sld [smem:$0x3FFE];
	[sflag:s5] =	ssyncadd.remote.s32 @!p0 $0x1  }
0xb4: {  	s26 =	simm.s32 $execute0_lowered;
	[smem:$0x3FD2] =	sst s25  }
0xb5: {  	s6 =	sshll.u32 s26, $0x1;
	_ =	strace $0x80000049;
	[dreg:$0x1] =	wrdreg $0xFFFFFFFF  }
0xb6: {  	s28 =	simm.s32 $_size_execute0_lowered;
	s4 =	sadd.s32 s4, s6;
	[dreg:$0x0] =	wrdreg $0x0  }
0xb7: {  	s6 =	sshll.u32 s28, $0x1;
	[dreg:$0x2] =	wrdreg s4  }
0xb8: {  	[dreg:$0x3] =	wrdreg s6  }
0xb9: {  	[dreg:$0x4] =	wrdreg $0xC0  }
0xba: {  	_ =	task [dreg:s22], $0x5FFFF  }
0xbb: {  	[dreg:$0x1] =	wrdreg $0xFFFFFFFF  }
0xbc: {  	[dreg:$0x0] =	wrdreg $0x60  }
0xbd: {  	[dreg:$0x2] =	wrdreg s24  }
0xbe: {  	[dreg:$0x3] =	wrdreg s18  }
0xbf: {  	[dreg:$0x4] =	wrdreg $0x41000  }
0xc0: {  	[dreg:$0x5] =	wrdreg $0x9  }
0xc1: {  	_ =	task.clear_ibuf [dreg:s22], $0x6FFFF;
	_ =	strace $0x90000049  }
0xc2: {  	s29 =	simm.s32 $0x9;
	_ =	strace $0x8000004B  }
0xc3: {  	_ =	swait.ge [sflag:s29], $0x1  }
0xc4: {  	[sflag:s29] =	ssyncadd.s32 $0xFFFFFFFF  }
0xc5: {  	_ =	strace $0x9000004B  }
0xc6: {  	_ =	sfence  }
0xc7: {  	s30 =	sld [smem:$0x0];
	_ =	sdelay $0x2  }
0xc8: {  	s31 =	sshll.u32 s1, $0xD;
	s1 =	sshrl.u32 s1, $0x2  }
0xc9: {  	s4 =	sand.u32 $0x4000, s31;
	s1 =	sadd.s32 s1, s30  }
0xca: {  	s0 =	sor.u32 s4, s0;
	s1 =	sshll.u32 s1, $0x11  }
0xcb: {  	s0 =	sor.u32 s1, s0  }
0xcc: {  	s0 =	sadd.s32 $0x8F2B, s0  }
0xcd: {  	[sflag:s0] =	ssyncadd.remote.s32 $0x1  }
0xce: {  	_ =	sfence.sel $0xFFFF  }
0xcf: {  	[dreg:$0x0] =	wrdreg $0xFFFFFFFF;
	(pc) =	sbr.abs _section_cstart, $3  }
0xd0: {  	[dreg:$0x1] =	wrdreg $0xFFFFFFFF  }
0xd1: {  	_ =	task.clear_ibuf [dreg:s22], $0x2FFFF;
	_ =	strace $0x9FFFFFFF  }
0xd2: {  	(tm) =	ssettm $0x7FFFFFFF  }
0xd3: {  	_ =	shalt  }
tec
execute0_lowered:
.L_overlay_start_1:
0x0: {  	(tag) =	ssettag $0x1  }
0x1: {  	s6 =	rddreg [dreg:$0x0]  }
0x2: {  	s9 =	rddreg [dreg:$0x1]  }
0x3: {  	s0 =	srdreg.scid;
	s2 =	rddreg [dreg:$0x2]  }
0x4: {  	s1 =	rddreg [dreg:$0x3];
	s3 =	simm.s32 $0x0;
	s7 =	sand.u32 $0x1, s0  }
0x5: {  	s14 =	simm.s32 $0x4080;
	s0 =	stileid.u32;
	s4 =	smul.u32 $0x4E800, s7  }
0x6: {  	s15 =	simm.s32 $0x80;
	s16 =	simm.s32 $0x1;
	s5 =	smul.u32 $0x4E80, s0  }
0x7: {  	s17 =	simm.s32 $0x0;
	[smem:$0x7FF] =	sst s3;
	s8 =	smul.u32 $0x2800, s0  }
0x8: {  	_ =	strace $0x8000004A;
	s11 =	smul.u32 $0x28000, s7;
	s7 =	ssub.s32 $0x2, s7  }
0x9: {  	s13 =	smul.u32 $0x50000, s0;
	s31 =	sshll.u32 s0, $0x6;
	s28 =	sshrl.u32 s7, $0x1  }
0xa: {  	s4 =	sadd.s32 s5, s4;
	s5 =	sadd.s32 $0x19E00, s6;
	s8 =	sadd.s32 s8, s11  }
0xb: {  	s29 =	sshrl.u32 s13, $0x2;
	s30 =	ssub.s32 s7, s28;
	s13 =	simm.s32 $0x4000  }
0xc: {  	s10 =	sshrl.u32 s4, $0x3;
	s4 =	sadd.s32 $0x6C600, s6;
	s8 =	sadd.s32 s8, s6  }
0xd: {  	s11 =	sadd.s32 s29, s2;
	s12 =	sadd.s32 s10, s6;
	s6 =	sor.u32 $0x1C02, s31  }
0xe: {  	s7 =	sadd.s32 $0x93800, s8;
	s8 =	smax.u32 s30, $0x1;
	s9 =	sadd.s32 s10, s9  }
0xf: {  	s11 =	sshrl.u32 s11, $0x3;
	s10 =	sadd.s32 $0x6400, s12;
	s12 =	simm.s32 $0x2  }
.LBB2_1:
0x10: {  	[spmem:s11], [sflag:s6] =	dma.local [hbm:s5], $0x2800  }
0x11: {  	_ =	swait.ge [sflag:s12], $0x2800  }
0x12: {  	[sflag:s12] =	ssyncset.done $0x0  }
0x13: {  	[sflag:s12] =	ssyncadd.s32 $0xFFFFD800  }
0x14: {  	s18 =	sadd.s32 $0x0, s10;
	[bflag:$0x0] =	sbarrier.arrive $0xFFFF  }
0x15: {  	[tilespmem:s13], [sflag:$0x2] =	stream.linear.gather [hbm4b:s18+s3], $0x80, $0x38;
	[tilespmem:$0x18100] =	vst v63  }
0x16: {  	_ =	swait.ge [sflag:s12], $0x80  }
0x17: {  	[sflag:s12] =	ssyncset.done $0x0  }
0x18: {  	s31 =	sadd.s32 $0x0, s9;
	[sflag:s12] =	ssyncadd.s32 $0xFFFFFF80  }
0x19: {  	[tilespmem:s14], [sflag:$0x2] =	stream.linear.gather [hbm4b:s31+s3], $0x80, $0x38;
	[tilespmem:$0x18100] =	vst v63  }
0x1a: {  	_ =	swait.ge [sflag:s12], $0x80  }
0x1b: {  	[sflag:s12] =	ssyncset.done $0x0  }
0x1c: {  	[sflag:s12] =	ssyncadd.s32 $0xFFFFFF80  }
0x1d: {  	[tilespmem:s3], [sflag:$0x1] =	stream.indirect.gather [hbm4b:s4+s15], $0x80, s13, s15, $0xb8;
	[tilespmem:$0x18100] =	vst v63  }
0x1e: {  	_ =	swait.ge [sflag:s16], $0x4000  }
0x1f: {  	[sflag:s16] =	ssyncset.done $0x0  }
0x20: {  	[sflag:s16] =	ssyncadd.s32 $0xFFFFC000  }
0x21: {  	[spmem:s2] =	stream.indirect.scatter.add.f32 [tilespmem:s3], [sflag:$0x2], $0x80, s14, s15, $0xb8;
	[tilespmem:$0x18100] =	vst v63  }
0x22: {  	_ =	swait.ge [sflag:s12], $0x4000  }
0x23: {  	s19 =	simm.s32 $0x20;
	s18 =	simm.s32 $0x10;
	[sflag:s12] =	ssyncset.done $0x0  }
.LBB2_2:
0x24: {  	s20 =	sadd.s32 s18, s10  }
0x25: {  	[sflag:s12] =	ssyncadd.s32 $0xFFFFC000;
	s21 =	smov.u32 s19;
	s22 =	sadd.s32 $0x10, s19  }
0x26: {  	[tilespmem:s13], [sflag:$0x2] =	stream.linear.gather [hbm4b:s20+s3], $0x80, $0x38;
	[tilespmem:$0x18100] =	vst v63  }
0x27: {  	p0 =	sne.s32 s19, $0x9C0;
	_ =	swait.ge [sflag:s12], $0x80  }
0x28: {  	[sflag:s12] =	ssyncset.done $0x0  }
0x29: {  	s19 =	sadd.s32 s18, s9;
	s18 =	smov.u32 s21;
	[sflag:s12] =	ssyncadd.s32 $0xFFFFFF80  }
0x2a: {  	[tilespmem:s14], [sflag:$0x2] =	stream.linear.gather [hbm4b:s19+s3], $0x80, $0x38;
	[tilespmem:$0x18100] =	vst v63  }
0x2b: {  	_ =	swait.ge [sflag:s12], $0x80  }
0x2c: {  	[sflag:s12] =	ssyncset.done $0x0  }
0x2d: {  	[sflag:s12] =	ssyncadd.s32 $0xFFFFFF80  }
0x2e: {  	[tilespmem:s3], [sflag:$0x1] =	stream.indirect.gather [hbm4b:s4+s15], $0x80, s13, s15, $0xb8;
	[tilespmem:$0x18100] =	vst v63  }
0x2f: {  	_ =	swait.ge [sflag:s16], $0x4000  }
.Ltmp0:
0x30: {  	[sflag:s16] =	ssyncset.done $0x0;
	(pc) =	sbr.rel @p0 .LBB2_2-.Ltmp0, $4  }
0x31: {  	[sflag:s16] =	ssyncadd.s32 $0xFFFFC000  }
0x32: {  	[spmem:s2] =	stream.indirect.scatter.add.f32 [tilespmem:s3], [sflag:$0x2], $0x80, s14, s15, $0xb8;
	[tilespmem:$0x18100] =	vst v63  }
0x33: {  	_ =	swait.ge [sflag:s12], $0x4000  }
0x34: {  	s19 =	smov.u32 s22;
	[sflag:s12] =	ssyncset.done $0x0  }
0x35: {  	s19 =	sadd.s32 s18, s10;
	[sflag:s12] =	ssyncadd.s32 $0xFFFFC000  }
0x36: {  	[tilespmem:s13], [sflag:$0x2] =	stream.linear.gather [hbm4b:s19+s3], $0x80, $0x38;
	[tilespmem:$0x18100] =	vst v63  }
0x37: {  	_ =	swait.ge [sflag:s12], $0x80  }
0x38: {  	[sflag:s12] =	ssyncset.done $0x0  }
0x39: {  	s31 =	sadd.s32 s18, s9;
	[sflag:s12] =	ssyncadd.s32 $0xFFFFFF80  }
0x3a: {  	[tilespmem:s14], [sflag:$0x2] =	stream.linear.gather [hbm4b:s31+s3], $0x80, $0x38;
	[tilespmem:$0x18100] =	vst v63  }
0x3b: {  	_ =	swait.ge [sflag:s12], $0x80  }
0x3c: {  	[sflag:s12] =	ssyncset.done $0x0  }
0x3d: {  	[sflag:s12] =	ssyncadd.s32 $0xFFFFFF80  }
0x3e: {  	[tilespmem:s3], [sflag:$0x1] =	stream.indirect.gather [hbm4b:s4+s15], $0x80, s13, s15, $0xb8;
	[tilespmem:$0x18100] =	vst v63  }
0x3f: {  	_ =	swait.ge [sflag:s16], $0x4000  }
0x40: {  	[sflag:s16] =	ssyncset.done $0x0  }
0x41: {  	[sflag:s16] =	ssyncadd.s32 $0xFFFFC000  }
0x42: {  	[spmem:s2] =	stream.indirect.scatter.add.f32 [tilespmem:s3], [sflag:$0x2], $0x80, s14, s15, $0xb8;
	[tilespmem:$0x18100] =	vst v63  }
0x43: {  	_ =	swait.ge [sflag:s12], $0x4000  }
0x44: {  	s17 =	sadd.s32 $0x1, s17;
	[sflag:s12] =	ssyncset.done $0x0  }
0x45: {  	p0 =	sne.s32 s17, s8;
	[sflag:s12] =	ssyncadd.s32 $0xFFFFC000  }
.Ltmp1:
0x46: {  	[bflag:$0x0] =	sbarrier.arrive $0xFFFF;
	(pc) =	sbr.rel @p0 .LBB2_1-.Ltmp1, $4  }
0x47: {  	[hbm:s7], [sflag:s6] =	dma.local [spmem:s11], $0x2800  }
0x48: {  	_ =	swait.ge [sflag:s12], $0x2800  }
0x49: {  	[sflag:s12] =	ssyncset.done $0x0  }
0x4a: {  	[sflag:s12] =	ssyncadd.s32 $0xFFFFD800  }
0x4b: {  	_ =	sfence.sel $0x180000  }
0x4c: {  	[bflag:$0x0] =	sbarrier.arrive $0xFFFF  }
0x4d: {  	p0 =	sne.s32 s0, $0x0;
	_ =	strace $0x9000004A  }
0x4e: {  	s0 =	sadd.s32 @!p0 $0x100000, s1;
	[bflag:$0x2] =	sbarrier.arrive $0xFFFF  }
0x4f: {  	[sflag:s0] =	ssyncadd.tile.s32 @!p0 $0x1;
	_ =	shalt  }
.Lfunc_end2:
_tile_overlayer_lowered:
.L_overlay_start_2:
0x50: {  	(tag) =	ssettag $0x2  }
0x51: {  	s0 =	rddreg [dreg:$0x0];
	s2 =	stileid.u32  }
0x52: {  	s1 =	rddreg [dreg:$0x1];
	p0 =	sne.s32 s2, $0x0  }
0x53: {  	s3 =	rddreg [dreg:$0x2];
	[bflag:$0x3] =	sbarrier.arrive $0xFFFF;
	s2 =	simm.s32 @!p0 $0x1C02  }
0x54: {  	[timem:s3], [sflag:s2] =	dma.local @!p0 [hbm:s0], s1  }
0x55: {  	s0 =	simm.s32 @!p0 $0x2  }
0x56: {  	_ =	swait.ge @!p0 [sflag:s0], s1  }
0x57: {  	s1 =	ssub.s32 @!p0 $0x0, s1;
	[sflag:s0] =	ssyncset.done @!p0 $0x0  }
0x58: {  	[sflag:s0] =	ssyncadd.s32 @!p0 s1  }
0x59: {  	[bflag:$0x3] =	sbarrier.arrive $0xFFFF  }
0x5a: {  	_ =	shalt  }

// kernel: kernel.14.cloned.1.call-start
scs
__scs_entry_jumppad:
0x0: {  	(pc) =	sbr.rel $0x88, $3  }
0x1: {  	(tag) =	ssettag $0x0;
	lr =	simm.s32 $0x1  }
0x2: {  	[smem:$0x3F93] =	sst lr;
	_ =	strace $0xD0000000  }
0x3: {  	_ = 	snop  }
0x4: {  	_ = 	snop  }
0x5: {  	_ = 	snop  }
0x6: {  	_ = 	snop  }
0x7: {  	_ = 	snop  }
__scs_overlays_trampoline_lowered:
0x8: {  	[smem:$0x3FA2] =	sst s0  }
0x9: {  	[smem:$0x3FA3] =	sst s1  }
0xa: {  	[smem:$0x3FA4] =	sst s2  }
0xb: {  	[smem:$0x3FA5] =	sst s3  }
0xc: {  	[smem:$0x3FA6] =	sst s4  }
0xd: {  	[smem:$0x3FA7] =	sst s5  }
0xe: {  	[smem:$0x3FA8] =	sst s6  }
0xf: {  	[smem:$0x3FA9] =	sst s7  }
0x10: {  	[smem:$0x3FAA] =	sst s8  }
0x11: {  	[smem:$0x3FAB] =	sst s9;
	s0 =	simm.s32 @!p0 $0x0  }
0x12: {  	s1 =	sld [smem:$0x3F91];
	s0 =	simm.s32 @p0 $0x1  }
0x13: {  	[smem:$0x3FAC] =	sst s0;
	s0 =	simm.s32 @!p1 $0x0  }
0x14: {  	s2 =	sld [smem:$0x3F90];
	s0 =	simm.s32 @p1 $0x1  }
0x15: {  	[smem:$0x3FAD] =	sst s0;
	s0 =	simm.s32 @!p2 $0x0  }
0x16: {  	s3 =	sld [smem:$0x3FDB];
	s0 =	simm.s32 @p2 $0x1  }
0x17: {  	s4 =	simm.s32 $0x1BF5;
	[smem:$0x3FAF] =	sst s0  }
0x18: {  	s0 =	sld [smem:$0x3F92];
	_ =	swait.ge [sflag:s4], $0x0  }
0x19: {  	s7 =	sld [smem:$0x3F93]  }
0x1a: {  	s8 =	sadd.s32 $0xFFFFE003, lr  }
0x1b: {  	s9 =	sadd.s32 $0xFFFFFEF7, lr;
	s5 =	simm.s32 $0xFFFFFFFF;
	p2 =	slt.u32 s8, $0xFFFFF086  }
0x1c: {  	p1 =	slt.u32 s9, $0xF7A;
	s5 =	simm.s32 @!p2 $0x0  }
0x1d: {  	s5 =	simm.s32 @p1 $0x1;
	p0 =	seq.s32 s7, s2  }
0x1e: {  	s7 =	smul.u32 @!p0 $0xF7A, s2;
	p2 =	seq.s32 @!p0 s5, $0x0  }
0x1f: {  	s9 =	smul.u32 $0xF7A, s1;
	s8 =	simm.s32 @!p0 $0x1BF5;
	p2 =	por !p2, p0  }
0x20: {  	[sflag:s8] =	ssyncset.s32 @!p0 $0xFFFFF086;
	s6 =	sadd.s32 @!p0 s3, s7;
	s7 =	simm.s32 @!p0 $0x108  }
0x21: {  	s3 =	sadd.s32 s3, s9;
	s6 =	sadd.s32 @!p0 $0x88, s6;
	s7 =	simm.s32 @p2 $0x1082  }
0x22: {  	[simem:s7], [sflag:s8] =	dma.local @!p0 [hbm:s6], $0xF7A  }
0x23: {  	s9 =	sor.u32 $0xD0000000, s2;
	s6 =	simm.s32 $0x108;
	_ =	swait.ge @!p0 [sflag:s8], $0x0  }
0x24: {  	s3 =	sadd.s32 $0x88, s3;
	s6 =	simm.s32 @!p1 $0x1082;
	[sflag:s4] =	ssyncset.s32 $0xFFFFF086  }
0x25: {  	[simem:s6], [sflag:s4] =	dma.local [hbm:s3], $0xF7A  }
0x26: {  	[smem:$0x3F93] =	sst s1;
	(tag) =	ssettag s2;
	_ =	strace s9  }
0x27: {  	s1 =	sld [smem:$0x3FA3]  }
0x28: {  	s2 =	sld [smem:$0x3FA4]  }
0x29: {  	s4 =	sld [smem:$0x3FA6]  }
0x2a: {  	p0 =	seq.s32 s5, $0x0;
	s5 =	sld [smem:$0x3FA7]  }
0x2b: {  	s6 =	sld [smem:$0x3FA8]  }
0x2c: {  	s7 =	sld [smem:$0x3FA9]  }
0x2d: {  	s3 =	simm.s32 $0x108;
	s8 =	sld [smem:$0x3FAA]  }
0x2e: {  	s3 =	simm.s32 @!p0 $0x1082;
	s9 =	sld [smem:$0x3FAB]  }
0x2f: {  	lr =	sadd.s32 s0, s3;
	s0 =	sld [smem:$0x3FA2]  }
0x30: {  	s3 =	sld [smem:$0x3FA5]  }
0x31: {  	[smem:$0x3FAE] =	sst s10  }
0x32: {  	s10 =	sld [smem:$0x3FAC];
	_ =	sdelay $0x3  }
0x33: {  	p0 =	seq.s32 s10, $0x1;
	s10 =	sld [smem:$0x3FAE];
	_ =	sdelay $0x3  }
0x34: {  	[smem:$0x3FAE] =	sst s10  }
0x35: {  	s10 =	sld [smem:$0x3FAD];
	_ =	sdelay $0x3  }
0x36: {  	p1 =	seq.s32 s10, $0x1;
	s10 =	sld [smem:$0x3FAE];
	_ =	sdelay $0x3  }
0x37: {  	[smem:$0x3FAE] =	sst s10  }
0x38: {  	s10 =	sld [smem:$0x3FAF]  }
0x39: {  	_ = 	snop;
	(pc) =	sbr.ind lr, $3  }
0x3a: {  	_ = 	snop  }
0x3b: {  	_ = 	snop  }
0x3c: {  	p2 =	seq.s32 s10, $0x1;
	s10 =	sld [smem:$0x3FAE]  }
0x3d: {  	_ =	shalt  }
0x3e: {  	_ =	shalt  }
0x3f: {  	_ =	shalt  }
0x40: {  	_ =	shalt  }
0x41: {  	_ =	shalt  }
0x42: {  	_ =	shalt  }
0x43: {  	_ =	shalt  }
0x44: {  	_ =	shalt  }
0x45: {  	_ =	shalt  }
0x46: {  	_ =	shalt  }
0x47: {  	_ =	shalt  }
0x48: {  	_ =	shalt  }
0x49: {  	_ =	shalt  }
0x4a: {  	_ =	shalt  }
0x4b: {  	_ =	shalt  }
0x4c: {  	_ =	shalt  }
0x4d: {  	_ =	shalt  }
0x4e: {  	_ =	shalt  }
0x4f: {  	_ =	shalt  }
0x50: {  	_ =	shalt  }
0x51: {  	_ =	shalt  }
0x52: {  	_ =	shalt  }
0x53: {  	_ =	shalt  }
0x54: {  	_ =	shalt  }
0x55: {  	_ =	shalt  }
0x56: {  	_ =	shalt  }
0x57: {  	_ =	shalt  }
0x58: {  	_ =	shalt  }
0x59: {  	_ =	shalt  }
0x5a: {  	_ =	shalt  }
0x5b: {  	_ =	shalt  }
0x5c: {  	_ =	shalt  }
0x5d: {  	_ =	shalt  }
0x5e: {  	_ =	shalt  }
0x5f: {  	_ =	shalt  }
0x60: {  	_ =	shalt  }
0x61: {  	_ =	shalt  }
0x62: {  	_ =	shalt  }
0x63: {  	_ =	shalt  }
0x64: {  	_ =	shalt  }
0x65: {  	_ =	shalt  }
0x66: {  	_ =	shalt  }
0x67: {  	_ =	shalt  }
0x68: {  	_ =	shalt  }
0x69: {  	_ =	shalt  }
0x6a: {  	_ =	shalt  }
0x6b: {  	_ =	shalt  }
0x6c: {  	_ =	shalt  }
0x6d: {  	_ =	shalt  }
0x6e: {  	_ =	shalt  }
0x6f: {  	_ =	shalt  }
0x70: {  	_ =	shalt  }
0x71: {  	_ =	shalt  }
0x72: {  	_ =	shalt  }
0x73: {  	_ =	shalt  }
0x74: {  	_ =	shalt  }
0x75: {  	_ =	shalt  }
0x76: {  	_ =	shalt  }
0x77: {  	_ =	shalt  }
0x78: {  	_ =	shalt  }
0x79: {  	_ =	shalt  }
0x7a: {  	_ =	shalt  }
0x7b: {  	_ =	shalt  }
0x7c: {  	_ =	shalt  }
0x7d: {  	_ =	shalt  }
0x7e: {  	_ =	shalt  }
0x7f: {  	_ =	shalt  }
0x80: {  	_ =	shalt  }
0x81: {  	_ =	shalt  }
0x82: {  	_ =	shalt  }
0x83: {  	_ =	shalt  }
0x84: {  	_ =	shalt  }
0x85: {  	_ =	shalt  }
0x86: {  	_ =	shalt  }
0x87: {  	_ =	shalt  }
.Lfunc_end0:
.L_simem_size_0:
called_computation.1_lowered:
.L_overlay_start_0:
0x88: {  	s2 =	sld [smem:$0x3FD9]  }
0x89: {  	s3 =	sld [smem:$0x3FFE];
	_ =	sdelay $0x1  }
0x8a: {  	s1 =	srdreg.scid  }
0x8b: {  	s0 =	sand.u32 $0x1, s1  }
0x8c: {  	s17 =	sshll.u32 s0, $0xA;
	s2 =	sadd.s32 s3, s2  }
0x8d: {  	s2 =	sadd.s32 s2, s17  }
0x8e: {  	[smem:$0x3FBA] =	sst s2  }
0x8f: {  	_ = 	snop  }
0x90: {  	s2 =	sld [smem:$0x3FC9]  }
0x91: {  	s18 =	sld [smem:$0x3FD0];
	(tm) =	ssettm $0x1  }
0x92: {  	s4 =	sld [smem:$0x3FFB];
	_ =	sdelay $0x3  }
0x93: {  	_ =	strace s4  }
0x94: {  	s4 =	sld [smem:$0x3FFC];
	_ =	sdelay $0x3  }
0x95: {  	_ =	strace s4  }
0x96: {  	s4 =	sld [smem:$0x3FFD];
	_ =	sdelay $0x3  }
0x97: {  	_ =	strace s4  }
0x98: {  	_ =	strace $0x8FFFFFFF  }
0x99: {  	s19 =	sld [smem:$0x3FDB];
	_ =	sdelay $0x1  }
0x9a: {  	s5 =	simm.s32 $_scs_section_size  }
0x9b: {  	s6 =	simm.s32 $_size__tile_overlayer_lowered;
	s7 =	simm.s32 $_tile_overlayer_lowered  }
0x9c: {  	s22 =	simm.s32 $0x1BFF;
	s21 =	sshll.u32 s7, $0x1;
	s4 =	sadd.s32 s5, s19  }
0x9d: {  	s8 =	simm.s32 $0x0;
	s20 =	sshll.u32 s6, $0x1;
	s6 =	sadd.s32 s21, s4  }
0x9e: {  	[timem:s8], [sflag:s22] =	dma.local [hbm:s6], s20  }
0x9f: {  	_ =	swait.ge [sflag:s22], s20  }
0xa0: {  	s5 =	ssub.s32 $0x0, s20;
	[sflag:s22] =	ssyncset.done $0x0  }
0xa1: {  	[sflag:s22] =	ssyncadd.s32 s5;
	_ =	sdelay $0x1  }
0xa2: {  	s23 =	simm.s32 $0x1B8B  }
0xa3: {  	_ =	swait.ge [sflag:s23], $0x1  }
0xa4: {  	[sflag:s23] =	ssyncset.done $0x0  }
0xa5: {  	s25 =	simm.s32 $0x1B8E;
	s24 =	sld [smem:$0x3FFE];
	[sflag:s23] =	ssyncadd.s32 $0xFFFFFFFF  }
0xa6: {  	s26 =	simm.s32 $execute0_lowered;
	[smem:$0x3FD2] =	sst s25  }
0xa7: {  	s6 =	sshll.u32 s26, $0x1;
	_ =	strace $0x80000046;
	[dreg:$0x1] =	wrdreg $0xFFFFFFFF  }
0xa8: {  	s28 =	simm.s32 $_size_execute0_lowered;
	s4 =	sadd.s32 s4, s6;
	[dreg:$0x0] =	wrdreg $0x0  }
0xa9: {  	s6 =	sshll.u32 s28, $0x1;
	[dreg:$0x2] =	wrdreg s4  }
0xaa: {  	[dreg:$0x3] =	wrdreg s6  }
0xab: {  	[dreg:$0x4] =	wrdreg $0xC0  }
0xac: {  	_ =	task [dreg:s8], $0x5FFFF  }
0xad: {  	[dreg:$0x1] =	wrdreg $0xFFFFFFFF  }
0xae: {  	[dreg:$0x0] =	wrdreg $0x60  }
0xaf: {  	[dreg:$0x2] =	wrdreg s2  }
0xb0: {  	[dreg:$0x3] =	wrdreg s24  }
0xb1: {  	[dreg:$0x4] =	wrdreg s18  }
0xb2: {  	[dreg:$0x5] =	wrdreg $0x41000  }
0xb3: {  	[dreg:$0x6] =	wrdreg $0xA  }
0xb4: {  	_ =	task.clear_ibuf [dreg:s8], $0x7FFFF;
	_ =	strace $0x90000046  }
0xb5: {  	s29 =	simm.s32 $0xA;
	_ =	strace $0x80000048  }
0xb6: {  	_ =	swait.ge [sflag:s29], $0x1  }
0xb7: {  	[sflag:s29] =	ssyncadd.s32 $0xFFFFFFFF  }
0xb8: {  	_ =	strace $0x90000048  }
0xb9: {  	_ =	sfence  }
0xba: {  	s30 =	sld [smem:$0x0];
	_ =	sdelay $0x2  }
0xbb: {  	s31 =	sshll.u32 s1, $0xD;
	s1 =	sshrl.u32 s1, $0x2  }
0xbc: {  	s3 =	sand.u32 $0x4000, s31;
	s1 =	sadd.s32 s1, s30  }
0xbd: {  	s0 =	sor.u32 s3, s0;
	s1 =	sshll.u32 s1, $0x11  }
0xbe: {  	s0 =	sor.u32 s1, s0  }
0xbf: {  	s0 =	sadd.s32 $0x8F2B, s0  }
0xc0: {  	[sflag:s0] =	ssyncadd.remote.s32 $0x1  }
0xc1: {  	_ =	sfence.sel $0xFFFF  }
0xc2: {  	[dreg:$0x0] =	wrdreg $0xFFFFFFFF;
	(pc) =	sbr.abs _section_cstart, $3  }
0xc3: {  	[dreg:$0x1] =	wrdreg $0xFFFFFFFF  }
0xc4: {  	_ =	task.clear_ibuf [dreg:s8], $0x2FFFF;
	_ =	strace $0x9FFFFFFF  }
0xc5: {  	(tm) =	ssettm $0x7FFFFFFF  }
tec
execute0_lowered:
.L_overlay_start_1:
0x0: {  	(tag) =	ssettag $0x1  }
0x1: {  	s0 =	rddreg [dreg:$0x0]  }
0x2: {  	s6 =	rddreg [dreg:$0x1]  }
0x3: {  	s9 =	rddreg [dreg:$0x2]  }
0x4: {  	s1 =	srdreg.scid;
	s3 =	rddreg [dreg:$0x3]  }
0x5: {  	s2 =	rddreg [dreg:$0x4];
	s7 =	sand.u32 $0x1, s1  }
0x6: {  	s4 =	simm.s32 $0x0;
	s1 =	stileid.u32;
	s5 =	smul.u32 $0x4E800, s7  }
0x7: {  	s14 =	simm.s32 $0x4080;
	s15 =	simm.s32 $0x80;
	s8 =	smul.u32 $0x4E80, s1  }
0x8: {  	s16 =	simm.s32 $0x1;
	[smem:$0x7FF] =	sst s4;
	s26 =	smul.u32 $0x2800, s1  }
0x9: {  	s17 =	simm.s32 $0x0;
	s11 =	smul.u32 $0x28000, s7;
	_ =	strace $0x80000047  }
0xa: {  	s13 =	smul.u32 $0x50000, s1;
	s7 =	ssub.s32 $0x2, s7;
	s31 =	sshll.u32 s1, $0x6  }
0xb: {  	s28 =	sshrl.u32 s7, $0x1;
	s5 =	sadd.s32 s8, s5;
	s8 =	sadd.s32 s26, s11  }
0xc: {  	s29 =	sshrl.u32 s13, $0x2;
	s30 =	ssub.s32 s7, s28;
	s13 =	simm.s32 $0x4000  }
0xd: {  	s10 =	sshrl.u32 s5, $0x3;
	s5 =	sadd.s32 $0x19E00, s6;
	s8 =	sadd.s32 s8, s6  }
0xe: {  	s11 =	sadd.s32 s29, s3;
	s12 =	sadd.s32 s10, s6;
	s6 =	sor.u32 $0x1C02, s31  }
0xf: {  	s7 =	sadd.s32 $0x1C600, s8;
	s8 =	smax.u32 s30, $0x1;
	s9 =	sadd.s32 s10, s9  }
0x10: {  	s11 =	sshrl.u32 s11, $0x3;
	s10 =	sadd.s32 $0x6400, s12;
	s12 =	simm.s32 $0x2  }
.LBB2_1:
0x11: {  	[spmem:s11], [sflag:s6] =	dma.local [hbm:s5], $0x2800  }
0x12: {  	_ =	swait.ge [sflag:s12], $0x2800  }
0x13: {  	[sflag:s12] =	ssyncset.done $0x0  }
0x14: {  	[sflag:s12] =	ssyncadd.s32 $0xFFFFD800  }
0x15: {  	s18 =	sadd.s32 $0x0, s10;
	[bflag:$0x0] =	sbarrier.arrive $0xFFFF  }
0x16: {  	[tilespmem:s13], [sflag:$0x2] =	stream.linear.gather [hbm4b:s18+s4], $0x80, $0x38;
	[tilespmem:$0x18100] =	vst v63  }
0x17: {  	_ =	swait.ge [sflag:s12], $0x80  }
0x18: {  	[sflag:s12] =	ssyncset.done $0x0  }
0x19: {  	s31 =	sadd.s32 $0x0, s9;
	[sflag:s12] =	ssyncadd.s32 $0xFFFFFF80  }
0x1a: {  	[tilespmem:s14], [sflag:$0x2] =	stream.linear.gather [hbm4b:s31+s4], $0x80, $0x38;
	[tilespmem:$0x18100] =	vst v63  }
0x1b: {  	_ =	swait.ge [sflag:s12], $0x80  }
0x1c: {  	[sflag:s12] =	ssyncset.done $0x0  }
0x1d: {  	[sflag:s12] =	ssyncadd.s32 $0xFFFFFF80  }
0x1e: {  	[tilespmem:s4], [sflag:$0x1] =	stream.indirect.gather [hbm4b:s0+s15], $0x80, s13, s15, $0xb8;
	[tilespmem:$0x18100] =	vst v63  }
0x1f: {  	_ =	swait.ge [sflag:s16], $0x4000  }
0x20: {  	[sflag:s16] =	ssyncset.done $0x0  }
0x21: {  	[sflag:s16] =	ssyncadd.s32 $0xFFFFC000  }
0x22: {  	[spmem:s3] =	stream.indirect.scatter.add.f32 [tilespmem:s4], [sflag:$0x2], $0x80, s14, s15, $0xb8;
	[tilespmem:$0x18100] =	vst v63  }
0x23: {  	_ =	swait.ge [sflag:s12], $0x4000  }
0x24: {  	s19 =	simm.s32 $0x20;
	s18 =	simm.s32 $0x10;
	[sflag:s12] =	ssyncset.done $0x0  }
.LBB2_2:
0x25: {  	s20 =	sadd.s32 s18, s10  }
0x26: {  	[sflag:s12] =	ssyncadd.s32 $0xFFFFC000;
	s21 =	smov.u32 s19;
	s22 =	sadd.s32 $0x10, s19  }
0x27: {  	[tilespmem:s13], [sflag:$0x2] =	stream.linear.gather [hbm4b:s20+s4], $0x80, $0x38;
	[tilespmem:$0x18100] =	vst v63  }
0x28: {  	p0 =	sne.s32 s19, $0x9C0;
	_ =	swait.ge [sflag:s12], $0x80  }
0x29: {  	[sflag:s12] =	ssyncset.done $0x0  }
0x2a: {  	s19 =	sadd.s32 s18, s9;
	s18 =	smov.u32 s21;
	[sflag:s12] =	ssyncadd.s32 $0xFFFFFF80  }
0x2b: {  	[tilespmem:s14], [sflag:$0x2] =	stream.linear.gather [hbm4b:s19+s4], $0x80, $0x38;
	[tilespmem:$0x18100] =	vst v63  }
0x2c: {  	_ =	swait.ge [sflag:s12], $0x80  }
0x2d: {  	[sflag:s12] =	ssyncset.done $0x0  }
0x2e: {  	[sflag:s12] =	ssyncadd.s32 $0xFFFFFF80  }
0x2f: {  	[tilespmem:s4], [sflag:$0x1] =	stream.indirect.gather [hbm4b:s0+s15], $0x80, s13, s15, $0xb8;
	[tilespmem:$0x18100] =	vst v63  }
0x30: {  	_ =	swait.ge [sflag:s16], $0x4000  }
.Ltmp0:
0x31: {  	[sflag:s16] =	ssyncset.done $0x0;
	(pc) =	sbr.rel @p0 .LBB2_2-.Ltmp0, $4  }
0x32: {  	[sflag:s16] =	ssyncadd.s32 $0xFFFFC000  }
0x33: {  	[spmem:s3] =	stream.indirect.scatter.add.f32 [tilespmem:s4], [sflag:$0x2], $0x80, s14, s15, $0xb8;
	[tilespmem:$0x18100] =	vst v63  }
0x34: {  	_ =	swait.ge [sflag:s12], $0x4000  }
0x35: {  	s19 =	smov.u32 s22;
	[sflag:s12] =	ssyncset.done $0x0  }
0x36: {  	s19 =	sadd.s32 s18, s10;
	[sflag:s12] =	ssyncadd.s32 $0xFFFFC000  }
0x37: {  	[tilespmem:s13], [sflag:$0x2] =	stream.linear.gather [hbm4b:s19+s4], $0x80, $0x38;
	[tilespmem:$0x18100] =	vst v63  }
0x38: {  	_ =	swait.ge [sflag:s12], $0x80  }
0x39: {  	[sflag:s12] =	ssyncset.done $0x0  }
0x3a: {  	s31 =	sadd.s32 s18, s9;
	[sflag:s12] =	ssyncadd.s32 $0xFFFFFF80  }
0x3b: {  	[tilespmem:s14], [sflag:$0x2] =	stream.linear.gather [hbm4b:s31+s4], $0x80, $0x38;
	[tilespmem:$0x18100] =	vst v63  }
0x3c: {  	_ =	swait.ge [sflag:s12], $0x80  }
0x3d: {  	[sflag:s12] =	ssyncset.done $0x0  }
0x3e: {  	[sflag:s12] =	ssyncadd.s32 $0xFFFFFF80  }
0x3f: {  	[tilespmem:s4], [sflag:$0x1] =	stream.indirect.gather [hbm4b:s0+s15], $0x80, s13, s15, $0xb8;
	[tilespmem:$0x18100] =	vst v63  }
0x40: {  	_ =	swait.ge [sflag:s16], $0x4000  }
0x41: {  	[sflag:s16] =	ssyncset.done $0x0  }
0x42: {  	[sflag:s16] =	ssyncadd.s32 $0xFFFFC000  }
0x43: {  	[spmem:s3] =	stream.indirect.scatter.add.f32 [tilespmem:s4], [sflag:$0x2], $0x80, s14, s15, $0xb8;
	[tilespmem:$0x18100] =	vst v63  }
0x44: {  	_ =	swait.ge [sflag:s12], $0x4000  }
0x45: {  	s17 =	sadd.s32 $0x1, s17;
	[sflag:s12] =	ssyncset.done $0x0  }
0x46: {  	p0 =	sne.s32 s17, s8;
	[sflag:s12] =	ssyncadd.s32 $0xFFFFC000  }
.Ltmp1:
0x47: {  	[bflag:$0x0] =	sbarrier.arrive $0xFFFF;
	(pc) =	sbr.rel @p0 .LBB2_1-.Ltmp1, $4  }
0x48: {  	[hbm:s7], [sflag:s6] =	dma.local [spmem:s11], $0x2800  }
0x49: {  	_ =	swait.ge [sflag:s12], $0x2800  }
0x4a: {  	[sflag:s12] =	ssyncset.done $0x0  }
0x4b: {  	[sflag:s12] =	ssyncadd.s32 $0xFFFFD800  }
0x4c: {  	_ =	sfence.sel $0x180000  }
0x4d: {  	[bflag:$0x0] =	sbarrier.arrive $0xFFFF  }
0x4e: {  	p0 =	sne.s32 s1, $0x0;
	_ =	strace $0x90000047  }
0x4f: {  	s0 =	sadd.s32 @!p0 $0x100000, s2;
	[bflag:$0x2] =	sbarrier.arrive $0xFFFF  }
0x50: {  	[sflag:s0] =	ssyncadd.tile.s32 @!p0 $0x1;
	_ =	shalt  }
.Lfunc_end2:
_tile_overlayer_lowered:
.L_overlay_start_2:
0x51: {  	(tag) =	ssettag $0x2  }
0x52: {  	s0 =	rddreg [dreg:$0x0];
	s2 =	stileid.u32  }
0x53: {  	s1 =	rddreg [dreg:$0x1];
	p0 =	sne.s32 s2, $0x0  }
0x54: {  	s3 =	rddreg [dreg:$0x2];
	[bflag:$0x3] =	sbarrier.arrive $0xFFFF;
	s2 =	simm.s32 @!p0 $0x1C02  }
0x55: {  	[timem:s3], [sflag:s2] =	dma.local @!p0 [hbm:s0], s1  }
0x56: {  	s0 =	simm.s32 @!p0 $0x2  }
0x57: {  	_ =	swait.ge @!p0 [sflag:s0], s1  }
0x58: {  	s1 =	ssub.s32 @!p0 $0x0, s1;
	[sflag:s0] =	ssyncset.done @!p0 $0x0  }
0x59: {  	[sflag:s0] =	ssyncadd.s32 @!p0 s1  }
0x5a: {  	[bflag:$0x3] =	sbarrier.arrive $0xFFFF  }
0x5b: {  	_ =	shalt  }

// kernel: kernel.17.cloned.1.call-start
scs
__scs_entry_jumppad:
0x0: {  	(pc) =	sbr.rel $0x88, $3  }
0x1: {  	(tag) =	ssettag $0x0;
	lr =	simm.s32 $0x1  }
0x2: {  	[smem:$0x3F93] =	sst lr;
	_ =	strace $0xD0000000  }
0x3: {  	_ = 	snop  }
0x4: {  	_ = 	snop  }
0x5: {  	_ = 	snop  }
0x6: {  	_ = 	snop  }
0x7: {  	_ = 	snop  }
__scs_overlays_trampoline_lowered:
0x8: {  	[smem:$0x3FA2] =	sst s0  }
0x9: {  	[smem:$0x3FA3] =	sst s1  }
0xa: {  	[smem:$0x3FA4] =	sst s2  }
0xb: {  	[smem:$0x3FA5] =	sst s3  }
0xc: {  	[smem:$0x3FA6] =	sst s4  }
0xd: {  	[smem:$0x3FA7] =	sst s5  }
0xe: {  	[smem:$0x3FA8] =	sst s6  }
0xf: {  	[smem:$0x3FA9] =	sst s7  }
0x10: {  	[smem:$0x3FAA] =	sst s8  }
0x11: {  	[smem:$0x3FAB] =	sst s9;
	s0 =	simm.s32 @!p0 $0x0  }
0x12: {  	s1 =	sld [smem:$0x3F91];
	s0 =	simm.s32 @p0 $0x1  }
0x13: {  	[smem:$0x3FAC] =	sst s0;
	s0 =	simm.s32 @!p1 $0x0  }
0x14: {  	s2 =	sld [smem:$0x3F90];
	s0 =	simm.s32 @p1 $0x1  }
0x15: {  	[smem:$0x3FAD] =	sst s0;
	s0 =	simm.s32 @!p2 $0x0  }
0x16: {  	s3 =	sld [smem:$0x3FDB];
	s0 =	simm.s32 @p2 $0x1  }
0x17: {  	s4 =	simm.s32 $0x1BF5;
	[smem:$0x3FAF] =	sst s0  }
0x18: {  	s0 =	sld [smem:$0x3F92];
	_ =	swait.ge [sflag:s4], $0x0  }
0x19: {  	s7 =	sld [smem:$0x3F93]  }
0x1a: {  	s8 =	sadd.s32 $0xFFFFE003, lr  }
0x1b: {  	s9 =	sadd.s32 $0xFFFFFEF7, lr;
	s5 =	simm.s32 $0xFFFFFFFF;
	p2 =	slt.u32 s8, $0xFFFFF086  }
0x1c: {  	p1 =	slt.u32 s9, $0xF7A;
	s5 =	simm.s32 @!p2 $0x0  }
0x1d: {  	s5 =	simm.s32 @p1 $0x1;
	p0 =	seq.s32 s7, s2  }
0x1e: {  	s7 =	smul.u32 @!p0 $0xF7A, s2;
	p2 =	seq.s32 @!p0 s5, $0x0  }
0x1f: {  	s9 =	smul.u32 $0xF7A, s1;
	s8 =	simm.s32 @!p0 $0x1BF5;
	p2 =	por !p2, p0  }
0x20: {  	[sflag:s8] =	ssyncset.s32 @!p0 $0xFFFFF086;
	s6 =	sadd.s32 @!p0 s3, s7;
	s7 =	simm.s32 @!p0 $0x108  }
0x21: {  	s3 =	sadd.s32 s3, s9;
	s6 =	sadd.s32 @!p0 $0x88, s6;
	s7 =	simm.s32 @p2 $0x1082  }
0x22: {  	[simem:s7], [sflag:s8] =	dma.local @!p0 [hbm:s6], $0xF7A  }
0x23: {  	s9 =	sor.u32 $0xD0000000, s2;
	s6 =	simm.s32 $0x108;
	_ =	swait.ge @!p0 [sflag:s8], $0x0  }
0x24: {  	s3 =	sadd.s32 $0x88, s3;
	s6 =	simm.s32 @!p1 $0x1082;
	[sflag:s4] =	ssyncset.s32 $0xFFFFF086  }
0x25: {  	[simem:s6], [sflag:s4] =	dma.local [hbm:s3], $0xF7A  }
0x26: {  	[smem:$0x3F93] =	sst s1;
	(tag) =	ssettag s2;
	_ =	strace s9  }
0x27: {  	s1 =	sld [smem:$0x3FA3]  }
0x28: {  	s2 =	sld [smem:$0x3FA4]  }
0x29: {  	s4 =	sld [smem:$0x3FA6]  }
0x2a: {  	p0 =	seq.s32 s5, $0x0;
	s5 =	sld [smem:$0x3FA7]  }
0x2b: {  	s6 =	sld [smem:$0x3FA8]  }
0x2c: {  	s7 =	sld [smem:$0x3FA9]  }
0x2d: {  	s3 =	simm.s32 $0x108;
	s8 =	sld [smem:$0x3FAA]  }
0x2e: {  	s3 =	simm.s32 @!p0 $0x1082;
	s9 =	sld [smem:$0x3FAB]  }
0x2f: {  	lr =	sadd.s32 s0, s3;
	s0 =	sld [smem:$0x3FA2]  }
0x30: {  	s3 =	sld [smem:$0x3FA5]  }
0x31: {  	[smem:$0x3FAE] =	sst s10  }
0x32: {  	s10 =	sld [smem:$0x3FAC];
	_ =	sdelay $0x3  }
0x33: {  	p0 =	seq.s32 s10, $0x1;
	s10 =	sld [smem:$0x3FAE];
	_ =	sdelay $0x3  }
0x34: {  	[smem:$0x3FAE] =	sst s10  }
0x35: {  	s10 =	sld [smem:$0x3FAD];
	_ =	sdelay $0x3  }
0x36: {  	p1 =	seq.s32 s10, $0x1;
	s10 =	sld [smem:$0x3FAE];
	_ =	sdelay $0x3  }
0x37: {  	[smem:$0x3FAE] =	sst s10  }
0x38: {  	s10 =	sld [smem:$0x3FAF]  }
0x39: {  	_ = 	snop;
	(pc) =	sbr.ind lr, $3  }
0x3a: {  	_ = 	snop  }
0x3b: {  	_ = 	snop  }
0x3c: {  	p2 =	seq.s32 s10, $0x1;
	s10 =	sld [smem:$0x3FAE]  }
0x3d: {  	_ =	shalt  }
0x3e: {  	_ =	shalt  }
0x3f: {  	_ =	shalt  }
0x40: {  	_ =	shalt  }
0x41: {  	_ =	shalt  }
0x42: {  	_ =	shalt  }
0x43: {  	_ =	shalt  }
0x44: {  	_ =	shalt  }
0x45: {  	_ =	shalt  }
0x46: {  	_ =	shalt  }
0x47: {  	_ =	shalt  }
0x48: {  	_ =	shalt  }
0x49: {  	_ =	shalt  }
0x4a: {  	_ =	shalt  }
0x4b: {  	_ =	shalt  }
0x4c: {  	_ =	shalt  }
0x4d: {  	_ =	shalt  }
0x4e: {  	_ =	shalt  }
0x4f: {  	_ =	shalt  }
0x50: {  	_ =	shalt  }
0x51: {  	_ =	shalt  }
0x52: {  	_ =	shalt  }
0x53: {  	_ =	shalt  }
0x54: {  	_ =	shalt  }
0x55: {  	_ =	shalt  }
0x56: {  	_ =	shalt  }
0x57: {  	_ =	shalt  }
0x58: {  	_ =	shalt  }
0x59: {  	_ =	shalt  }
0x5a: {  	_ =	shalt  }
0x5b: {  	_ =	shalt  }
0x5c: {  	_ =	shalt  }
0x5d: {  	_ =	shalt  }
0x5e: {  	_ =	shalt  }
0x5f: {  	_ =	shalt  }
0x60: {  	_ =	shalt  }
0x61: {  	_ =	shalt  }
0x62: {  	_ =	shalt  }
0x63: {  	_ =	shalt  }
0x64: {  	_ =	shalt  }
0x65: {  	_ =	shalt  }
0x66: {  	_ =	shalt  }
0x67: {  	_ =	shalt  }
0x68: {  	_ =	shalt  }
0x69: {  	_ =	shalt  }
0x6a: {  	_ =	shalt  }
0x6b: {  	_ =	shalt  }
0x6c: {  	_ =	shalt  }
0x6d: {  	_ =	shalt  }
0x6e: {  	_ =	shalt  }
0x6f: {  	_ =	shalt  }
0x70: {  	_ =	shalt  }
0x71: {  	_ =	shalt  }
0x72: {  	_ =	shalt  }
0x73: {  	_ =	shalt  }
0x74: {  	_ =	shalt  }
0x75: {  	_ =	shalt  }
0x76: {  	_ =	shalt  }
0x77: {  	_ =	shalt  }
0x78: {  	_ =	shalt  }
0x79: {  	_ =	shalt  }
0x7a: {  	_ =	shalt  }
0x7b: {  	_ =	shalt  }
0x7c: {  	_ =	shalt  }
0x7d: {  	_ =	shalt  }
0x7e: {  	_ =	shalt  }
0x7f: {  	_ =	shalt  }
0x80: {  	_ =	shalt  }
0x81: {  	_ =	shalt  }
0x82: {  	_ =	shalt  }
0x83: {  	_ =	shalt  }
0x84: {  	_ =	shalt  }
0x85: {  	_ =	shalt  }
0x86: {  	_ =	shalt  }
0x87: {  	_ =	shalt  }
.Lfunc_end0:
.L_simem_size_0:
called_computation.2_lowered:
.L_overlay_start_0:
0x88: {  	s2 =	sld [smem:$0x3FD9]  }
0x89: {  	s3 =	sld [smem:$0x3FFE];
	_ =	sdelay $0x1  }
0x8a: {  	s1 =	srdreg.scid  }
0x8b: {  	s0 =	sand.u32 $0x1, s1  }
0x8c: {  	s17 =	sshll.u32 s0, $0xA;
	s2 =	sadd.s32 s3, s2  }
0x8d: {  	s2 =	sadd.s32 s2, s17  }
0x8e: {  	[smem:$0x3FBA] =	sst s2  }
0x8f: {  	_ = 	snop  }
0x90: {  	s2 =	sld [smem:$0x3FD0];
	(tm) =	ssettm $0x1  }
0x91: {  	s18 =	sld [smem:$0x3FFB];
	_ =	sdelay $0x3  }
0x92: {  	_ =	strace s18  }
0x93: {  	s3 =	sld [smem:$0x3FFC];
	_ =	sdelay $0x3  }
0x94: {  	_ =	strace s3  }
0x95: {  	s3 =	sld [smem:$0x3FFD];
	_ =	sdelay $0x3  }
0x96: {  	_ =	strace s3  }
0x97: {  	_ =	strace $0x8FFFFFFF  }
0x98: {  	s19 =	sld [smem:$0x3FDB];
	_ =	sdelay $0x1  }
0x99: {  	s4 =	simm.s32 $_scs_section_size  }
0x9a: {  	s5 =	simm.s32 $_size__tile_overlayer_lowered;
	s6 =	simm.s32 $_tile_overlayer_lowered  }
0x9b: {  	s22 =	simm.s32 $0x1BFF;
	s21 =	sshll.u32 s6, $0x1;
	s3 =	sadd.s32 s4, s19  }
0x9c: {  	s7 =	simm.s32 $0x0;
	s20 =	sshll.u32 s5, $0x1;
	s5 =	sadd.s32 s21, s3  }
0x9d: {  	[timem:s7], [sflag:s22] =	dma.local [hbm:s5], s20  }
0x9e: {  	_ =	swait.ge [sflag:s22], s20  }
0x9f: {  	s4 =	ssub.s32 $0x0, s20;
	[sflag:s22] =	ssyncset.done $0x0  }
0xa0: {  	[sflag:s22] =	ssyncadd.s32 s4;
	_ =	sdelay $0x1  }
0xa1: {  	s23 =	simm.s32 $0x1B8B  }
0xa2: {  	_ =	swait.ge [sflag:s23], $0x1  }
0xa3: {  	[sflag:s23] =	ssyncset.done $0x0  }
0xa4: {  	s25 =	simm.s32 $0x1B8E;
	s24 =	sld [smem:$0x3FFE];
	[sflag:s23] =	ssyncadd.s32 $0xFFFFFFFF  }
0xa5: {  	s26 =	simm.s32 $execute0_lowered;
	[smem:$0x3FD2] =	sst s25  }
0xa6: {  	s5 =	sshll.u32 s26, $0x1;
	_ =	strace $0x8000004C;
	[dreg:$0x1] =	wrdreg $0xFFFFFFFF  }
0xa7: {  	s28 =	simm.s32 $_size_execute0_lowered;
	s3 =	sadd.s32 s3, s5;
	[dreg:$0x0] =	wrdreg $0x0  }
0xa8: {  	s5 =	sshll.u32 s28, $0x1;
	[dreg:$0x2] =	wrdreg s3  }
0xa9: {  	[dreg:$0x3] =	wrdreg s5  }
0xaa: {  	[dreg:$0x4] =	wrdreg $0xC0  }
0xab: {  	_ =	task [dreg:s7], $0x5FFFF  }
0xac: {  	[dreg:$0x1] =	wrdreg $0xFFFFFFFF  }
0xad: {  	[dreg:$0x0] =	wrdreg $0x60  }
0xae: {  	[dreg:$0x2] =	wrdreg s24  }
0xaf: {  	[dreg:$0x3] =	wrdreg s2  }
0xb0: {  	[dreg:$0x4] =	wrdreg $0x41000  }
0xb1: {  	[dreg:$0x5] =	wrdreg $0x9  }
0xb2: {  	_ =	task.clear_ibuf [dreg:s7], $0x6FFFF;
	_ =	strace $0x9000004C  }
0xb3: {  	s29 =	simm.s32 $0x9;
	_ =	strace $0x8000004E  }
0xb4: {  	_ =	swait.ge [sflag:s29], $0x1  }
0xb5: {  	[sflag:s29] =	ssyncadd.s32 $0xFFFFFFFF  }
0xb6: {  	_ =	strace $0x9000004E  }
0xb7: {  	_ =	sfence  }
0xb8: {  	s30 =	sld [smem:$0x0];
	_ =	sdelay $0x2  }
0xb9: {  	s31 =	sshll.u32 s1, $0xD;
	s1 =	sshrl.u32 s1, $0x2  }
0xba: {  	s3 =	sand.u32 $0x4000, s31;
	s1 =	sadd.s32 s1, s30  }
0xbb: {  	s0 =	sor.u32 s3, s0;
	s1 =	sshll.u32 s1, $0x11  }
0xbc: {  	s0 =	sor.u32 s1, s0  }
0xbd: {  	s0 =	sadd.s32 $0x8F2B, s0  }
0xbe: {  	[sflag:s0] =	ssyncadd.remote.s32 $0x1  }
0xbf: {  	_ =	sfence.sel $0xFFFF  }
0xc0: {  	[dreg:$0x0] =	wrdreg $0xFFFFFFFF;
	(pc) =	sbr.abs _section_cstart, $3  }
0xc1: {  	[dreg:$0x1] =	wrdreg $0xFFFFFFFF  }
0xc2: {  	_ =	task.clear_ibuf [dreg:s7], $0x2FFFF;
	_ =	strace $0x9FFFFFFF  }
0xc3: {  	(tm) =	ssettm $0x7FFFFFFF  }
tec
execute0_lowered:
.L_overlay_start_1:
0x0: {  	(tag) =	ssettag $0x1  }
0x1: {  	s6 =	rddreg [dreg:$0x0]  }
0x2: {  	s9 =	rddreg [dreg:$0x1]  }
0x3: {  	s0 =	srdreg.scid;
	s2 =	rddreg [dreg:$0x2]  }
0x4: {  	s1 =	rddreg [dreg:$0x3];
	s3 =	simm.s32 $0x0;
	s7 =	sand.u32 $0x1, s0  }
0x5: {  	s14 =	simm.s32 $0x4080;
	s0 =	stileid.u32;
	s4 =	smul.u32 $0x4E800, s7  }
0x6: {  	s15 =	simm.s32 $0x80;
	s16 =	simm.s32 $0x1;
	s5 =	smul.u32 $0x4E80, s0  }
0x7: {  	s17 =	simm.s32 $0x0;
	[smem:$0x7FF] =	sst s3;
	s8 =	smul.u32 $0x2800, s0  }
0x8: {  	_ =	strace $0x8000004D;
	s11 =	smul.u32 $0x28000, s7;
	s7 =	ssub.s32 $0x2, s7  }
0x9: {  	s13 =	smul.u32 $0x50000, s0;
	s31 =	sshll.u32 s0, $0x6;
	s28 =	sshrl.u32 s7, $0x1  }
0xa: {  	s4 =	sadd.s32 s5, s4;
	s5 =	sadd.s32 $0x19E00, s6;
	s8 =	sadd.s32 s8, s11  }
0xb: {  	s29 =	sshrl.u32 s13, $0x2;
	s30 =	ssub.s32 s7, s28;
	s13 =	simm.s32 $0x4000  }
0xc: {  	s10 =	sshrl.u32 s4, $0x3;
	s4 =	sadd.s32 $0x1C600, s6;
	s8 =	sadd.s32 s8, s6  }
0xd: {  	s11 =	sadd.s32 s29, s2;
	s12 =	sadd.s32 s10, s6;
	s6 =	sor.u32 $0x1C02, s31  }
0xe: {  	s7 =	sadd.s32 $0x6AA00, s8;
	s8 =	smax.u32 s30, $0x1;
	s9 =	sadd.s32 s10, s9  }
0xf: {  	s11 =	sshrl.u32 s11, $0x3;
	s10 =	sadd.s32 $0x6400, s12;
	s12 =	simm.s32 $0x2  }
.LBB2_1:
0x10: {  	[spmem:s11], [sflag:s6] =	dma.local [hbm:s5], $0x2800  }
0x11: {  	_ =	swait.ge [sflag:s12], $0x2800  }
0x12: {  	[sflag:s12] =	ssyncset.done $0x0  }
0x13: {  	[sflag:s12] =	ssyncadd.s32 $0xFFFFD800  }
0x14: {  	s18 =	sadd.s32 $0x0, s10;
	[bflag:$0x0] =	sbarrier.arrive $0xFFFF  }
0x15: {  	[tilespmem:s13], [sflag:$0x2] =	stream.linear.gather [hbm4b:s18+s3], $0x80, $0x38;
	[tilespmem:$0x18100] =	vst v63  }
0x16: {  	_ =	swait.ge [sflag:s12], $0x80  }
0x17: {  	[sflag:s12] =	ssyncset.done $0x0  }
0x18: {  	s31 =	sadd.s32 $0x0, s9;
	[sflag:s12] =	ssyncadd.s32 $0xFFFFFF80  }
0x19: {  	[tilespmem:s14], [sflag:$0x2] =	stream.linear.gather [hbm4b:s31+s3], $0x80, $0x38;
	[tilespmem:$0x18100] =	vst v63  }
0x1a: {  	_ =	swait.ge [sflag:s12], $0x80  }
0x1b: {  	[sflag:s12] =	ssyncset.done $0x0  }
0x1c: {  	[sflag:s12] =	ssyncadd.s32 $0xFFFFFF80  }
0x1d: {  	[tilespmem:s3], [sflag:$0x1] =	stream.indirect.gather [hbm4b:s4+s15], $0x80, s13, s15, $0xb8;
	[tilespmem:$0x18100] =	vst v63  }
0x1e: {  	_ =	swait.ge [sflag:s16], $0x4000  }
0x1f: {  	[sflag:s16] =	ssyncset.done $0x0  }
0x20: {  	[sflag:s16] =	ssyncadd.s32 $0xFFFFC000  }
0x21: {  	[spmem:s2] =	stream.indirect.scatter.add.f32 [tilespmem:s3], [sflag:$0x2], $0x80, s14, s15, $0xb8;
	[tilespmem:$0x18100] =	vst v63  }
0x22: {  	_ =	swait.ge [sflag:s12], $0x4000  }
0x23: {  	s19 =	simm.s32 $0x20;
	s18 =	simm.s32 $0x10;
	[sflag:s12] =	ssyncset.done $0x0  }
.LBB2_2:
0x24: {  	s20 =	sadd.s32 s18, s10  }
0x25: {  	[sflag:s12] =	ssyncadd.s32 $0xFFFFC000;
	s21 =	smov.u32 s19;
	s22 =	sadd.s32 $0x10, s19  }
0x26: {  	[tilespmem:s13], [sflag:$0x2] =	stream.linear.gather [hbm4b:s20+s3], $0x80, $0x38;
	[tilespmem:$0x18100] =	vst v63  }
0x27: {  	p0 =	sne.s32 s19, $0x9C0;
	_ =	swait.ge [sflag:s12], $0x80  }
0x28: {  	[sflag:s12] =	ssyncset.done $0x0  }
0x29: {  	s19 =	sadd.s32 s18, s9;
	s18 =	smov.u32 s21;
	[sflag:s12] =	ssyncadd.s32 $0xFFFFFF80  }
0x2a: {  	[tilespmem:s14], [sflag:$0x2] =	stream.linear.gather [hbm4b:s19+s3], $0x80, $0x38;
	[tilespmem:$0x18100] =	vst v63  }
0x2b: {  	_ =	swait.ge [sflag:s12], $0x80  }
0x2c: {  	[sflag:s12] =	ssyncset.done $0x0  }
0x2d: {  	[sflag:s12] =	ssyncadd.s32 $0xFFFFFF80  }
0x2e: {  	[tilespmem:s3], [sflag:$0x1] =	stream.indirect.gather [hbm4b:s4+s15], $0x80, s13, s15, $0xb8;
	[tilespmem:$0x18100] =	vst v63  }
0x2f: {  	_ =	swait.ge [sflag:s16], $0x4000  }
.Ltmp0:
0x30: {  	[sflag:s16] =	ssyncset.done $0x0;
	(pc) =	sbr.rel @p0 .LBB2_2-.Ltmp0, $4  }
0x31: {  	[sflag:s16] =	ssyncadd.s32 $0xFFFFC000  }
0x32: {  	[spmem:s2] =	stream.indirect.scatter.add.f32 [tilespmem:s3], [sflag:$0x2], $0x80, s14, s15, $0xb8;
	[tilespmem:$0x18100] =	vst v63  }
0x33: {  	_ =	swait.ge [sflag:s12], $0x4000  }
0x34: {  	s19 =	smov.u32 s22;
	[sflag:s12] =	ssyncset.done $0x0  }
0x35: {  	s19 =	sadd.s32 s18, s10;
	[sflag:s12] =	ssyncadd.s32 $0xFFFFC000  }
0x36: {  	[tilespmem:s13], [sflag:$0x2] =	stream.linear.gather [hbm4b:s19+s3], $0x80, $0x38;
	[tilespmem:$0x18100] =	vst v63  }
0x37: {  	_ =	swait.ge [sflag:s12], $0x80  }
0x38: {  	[sflag:s12] =	ssyncset.done $0x0  }
0x39: {  	s31 =	sadd.s32 s18, s9;
	[sflag:s12] =	ssyncadd.s32 $0xFFFFFF80  }
0x3a: {  	[tilespmem:s14], [sflag:$0x2] =	stream.linear.gather [hbm4b:s31+s3], $0x80, $0x38;
	[tilespmem:$0x18100] =	vst v63  }
0x3b: {  	_ =	swait.ge [sflag:s12], $0x80  }
0x3c: {  	[sflag:s12] =	ssyncset.done $0x0  }
0x3d: {  	[sflag:s12] =	ssyncadd.s32 $0xFFFFFF80  }
0x3e: {  	[tilespmem:s3], [sflag:$0x1] =	stream.indirect.gather [hbm4b:s4+s15], $0x80, s13, s15, $0xb8;
	[tilespmem:$0x18100] =	vst v63  }
0x3f: {  	_ =	swait.ge [sflag:s16], $0x4000  }
0x40: {  	[sflag:s16] =	ssyncset.done $0x0  }
0x41: {  	[sflag:s16] =	ssyncadd.s32 $0xFFFFC000  }
0x42: {  	[spmem:s2] =	stream.indirect.scatter.add.f32 [tilespmem:s3], [sflag:$0x2], $0x80, s14, s15, $0xb8;
	[tilespmem:$0x18100] =	vst v63  }
0x43: {  	_ =	swait.ge [sflag:s12], $0x4000  }
0x44: {  	s17 =	sadd.s32 $0x1, s17;
	[sflag:s12] =	ssyncset.done $0x0  }
0x45: {  	p0 =	sne.s32 s17, s8;
	[sflag:s12] =	ssyncadd.s32 $0xFFFFC000  }
.Ltmp1:
0x46: {  	[bflag:$0x0] =	sbarrier.arrive $0xFFFF;
	(pc) =	sbr.rel @p0 .LBB2_1-.Ltmp1, $4  }
0x47: {  	[hbm:s7], [sflag:s6] =	dma.local [spmem:s11], $0x2800  }
0x48: {  	_ =	swait.ge [sflag:s12], $0x2800  }
0x49: {  	[sflag:s12] =	ssyncset.done $0x0  }
0x4a: {  	[sflag:s12] =	ssyncadd.s32 $0xFFFFD800  }
0x4b: {  	_ =	sfence.sel $0x180000  }
0x4c: {  	[bflag:$0x0] =	sbarrier.arrive $0xFFFF  }
0x4d: {  	p0 =	sne.s32 s0, $0x0;
	_ =	strace $0x9000004D  }
0x4e: {  	s0 =	sadd.s32 @!p0 $0x100000, s1;
	[bflag:$0x2] =	sbarrier.arrive $0xFFFF  }
0x4f: {  	[sflag:s0] =	ssyncadd.tile.s32 @!p0 $0x1;
	_ =	shalt  }
.Lfunc_end2:
_tile_overlayer_lowered:
.L_overlay_start_2:
0x50: {  	(tag) =	ssettag $0x2  }
0x51: {  	s0 =	rddreg [dreg:$0x0];
	s2 =	stileid.u32  }
0x52: {  	s1 =	rddreg [dreg:$0x1];
	p0 =	sne.s32 s2, $0x0  }
0x53: {  	s3 =	rddreg [dreg:$0x2];
	[bflag:$0x3] =	sbarrier.arrive $0xFFFF;
	s2 =	simm.s32 @!p0 $0x1C02  }
0x54: {  	[timem:s3], [sflag:s2] =	dma.local @!p0 [hbm:s0], s1  }
0x55: {  	s0 =	simm.s32 @!p0 $0x2  }
0x56: {  	_ =	swait.ge @!p0 [sflag:s0], s1  }
0x57: {  	s1 =	ssub.s32 @!p0 $0x0, s1;
	[sflag:s0] =	ssyncset.done @!p0 $0x0  }
0x58: {  	[sflag:s0] =	ssyncadd.s32 @!p0 s1  }
0x59: {  	[bflag:$0x3] =	sbarrier.arrive $0xFFFF  }
0x5a: {  	_ =	shalt  }

// kernel: kernel.20.cloned.1.call-start
scs
__scs_entry_jumppad:
0x0: {  	(pc) =	sbr.rel $0x88, $3  }
0x1: {  	(tag) =	ssettag $0x0;
	lr =	simm.s32 $0x1  }
0x2: {  	[smem:$0x3F93] =	sst lr;
	_ =	strace $0xD0000000  }
0x3: {  	_ = 	snop  }
0x4: {  	_ = 	snop  }
0x5: {  	_ = 	snop  }
0x6: {  	_ = 	snop  }
0x7: {  	_ = 	snop  }
__scs_overlays_trampoline_lowered:
0x8: {  	[smem:$0x3FA2] =	sst s0  }
0x9: {  	[smem:$0x3FA3] =	sst s1  }
0xa: {  	[smem:$0x3FA4] =	sst s2  }
0xb: {  	[smem:$0x3FA5] =	sst s3  }
0xc: {  	[smem:$0x3FA6] =	sst s4  }
0xd: {  	[smem:$0x3FA7] =	sst s5  }
0xe: {  	[smem:$0x3FA8] =	sst s6  }
0xf: {  	[smem:$0x3FA9] =	sst s7  }
0x10: {  	[smem:$0x3FAA] =	sst s8  }
0x11: {  	[smem:$0x3FAB] =	sst s9;
	s0 =	simm.s32 @!p0 $0x0  }
0x12: {  	s1 =	sld [smem:$0x3F91];
	s0 =	simm.s32 @p0 $0x1  }
0x13: {  	[smem:$0x3FAC] =	sst s0;
	s0 =	simm.s32 @!p1 $0x0  }
0x14: {  	s2 =	sld [smem:$0x3F90];
	s0 =	simm.s32 @p1 $0x1  }
0x15: {  	[smem:$0x3FAD] =	sst s0;
	s0 =	simm.s32 @!p2 $0x0  }
0x16: {  	s3 =	sld [smem:$0x3FDB];
	s0 =	simm.s32 @p2 $0x1  }
0x17: {  	s4 =	simm.s32 $0x1BF5;
	[smem:$0x3FAF] =	sst s0  }
0x18: {  	s0 =	sld [smem:$0x3F92];
	_ =	swait.ge [sflag:s4], $0x0  }
0x19: {  	s7 =	sld [smem:$0x3F93]  }
0x1a: {  	s8 =	sadd.s32 $0xFFFFE003, lr  }
0x1b: {  	s9 =	sadd.s32 $0xFFFFFEF7, lr;
	s5 =	simm.s32 $0xFFFFFFFF;
	p2 =	slt.u32 s8, $0xFFFFF086  }
0x1c: {  	p1 =	slt.u32 s9, $0xF7A;
	s5 =	simm.s32 @!p2 $0x0  }
0x1d: {  	s5 =	simm.s32 @p1 $0x1;
	p0 =	seq.s32 s7, s2  }
0x1e: {  	s7 =	smul.u32 @!p0 $0xF7A, s2;
	p2 =	seq.s32 @!p0 s5, $0x0  }
0x1f: {  	s9 =	smul.u32 $0xF7A, s1;
	s8 =	simm.s32 @!p0 $0x1BF5;
	p2 =	por !p2, p0  }
0x20: {  	[sflag:s8] =	ssyncset.s32 @!p0 $0xFFFFF086;
	s6 =	sadd.s32 @!p0 s3, s7;
	s7 =	simm.s32 @!p0 $0x108  }
0x21: {  	s3 =	sadd.s32 s3, s9;
	s6 =	sadd.s32 @!p0 $0x88, s6;
	s7 =	simm.s32 @p2 $0x1082  }
0x22: {  	[simem:s7], [sflag:s8] =	dma.local @!p0 [hbm:s6], $0xF7A  }
0x23: {  	s9 =	sor.u32 $0xD0000000, s2;
	s6 =	simm.s32 $0x108;
	_ =	swait.ge @!p0 [sflag:s8], $0x0  }
0x24: {  	s3 =	sadd.s32 $0x88, s3;
	s6 =	simm.s32 @!p1 $0x1082;
	[sflag:s4] =	ssyncset.s32 $0xFFFFF086  }
0x25: {  	[simem:s6], [sflag:s4] =	dma.local [hbm:s3], $0xF7A  }
0x26: {  	[smem:$0x3F93] =	sst s1;
	(tag) =	ssettag s2;
	_ =	strace s9  }
0x27: {  	s1 =	sld [smem:$0x3FA3]  }
0x28: {  	s2 =	sld [smem:$0x3FA4]  }
0x29: {  	s4 =	sld [smem:$0x3FA6]  }
0x2a: {  	p0 =	seq.s32 s5, $0x0;
	s5 =	sld [smem:$0x3FA7]  }
0x2b: {  	s6 =	sld [smem:$0x3FA8]  }
0x2c: {  	s7 =	sld [smem:$0x3FA9]  }
0x2d: {  	s3 =	simm.s32 $0x108;
	s8 =	sld [smem:$0x3FAA]  }
0x2e: {  	s3 =	simm.s32 @!p0 $0x1082;
	s9 =	sld [smem:$0x3FAB]  }
0x2f: {  	lr =	sadd.s32 s0, s3;
	s0 =	sld [smem:$0x3FA2]  }
0x30: {  	s3 =	sld [smem:$0x3FA5]  }
0x31: {  	[smem:$0x3FAE] =	sst s10  }
0x32: {  	s10 =	sld [smem:$0x3FAC];
	_ =	sdelay $0x3  }
0x33: {  	p0 =	seq.s32 s10, $0x1;
	s10 =	sld [smem:$0x3FAE];
	_ =	sdelay $0x3  }
0x34: {  	[smem:$0x3FAE] =	sst s10  }
0x35: {  	s10 =	sld [smem:$0x3FAD];
	_ =	sdelay $0x3  }
0x36: {  	p1 =	seq.s32 s10, $0x1;
	s10 =	sld [smem:$0x3FAE];
	_ =	sdelay $0x3  }
0x37: {  	[smem:$0x3FAE] =	sst s10  }
0x38: {  	s10 =	sld [smem:$0x3FAF]  }
0x39: {  	_ = 	snop;
	(pc) =	sbr.ind lr, $3  }
0x3a: {  	_ = 	snop  }
0x3b: {  	_ = 	snop  }
0x3c: {  	p2 =	seq.s32 s10, $0x1;
	s10 =	sld [smem:$0x3FAE]  }
0x3d: {  	_ =	shalt  }
0x3e: {  	_ =	shalt  }
0x3f: {  	_ =	shalt  }
0x40: {  	_ =	shalt  }
0x41: {  	_ =	shalt  }
0x42: {  	_ =	shalt  }
0x43: {  	_ =	shalt  }
0x44: {  	_ =	shalt  }
0x45: {  	_ =	shalt  }
0x46: {  	_ =	shalt  }
0x47: {  	_ =	shalt  }
0x48: {  	_ =	shalt  }
0x49: {  	_ =	shalt  }
0x4a: {  	_ =	shalt  }
0x4b: {  	_ =	shalt  }
0x4c: {  	_ =	shalt  }
0x4d: {  	_ =	shalt  }
0x4e: {  	_ =	shalt  }
0x4f: {  	_ =	shalt  }
0x50: {  	_ =	shalt  }
0x51: {  	_ =	shalt  }
0x52: {  	_ =	shalt  }
0x53: {  	_ =	shalt  }
0x54: {  	_ =	shalt  }
0x55: {  	_ =	shalt  }
0x56: {  	_ =	shalt  }
0x57: {  	_ =	shalt  }
0x58: {  	_ =	shalt  }
0x59: {  	_ =	shalt  }
0x5a: {  	_ =	shalt  }
0x5b: {  	_ =	shalt  }
0x5c: {  	_ =	shalt  }
0x5d: {  	_ =	shalt  }
0x5e: {  	_ =	shalt  }
0x5f: {  	_ =	shalt  }
0x60: {  	_ =	shalt  }
0x61: {  	_ =	shalt  }
0x62: {  	_ =	shalt  }
0x63: {  	_ =	shalt  }
0x64: {  	_ =	shalt  }
0x65: {  	_ =	shalt  }
0x66: {  	_ =	shalt  }
0x67: {  	_ =	shalt  }
0x68: {  	_ =	shalt  }
0x69: {  	_ =	shalt  }
0x6a: {  	_ =	shalt  }
0x6b: {  	_ =	shalt  }
0x6c: {  	_ =	shalt  }
0x6d: {  	_ =	shalt  }
0x6e: {  	_ =	shalt  }
0x6f: {  	_ =	shalt  }
0x70: {  	_ =	shalt  }
0x71: {  	_ =	shalt  }
0x72: {  	_ =	shalt  }
0x73: {  	_ =	shalt  }
0x74: {  	_ =	shalt  }
0x75: {  	_ =	shalt  }
0x76: {  	_ =	shalt  }
0x77: {  	_ =	shalt  }
0x78: {  	_ =	shalt  }
0x79: {  	_ =	shalt  }
0x7a: {  	_ =	shalt  }
0x7b: {  	_ =	shalt  }
0x7c: {  	_ =	shalt  }
0x7d: {  	_ =	shalt  }
0x7e: {  	_ =	shalt  }
0x7f: {  	_ =	shalt  }
0x80: {  	_ =	shalt  }
0x81: {  	_ =	shalt  }
0x82: {  	_ =	shalt  }
0x83: {  	_ =	shalt  }
0x84: {  	_ =	shalt  }
0x85: {  	_ =	shalt  }
0x86: {  	_ =	shalt  }
0x87: {  	_ =	shalt  }
.Lfunc_end0:
.L_simem_size_0:
called_computation.3_lowered:
.L_overlay_start_0:
0x88: {  	s2 =	sld [smem:$0x3FD9]  }
0x89: {  	s3 =	sld [smem:$0x3FFE];
	_ =	sdelay $0x1  }
0x8a: {  	s1 =	srdreg.scid  }
0x8b: {  	s0 =	sand.u32 $0x1, s1  }
0x8c: {  	s17 =	sshll.u32 s0, $0xA;
	s2 =	sadd.s32 s3, s2  }
0x8d: {  	s2 =	sadd.s32 s2, s17  }
0x8e: {  	[smem:$0x3FBA] =	sst s2  }
0x8f: {  	_ = 	snop  }
0x90: {  	s2 =	sld [smem:$0x3FD0];
	(tm) =	ssettm $0x1  }
0x91: {  	s18 =	sld [smem:$0x3FFB];
	_ =	sdelay $0x3  }
0x92: {  	_ =	strace s18  }
0x93: {  	s3 =	sld [smem:$0x3FFC];
	_ =	sdelay $0x3  }
0x94: {  	_ =	strace s3  }
0x95: {  	s3 =	sld [smem:$0x3FFD];
	_ =	sdelay $0x3  }
0x96: {  	_ =	strace s3  }
0x97: {  	_ =	strace $0x8FFFFFFF  }
0x98: {  	s19 =	sld [smem:$0x3FDB];
	_ =	sdelay $0x1  }
0x99: {  	s4 =	simm.s32 $_scs_section_size  }
0x9a: {  	s5 =	simm.s32 $_size__tile_overlayer_lowered;
	s6 =	simm.s32 $_tile_overlayer_lowered  }
0x9b: {  	s22 =	simm.s32 $0x1BFF;
	s21 =	sshll.u32 s6, $0x1;
	s3 =	sadd.s32 s4, s19  }
0x9c: {  	s7 =	simm.s32 $0x0;
	s20 =	sshll.u32 s5, $0x1;
	s5 =	sadd.s32 s21, s3  }
0x9d: {  	[timem:s7], [sflag:s22] =	dma.local [hbm:s5], s20  }
0x9e: {  	_ =	swait.ge [sflag:s22], s20  }
0x9f: {  	s4 =	ssub.s32 $0x0, s20;
	[sflag:s22] =	ssyncset.done $0x0  }
0xa0: {  	[sflag:s22] =	ssyncadd.s32 s4;
	_ =	sdelay $0x1  }
0xa1: {  	s23 =	simm.s32 $0x1B8B  }
0xa2: {  	_ =	swait.ge [sflag:s23], $0x1  }
0xa3: {  	[sflag:s23] =	ssyncset.done $0x0  }
0xa4: {  	s25 =	simm.s32 $0x1B8E;
	s24 =	sld [smem:$0x3FFE];
	[sflag:s23] =	ssyncadd.s32 $0xFFFFFFFF  }
0xa5: {  	s26 =	simm.s32 $execute0_lowered;
	[smem:$0x3FD2] =	sst s25  }
0xa6: {  	s5 =	sshll.u32 s26, $0x1;
	_ =	strace $0x8000004F;
	[dreg:$0x1] =	wrdreg $0xFFFFFFFF  }
0xa7: {  	s28 =	simm.s32 $_size_execute0_lowered;
	s3 =	sadd.s32 s3, s5;
	[dreg:$0x0] =	wrdreg $0x0  }
0xa8: {  	s5 =	sshll.u32 s28, $0x1;
	[dreg:$0x2] =	wrdreg s3  }
0xa9: {  	[dreg:$0x3] =	wrdreg s5  }
0xaa: {  	[dreg:$0x4] =	wrdreg $0xC0  }
0xab: {  	_ =	task [dreg:s7], $0x5FFFF  }
0xac: {  	[dreg:$0x1] =	wrdreg $0xFFFFFFFF  }
0xad: {  	[dreg:$0x0] =	wrdreg $0x60  }
0xae: {  	[dreg:$0x2] =	wrdreg s24  }
0xaf: {  	[dreg:$0x3] =	wrdreg s2  }
0xb0: {  	[dreg:$0x4] =	wrdreg $0x41000  }
0xb1: {  	[dreg:$0x5] =	wrdreg $0x9  }
0xb2: {  	_ =	task.clear_ibuf [dreg:s7], $0x6FFFF;
	_ =	strace $0x9000004F  }
0xb3: {  	s29 =	simm.s32 $0x9;
	_ =	strace $0x80000051  }
0xb4: {  	_ =	swait.ge [sflag:s29], $0x1  }
0xb5: {  	[sflag:s29] =	ssyncadd.s32 $0xFFFFFFFF  }
0xb6: {  	_ =	strace $0x90000051  }
0xb7: {  	_ =	sfence  }
0xb8: {  	s30 =	sld [smem:$0x0];
	_ =	sdelay $0x2  }
0xb9: {  	s31 =	sshll.u32 s1, $0xD;
	s1 =	sshrl.u32 s1, $0x2  }
0xba: {  	s3 =	sand.u32 $0x4000, s31;
	s1 =	sadd.s32 s1, s30  }
0xbb: {  	s0 =	sor.u32 s3, s0;
	s1 =	sshll.u32 s1, $0x11  }
0xbc: {  	s0 =	sor.u32 s1, s0  }
0xbd: {  	s0 =	sadd.s32 $0x8F2B, s0  }
0xbe: {  	[sflag:s0] =	ssyncadd.remote.s32 $0x1  }
0xbf: {  	_ =	sfence.sel $0xFFFF  }
0xc0: {  	[dreg:$0x0] =	wrdreg $0xFFFFFFFF;
	(pc) =	sbr.abs _section_cstart, $3  }
0xc1: {  	[dreg:$0x1] =	wrdreg $0xFFFFFFFF  }
0xc2: {  	_ =	task.clear_ibuf [dreg:s7], $0x2FFFF;
	_ =	strace $0x9FFFFFFF  }
0xc3: {  	(tm) =	ssettm $0x7FFFFFFF  }
tec
execute0_lowered:
.L_overlay_start_1:
0x0: {  	(tag) =	ssettag $0x1  }
0x1: {  	s6 =	rddreg [dreg:$0x0]  }
0x2: {  	s9 =	rddreg [dreg:$0x1]  }
0x3: {  	s0 =	srdreg.scid;
	s2 =	rddreg [dreg:$0x2]  }
0x4: {  	s1 =	rddreg [dreg:$0x3];
	s3 =	simm.s32 $0x0;
	s7 =	sand.u32 $0x1, s0  }
0x5: {  	s14 =	simm.s32 $0x4080;
	s0 =	stileid.u32;
	s4 =	smul.u32 $0x4E800, s7  }
0x6: {  	s15 =	simm.s32 $0x80;
	s16 =	simm.s32 $0x1;
	s5 =	smul.u32 $0x4E80, s0  }
0x7: {  	s17 =	simm.s32 $0x0;
	[smem:$0x7FF] =	sst s3;
	s8 =	smul.u32 $0x2800, s0  }
0x8: {  	_ =	strace $0x80000050;
	s11 =	smul.u32 $0x28000, s7;
	s7 =	ssub.s32 $0x2, s7  }
0x9: {  	s13 =	smul.u32 $0x50000, s0;
	s31 =	sshll.u32 s0, $0x6;
	s28 =	sshrl.u32 s7, $0x1  }
0xa: {  	s4 =	sadd.s32 s5, s4;
	s5 =	sadd.s32 $0x19E00, s6;
	s8 =	sadd.s32 s8, s11  }
0xb: {  	s29 =	sshrl.u32 s13, $0x2;
	s30 =	ssub.s32 s7, s28;
	s13 =	simm.s32 $0x4000  }
0xc: {  	s10 =	sshrl.u32 s4, $0x3;
	s4 =	sadd.s32 $0x1C600, s6;
	s8 =	sadd.s32 s8, s6  }
0xd: {  	s11 =	sadd.s32 s29, s2;
	s12 =	sadd.s32 s10, s6;
	s6 =	sor.u32 $0x1C02, s31  }
0xe: {  	s7 =	sadd.s32 $0x6AA00, s8;
	s8 =	smax.u32 s30, $0x1;
	s9 =	sadd.s32 s10, s9  }
0xf: {  	s11 =	sshrl.u32 s11, $0x3;
	s10 =	sadd.s32 $0x6400, s12;
	s12 =	simm.s32 $0x2  }
.LBB2_1:
0x10: {  	[spmem:s11], [sflag:s6] =	dma.local [hbm:s5], $0x2800  }
0x11: {  	_ =	swait.ge [sflag:s12], $0x2800  }
0x12: {  	[sflag:s12] =	ssyncset.done $0x0  }
0x13: {  	[sflag:s12] =	ssyncadd.s32 $0xFFFFD800  }
0x14: {  	s18 =	sadd.s32 $0x0, s10;
	[bflag:$0x0] =	sbarrier.arrive $0xFFFF  }
0x15: {  	[tilespmem:s13], [sflag:$0x2] =	stream.linear.gather [hbm4b:s18+s3], $0x80, $0x38;
	[tilespmem:$0x18100] =	vst v63  }
0x16: {  	_ =	swait.ge [sflag:s12], $0x80  }
0x17: {  	[sflag:s12] =	ssyncset.done $0x0  }
0x18: {  	s31 =	sadd.s32 $0x0, s9;
	[sflag:s12] =	ssyncadd.s32 $0xFFFFFF80  }
0x19: {  	[tilespmem:s14], [sflag:$0x2] =	stream.linear.gather [hbm4b:s31+s3], $0x80, $0x38;
	[tilespmem:$0x18100] =	vst v63  }
0x1a: {  	_ =	swait.ge [sflag:s12], $0x80  }
0x1b: {  	[sflag:s12] =	ssyncset.done $0x0  }
0x1c: {  	[sflag:s12] =	ssyncadd.s32 $0xFFFFFF80  }
0x1d: {  	[tilespmem:s3], [sflag:$0x1] =	stream.indirect.gather [hbm4b:s4+s15], $0x80, s13, s15, $0xb8;
	[tilespmem:$0x18100] =	vst v63  }
0x1e: {  	_ =	swait.ge [sflag:s16], $0x4000  }
0x1f: {  	[sflag:s16] =	ssyncset.done $0x0  }
0x20: {  	[sflag:s16] =	ssyncadd.s32 $0xFFFFC000  }
0x21: {  	[spmem:s2] =	stream.indirect.scatter.add.f32 [tilespmem:s3], [sflag:$0x2], $0x80, s14, s15, $0xb8;
	[tilespmem:$0x18100] =	vst v63  }
0x22: {  	_ =	swait.ge [sflag:s12], $0x4000  }
0x23: {  	s19 =	simm.s32 $0x20;
	s18 =	simm.s32 $0x10;
	[sflag:s12] =	ssyncset.done $0x0  }
.LBB2_2:
0x24: {  	s20 =	sadd.s32 s18, s10  }
0x25: {  	[sflag:s12] =	ssyncadd.s32 $0xFFFFC000;
	s21 =	smov.u32 s19;
	s22 =	sadd.s32 $0x10, s19  }
0x26: {  	[tilespmem:s13], [sflag:$0x2] =	stream.linear.gather [hbm4b:s20+s3], $0x80, $0x38;
	[tilespmem:$0x18100] =	vst v63  }
0x27: {  	p0 =	sne.s32 s19, $0x9C0;
	_ =	swait.ge [sflag:s12], $0x80  }
0x28: {  	[sflag:s12] =	ssyncset.done $0x0  }
0x29: {  	s19 =	sadd.s32 s18, s9;
	s18 =	smov.u32 s21;
	[sflag:s12] =	ssyncadd.s32 $0xFFFFFF80  }
0x2a: {  	[tilespmem:s14], [sflag:$0x2] =	stream.linear.gather [hbm4b:s19+s3], $0x80, $0x38;
	[tilespmem:$0x18100] =	vst v63  }
0x2b: {  	_ =	swait.ge [sflag:s12], $0x80  }
0x2c: {  	[sflag:s12] =	ssyncset.done $0x0  }
0x2d: {  	[sflag:s12] =	ssyncadd.s32 $0xFFFFFF80  }
0x2e: {  	[tilespmem:s3], [sflag:$0x1] =	stream.indirect.gather [hbm4b:s4+s15], $0x80, s13, s15, $0xb8;
	[tilespmem:$0x18100] =	vst v63  }
0x2f: {  	_ =	swait.ge [sflag:s16], $0x4000  }
.Ltmp0:
0x30: {  	[sflag:s16] =	ssyncset.done $0x0;
	(pc) =	sbr.rel @p0 .LBB2_2-.Ltmp0, $4  }
0x31: {  	[sflag:s16] =	ssyncadd.s32 $0xFFFFC000  }
0x32: {  	[spmem:s2] =	stream.indirect.scatter.add.f32 [tilespmem:s3], [sflag:$0x2], $0x80, s14, s15, $0xb8;
	[tilespmem:$0x18100] =	vst v63  }
0x33: {  	_ =	swait.ge [sflag:s12], $0x4000  }
0x34: {  	s19 =	smov.u32 s22;
	[sflag:s12] =	ssyncset.done $0x0  }
0x35: {  	s19 =	sadd.s32 s18, s10;
	[sflag:s12] =	ssyncadd.s32 $0xFFFFC000  }
0x36: {  	[tilespmem:s13], [sflag:$0x2] =	stream.linear.gather [hbm4b:s19+s3], $0x80, $0x38;
	[tilespmem:$0x18100] =	vst v63  }
0x37: {  	_ =	swait.ge [sflag:s12], $0x80  }
0x38: {  	[sflag:s12] =	ssyncset.done $0x0  }
0x39: {  	s31 =	sadd.s32 s18, s9;
	[sflag:s12] =	ssyncadd.s32 $0xFFFFFF80  }
0x3a: {  	[tilespmem:s14], [sflag:$0x2] =	stream.linear.gather [hbm4b:s31+s3], $0x80, $0x38;
	[tilespmem:$0x18100] =	vst v63  }
0x3b: {  	_ =	swait.ge [sflag:s12], $0x80  }
0x3c: {  	[sflag:s12] =	ssyncset.done $0x0  }
0x3d: {  	[sflag:s12] =	ssyncadd.s32 $0xFFFFFF80  }
0x3e: {  	[tilespmem:s3], [sflag:$0x1] =	stream.indirect.gather [hbm4b:s4+s15], $0x80, s13, s15, $0xb8;
	[tilespmem:$0x18100] =	vst v63  }
0x3f: {  	_ =	swait.ge [sflag:s16], $0x4000  }
0x40: {  	[sflag:s16] =	ssyncset.done $0x0  }
0x41: {  	[sflag:s16] =	ssyncadd.s32 $0xFFFFC000  }
0x42: {  	[spmem:s2] =	stream.indirect.scatter.add.f32 [tilespmem:s3], [sflag:$0x2], $0x80, s14, s15, $0xb8;
	[tilespmem:$0x18100] =	vst v63  }
0x43: {  	_ =	swait.ge [sflag:s12], $0x4000  }
0x44: {  	s17 =	sadd.s32 $0x1, s17;
	[sflag:s12] =	ssyncset.done $0x0  }
0x45: {  	p0 =	sne.s32 s17, s8;
	[sflag:s12] =	ssyncadd.s32 $0xFFFFC000  }
.Ltmp1:
0x46: {  	[bflag:$0x0] =	sbarrier.arrive $0xFFFF;
	(pc) =	sbr.rel @p0 .LBB2_1-.Ltmp1, $4  }
0x47: {  	[hbm:s7], [sflag:s6] =	dma.local [spmem:s11], $0x2800  }
0x48: {  	_ =	swait.ge [sflag:s12], $0x2800  }
0x49: {  	[sflag:s12] =	ssyncset.done $0x0  }
0x4a: {  	[sflag:s12] =	ssyncadd.s32 $0xFFFFD800  }
0x4b: {  	_ =	sfence.sel $0x180000  }
0x4c: {  	[bflag:$0x0] =	sbarrier.arrive $0xFFFF  }
0x4d: {  	p0 =	sne.s32 s0, $0x0;
	_ =	strace $0x90000050  }
0x4e: {  	s0 =	sadd.s32 @!p0 $0x100000, s1;
	[bflag:$0x2] =	sbarrier.arrive $0xFFFF  }
0x4f: {  	[sflag:s0] =	ssyncadd.tile.s32 @!p0 $0x1;
	_ =	shalt  }
.Lfunc_end2:
_tile_overlayer_lowered:
.L_overlay_start_2:
0x50: {  	(tag) =	ssettag $0x2  }
0x51: {  	s0 =	rddreg [dreg:$0x0];
	s2 =	stileid.u32  }
0x52: {  	s1 =	rddreg [dreg:$0x1];
	p0 =	sne.s32 s2, $0x0  }
0x53: {  	s3 =	rddreg [dreg:$0x2];
	[bflag:$0x3] =	sbarrier.arrive $0xFFFF;
	s2 =	simm.s32 @!p0 $0x1C02  }
0x54: {  	[timem:s3], [sflag:s2] =	dma.local @!p0 [hbm:s0], s1  }
0x55: {  	s0 =	simm.s32 @!p0 $0x2  }
0x56: {  	_ =	swait.ge @!p0 [sflag:s0], s1  }
0x57: {  	s1 =	ssub.s32 @!p0 $0x0, s1;
	[sflag:s0] =	ssyncset.done @!p0 $0x0  }
0x58: {  	[sflag:s0] =	ssyncadd.s32 @!p0 s1  }
0x59: {  	[bflag:$0x3] =	sbarrier.arrive $0xFFFF  }
0x5a: {  	_ =	shalt  }

// kernel: kernel.23.cloned.1.call-start
scs
__scs_entry_jumppad:
0x0: {  	(pc) =	sbr.rel $0x88, $3  }
0x1: {  	(tag) =	ssettag $0x0;
	lr =	simm.s32 $0x1  }
0x2: {  	[smem:$0x3F93] =	sst lr;
	_ =	strace $0xD0000000  }
0x3: {  	_ = 	snop  }
0x4: {  	_ = 	snop  }
0x5: {  	_ = 	snop  }
0x6: {  	_ = 	snop  }
0x7: {  	_ = 	snop  }
__scs_overlays_trampoline_lowered:
0x8: {  	[smem:$0x3FA2] =	sst s0  }
0x9: {  	[smem:$0x3FA3] =	sst s1  }
0xa: {  	[smem:$0x3FA4] =	sst s2  }
0xb: {  	[smem:$0x3FA5] =	sst s3  }
0xc: {  	[smem:$0x3FA6] =	sst s4  }
0xd: {  	[smem:$0x3FA7] =	sst s5  }
0xe: {  	[smem:$0x3FA8] =	sst s6  }
0xf: {  	[smem:$0x3FA9] =	sst s7  }
0x10: {  	[smem:$0x3FAA] =	sst s8  }
0x11: {  	[smem:$0x3FAB] =	sst s9;
	s0 =	simm.s32 @!p0 $0x0  }
0x12: {  	s1 =	sld [smem:$0x3F91];
	s0 =	simm.s32 @p0 $0x1  }
0x13: {  	[smem:$0x3FAC] =	sst s0;
	s0 =	simm.s32 @!p1 $0x0  }
0x14: {  	s2 =	sld [smem:$0x3F90];
	s0 =	simm.s32 @p1 $0x1  }
0x15: {  	[smem:$0x3FAD] =	sst s0;
	s0 =	simm.s32 @!p2 $0x0  }
0x16: {  	s3 =	sld [smem:$0x3FDB];
	s0 =	simm.s32 @p2 $0x1  }
0x17: {  	s4 =	simm.s32 $0x1BF5;
	[smem:$0x3FAF] =	sst s0  }
0x18: {  	s0 =	sld [smem:$0x3F92];
	_ =	swait.ge [sflag:s4], $0x0  }
0x19: {  	s7 =	sld [smem:$0x3F93]  }
0x1a: {  	s8 =	sadd.s32 $0xFFFFE003, lr  }
0x1b: {  	s9 =	sadd.s32 $0xFFFFFEF7, lr;
	s5 =	simm.s32 $0xFFFFFFFF;
	p2 =	slt.u32 s8, $0xFFFFF086  }
0x1c: {  	p1 =	slt.u32 s9, $0xF7A;
	s5 =	simm.s32 @!p2 $0x0  }
0x1d: {  	s5 =	simm.s32 @p1 $0x1;
	p0 =	seq.s32 s7, s2  }
0x1e: {  	s7 =	smul.u32 @!p0 $0xF7A, s2;
	p2 =	seq.s32 @!p0 s5, $0x0  }
0x1f: {  	s9 =	smul.u32 $0xF7A, s1;
	s8 =	simm.s32 @!p0 $0x1BF5;
	p2 =	por !p2, p0  }
0x20: {  	[sflag:s8] =	ssyncset.s32 @!p0 $0xFFFFF086;
	s6 =	sadd.s32 @!p0 s3, s7;
	s7 =	simm.s32 @!p0 $0x108  }
0x21: {  	s3 =	sadd.s32 s3, s9;
	s6 =	sadd.s32 @!p0 $0x88, s6;
	s7 =	simm.s32 @p2 $0x1082  }
0x22: {  	[simem:s7], [sflag:s8] =	dma.local @!p0 [hbm:s6], $0xF7A  }
0x23: {  	s9 =	sor.u32 $0xD0000000, s2;
	s6 =	simm.s32 $0x108;
	_ =	swait.ge @!p0 [sflag:s8], $0x0  }
0x24: {  	s3 =	sadd.s32 $0x88, s3;
	s6 =	simm.s32 @!p1 $0x1082;
	[sflag:s4] =	ssyncset.s32 $0xFFFFF086  }
0x25: {  	[simem:s6], [sflag:s4] =	dma.local [hbm:s3], $0xF7A  }
0x26: {  	[smem:$0x3F93] =	sst s1;
	(tag) =	ssettag s2;
	_ =	strace s9  }
0x27: {  	s1 =	sld [smem:$0x3FA3]  }
0x28: {  	s2 =	sld [smem:$0x3FA4]  }
0x29: {  	s4 =	sld [smem:$0x3FA6]  }
0x2a: {  	p0 =	seq.s32 s5, $0x0;
	s5 =	sld [smem:$0x3FA7]  }
0x2b: {  	s6 =	sld [smem:$0x3FA8]  }
0x2c: {  	s7 =	sld [smem:$0x3FA9]  }
0x2d: {  	s3 =	simm.s32 $0x108;
	s8 =	sld [smem:$0x3FAA]  }
0x2e: {  	s3 =	simm.s32 @!p0 $0x1082;
	s9 =	sld [smem:$0x3FAB]  }
0x2f: {  	lr =	sadd.s32 s0, s3;
	s0 =	sld [smem:$0x3FA2]  }
0x30: {  	s3 =	sld [smem:$0x3FA5]  }
0x31: {  	[smem:$0x3FAE] =	sst s10  }
0x32: {  	s10 =	sld [smem:$0x3FAC];
	_ =	sdelay $0x3  }
0x33: {  	p0 =	seq.s32 s10, $0x1;
	s10 =	sld [smem:$0x3FAE];
	_ =	sdelay $0x3  }
0x34: {  	[smem:$0x3FAE] =	sst s10  }
0x35: {  	s10 =	sld [smem:$0x3FAD];
	_ =	sdelay $0x3  }
0x36: {  	p1 =	seq.s32 s10, $0x1;
	s10 =	sld [smem:$0x3FAE];
	_ =	sdelay $0x3  }
0x37: {  	[smem:$0x3FAE] =	sst s10  }
0x38: {  	s10 =	sld [smem:$0x3FAF]  }
0x39: {  	_ = 	snop;
	(pc) =	sbr.ind lr, $3  }
0x3a: {  	_ = 	snop  }
0x3b: {  	_ = 	snop  }
0x3c: {  	p2 =	seq.s32 s10, $0x1;
	s10 =	sld [smem:$0x3FAE]  }
0x3d: {  	_ =	shalt  }
0x3e: {  	_ =	shalt  }
0x3f: {  	_ =	shalt  }
0x40: {  	_ =	shalt  }
0x41: {  	_ =	shalt  }
0x42: {  	_ =	shalt  }
0x43: {  	_ =	shalt  }
0x44: {  	_ =	shalt  }
0x45: {  	_ =	shalt  }
0x46: {  	_ =	shalt  }
0x47: {  	_ =	shalt  }
0x48: {  	_ =	shalt  }
0x49: {  	_ =	shalt  }
0x4a: {  	_ =	shalt  }
0x4b: {  	_ =	shalt  }
0x4c: {  	_ =	shalt  }
0x4d: {  	_ =	shalt  }
0x4e: {  	_ =	shalt  }
0x4f: {  	_ =	shalt  }
0x50: {  	_ =	shalt  }
0x51: {  	_ =	shalt  }
0x52: {  	_ =	shalt  }
0x53: {  	_ =	shalt  }
0x54: {  	_ =	shalt  }
0x55: {  	_ =	shalt  }
0x56: {  	_ =	shalt  }
0x57: {  	_ =	shalt  }
0x58: {  	_ =	shalt  }
0x59: {  	_ =	shalt  }
0x5a: {  	_ =	shalt  }
0x5b: {  	_ =	shalt  }
0x5c: {  	_ =	shalt  }
0x5d: {  	_ =	shalt  }
0x5e: {  	_ =	shalt  }
0x5f: {  	_ =	shalt  }
0x60: {  	_ =	shalt  }
0x61: {  	_ =	shalt  }
0x62: {  	_ =	shalt  }
0x63: {  	_ =	shalt  }
0x64: {  	_ =	shalt  }
0x65: {  	_ =	shalt  }
0x66: {  	_ =	shalt  }
0x67: {  	_ =	shalt  }
0x68: {  	_ =	shalt  }
0x69: {  	_ =	shalt  }
0x6a: {  	_ =	shalt  }
0x6b: {  	_ =	shalt  }
0x6c: {  	_ =	shalt  }
0x6d: {  	_ =	shalt  }
0x6e: {  	_ =	shalt  }
0x6f: {  	_ =	shalt  }
0x70: {  	_ =	shalt  }
0x71: {  	_ =	shalt  }
0x72: {  	_ =	shalt  }
0x73: {  	_ =	shalt  }
0x74: {  	_ =	shalt  }
0x75: {  	_ =	shalt  }
0x76: {  	_ =	shalt  }
0x77: {  	_ =	shalt  }
0x78: {  	_ =	shalt  }
0x79: {  	_ =	shalt  }
0x7a: {  	_ =	shalt  }
0x7b: {  	_ =	shalt  }
0x7c: {  	_ =	shalt  }
0x7d: {  	_ =	shalt  }
0x7e: {  	_ =	shalt  }
0x7f: {  	_ =	shalt  }
0x80: {  	_ =	shalt  }
0x81: {  	_ =	shalt  }
0x82: {  	_ =	shalt  }
0x83: {  	_ =	shalt  }
0x84: {  	_ =	shalt  }
0x85: {  	_ =	shalt  }
0x86: {  	_ =	shalt  }
0x87: {  	_ =	shalt  }
.Lfunc_end0:
.L_simem_size_0:
called_computation.4_lowered:
.L_overlay_start_0:
0x88: {  	s2 =	sld [smem:$0x3FD9]  }
0x89: {  	s3 =	sld [smem:$0x3FFE];
	_ =	sdelay $0x1  }
0x8a: {  	s1 =	srdreg.scid  }
0x8b: {  	s0 =	sand.u32 $0x1, s1  }
0x8c: {  	s17 =	sshll.u32 s0, $0xA;
	s2 =	sadd.s32 s3, s2  }
0x8d: {  	s2 =	sadd.s32 s2, s17  }
0x8e: {  	[smem:$0x3FBA] =	sst s2  }
0x8f: {  	_ = 	snop  }
0x90: {  	s2 =	sld [smem:$0x3FD0];
	(tm) =	ssettm $0x1  }
0x91: {  	s18 =	sld [smem:$0x3FFB];
	_ =	sdelay $0x3  }
0x92: {  	_ =	strace s18  }
0x93: {  	s3 =	sld [smem:$0x3FFC];
	_ =	sdelay $0x3  }
0x94: {  	_ =	strace s3  }
0x95: {  	s3 =	sld [smem:$0x3FFD];
	_ =	sdelay $0x3  }
0x96: {  	_ =	strace s3  }
0x97: {  	_ =	strace $0x8FFFFFFF  }
0x98: {  	s19 =	sld [smem:$0x3FDB];
	_ =	sdelay $0x1  }
0x99: {  	s4 =	simm.s32 $_scs_section_size  }
0x9a: {  	s5 =	simm.s32 $_size__tile_overlayer_lowered;
	s6 =	simm.s32 $_tile_overlayer_lowered  }
0x9b: {  	s22 =	simm.s32 $0x1BFF;
	s21 =	sshll.u32 s6, $0x1;
	s3 =	sadd.s32 s4, s19  }
0x9c: {  	s7 =	simm.s32 $0x0;
	s20 =	sshll.u32 s5, $0x1;
	s5 =	sadd.s32 s21, s3  }
0x9d: {  	[timem:s7], [sflag:s22] =	dma.local [hbm:s5], s20  }
0x9e: {  	_ =	swait.ge [sflag:s22], s20  }
0x9f: {  	s4 =	ssub.s32 $0x0, s20;
	[sflag:s22] =	ssyncset.done $0x0  }
0xa0: {  	[sflag:s22] =	ssyncadd.s32 s4;
	_ =	sdelay $0x1  }
0xa1: {  	s23 =	simm.s32 $0x1B8B  }
0xa2: {  	_ =	swait.ge [sflag:s23], $0x1  }
0xa3: {  	[sflag:s23] =	ssyncset.done $0x0  }
0xa4: {  	s25 =	simm.s32 $0x1B8E;
	s24 =	sld [smem:$0x3FFE];
	[sflag:s23] =	ssyncadd.s32 $0xFFFFFFFF  }
0xa5: {  	s26 =	simm.s32 $execute0_lowered;
	[smem:$0x3FD2] =	sst s25  }
0xa6: {  	s5 =	sshll.u32 s26, $0x1;
	_ =	strace $0x80000052;
	[dreg:$0x1] =	wrdreg $0xFFFFFFFF  }
0xa7: {  	s28 =	simm.s32 $_size_execute0_lowered;
	s3 =	sadd.s32 s3, s5;
	[dreg:$0x0] =	wrdreg $0x0  }
0xa8: {  	s5 =	sshll.u32 s28, $0x1;
	[dreg:$0x2] =	wrdreg s3  }
0xa9: {  	[dreg:$0x3] =	wrdreg s5  }
0xaa: {  	[dreg:$0x4] =	wrdreg $0xC0  }
0xab: {  	_ =	task [dreg:s7], $0x5FFFF  }
0xac: {  	[dreg:$0x1] =	wrdreg $0xFFFFFFFF  }
0xad: {  	[dreg:$0x0] =	wrdreg $0x60  }
0xae: {  	[dreg:$0x2] =	wrdreg s24  }
0xaf: {  	[dreg:$0x3] =	wrdreg s2  }
0xb0: {  	[dreg:$0x4] =	wrdreg $0x41000  }
0xb1: {  	[dreg:$0x5] =	wrdreg $0x9  }
0xb2: {  	_ =	task.clear_ibuf [dreg:s7], $0x6FFFF;
	_ =	strace $0x90000052  }
0xb3: {  	s29 =	simm.s32 $0x9;
	_ =	strace $0x80000054  }
0xb4: {  	_ =	swait.ge [sflag:s29], $0x1  }
0xb5: {  	[sflag:s29] =	ssyncadd.s32 $0xFFFFFFFF  }
0xb6: {  	_ =	strace $0x90000054  }
0xb7: {  	_ =	sfence  }
0xb8: {  	s30 =	sld [smem:$0x0];
	_ =	sdelay $0x2  }
0xb9: {  	s31 =	sshll.u32 s1, $0xD;
	s1 =	sshrl.u32 s1, $0x2  }
0xba: {  	s3 =	sand.u32 $0x4000, s31;
	s1 =	sadd.s32 s1, s30  }
0xbb: {  	s0 =	sor.u32 s3, s0;
	s1 =	sshll.u32 s1, $0x11  }
0xbc: {  	s0 =	sor.u32 s1, s0  }
0xbd: {  	s0 =	sadd.s32 $0x8F2B, s0  }
0xbe: {  	[sflag:s0] =	ssyncadd.remote.s32 $0x1  }
0xbf: {  	_ =	sfence.sel $0xFFFF  }
0xc0: {  	[dreg:$0x0] =	wrdreg $0xFFFFFFFF;
	(pc) =	sbr.abs _section_cstart, $3  }
0xc1: {  	[dreg:$0x1] =	wrdreg $0xFFFFFFFF  }
0xc2: {  	_ =	task.clear_ibuf [dreg:s7], $0x2FFFF;
	_ =	strace $0x9FFFFFFF  }
0xc3: {  	(tm) =	ssettm $0x7FFFFFFF  }
tec
execute0_lowered:
.L_overlay_start_1:
0x0: {  	(tag) =	ssettag $0x1  }
0x1: {  	s6 =	rddreg [dreg:$0x0]  }
0x2: {  	s9 =	rddreg [dreg:$0x1]  }
0x3: {  	s0 =	srdreg.scid;
	s2 =	rddreg [dreg:$0x2]  }
0x4: {  	s1 =	rddreg [dreg:$0x3];
	s3 =	simm.s32 $0x0;
	s7 =	sand.u32 $0x1, s0  }
0x5: {  	s14 =	simm.s32 $0x4080;
	s0 =	stileid.u32;
	s4 =	smul.u32 $0x4E800, s7  }
0x6: {  	s15 =	simm.s32 $0x80;
	s16 =	simm.s32 $0x1;
	s5 =	smul.u32 $0x4E80, s0  }
0x7: {  	s17 =	simm.s32 $0x0;
	[smem:$0x7FF] =	sst s3;
	s8 =	smul.u32 $0x2800, s0  }
0x8: {  	_ =	strace $0x80000053;
	s11 =	smul.u32 $0x28000, s7;
	s7 =	ssub.s32 $0x2, s7  }
0x9: {  	s13 =	smul.u32 $0x50000, s0;
	s31 =	sshll.u32 s0, $0x6;
	s28 =	sshrl.u32 s7, $0x1  }
0xa: {  	s4 =	sadd.s32 s5, s4;
	s5 =	sadd.s32 $0x19E00, s6;
	s8 =	sadd.s32 s8, s11  }
0xb: {  	s29 =	sshrl.u32 s13, $0x2;
	s30 =	ssub.s32 s7, s28;
	s13 =	simm.s32 $0x4000  }
0xc: {  	s10 =	sshrl.u32 s4, $0x3;
	s4 =	sadd.s32 $0x1C600, s6;
	s8 =	sadd.s32 s8, s6  }
0xd: {  	s11 =	sadd.s32 s29, s2;
	s12 =	sadd.s32 s10, s6;
	s6 =	sor.u32 $0x1C02, s31  }
0xe: {  	s7 =	sadd.s32 $0x6AA00, s8;
	s8 =	smax.u32 s30, $0x1;
	s9 =	sadd.s32 s10, s9  }
0xf: {  	s11 =	sshrl.u32 s11, $0x3;
	s10 =	sadd.s32 $0x6400, s12;
	s12 =	simm.s32 $0x2  }
.LBB2_1:
0x10: {  	[spmem:s11], [sflag:s6] =	dma.local [hbm:s5], $0x2800  }
0x11: {  	_ =	swait.ge [sflag:s12], $0x2800  }
0x12: {  	[sflag:s12] =	ssyncset.done $0x0  }
0x13: {  	[sflag:s12] =	ssyncadd.s32 $0xFFFFD800  }
0x14: {  	s18 =	sadd.s32 $0x0, s10;
	[bflag:$0x0] =	sbarrier.arrive $0xFFFF  }
0x15: {  	[tilespmem:s13], [sflag:$0x2] =	stream.linear.gather [hbm4b:s18+s3], $0x80, $0x38;
	[tilespmem:$0x18100] =	vst v63  }
0x16: {  	_ =	swait.ge [sflag:s12], $0x80  }
0x17: {  	[sflag:s12] =	ssyncset.done $0x0  }
0x18: {  	s31 =	sadd.s32 $0x0, s9;
	[sflag:s12] =	ssyncadd.s32 $0xFFFFFF80  }
0x19: {  	[tilespmem:s14], [sflag:$0x2] =	stream.linear.gather [hbm4b:s31+s3], $0x80, $0x38;
	[tilespmem:$0x18100] =	vst v63  }
0x1a: {  	_ =	swait.ge [sflag:s12], $0x80  }
0x1b: {  	[sflag:s12] =	ssyncset.done $0x0  }
0x1c: {  	[sflag:s12] =	ssyncadd.s32 $0xFFFFFF80  }
0x1d: {  	[tilespmem:s3], [sflag:$0x1] =	stream.indirect.gather [hbm4b:s4+s15], $0x80, s13, s15, $0xb8;
	[tilespmem:$0x18100] =	vst v63  }
0x1e: {  	_ =	swait.ge [sflag:s16], $0x4000  }
0x1f: {  	[sflag:s16] =	ssyncset.done $0x0  }
0x20: {  	[sflag:s16] =	ssyncadd.s32 $0xFFFFC000  }
0x21: {  	[spmem:s2] =	stream.indirect.scatter.add.f32 [tilespmem:s3], [sflag:$0x2], $0x80, s14, s15, $0xb8;
	[tilespmem:$0x18100] =	vst v63  }
0x22: {  	_ =	swait.ge [sflag:s12], $0x4000  }
0x23: {  	s19 =	simm.s32 $0x20;
	s18 =	simm.s32 $0x10;
	[sflag:s12] =	ssyncset.done $0x0  }
.LBB2_2:
0x24: {  	s20 =	sadd.s32 s18, s10  }
0x25: {  	[sflag:s12] =	ssyncadd.s32 $0xFFFFC000;
	s21 =	smov.u32 s19;
	s22 =	sadd.s32 $0x10, s19  }
0x26: {  	[tilespmem:s13], [sflag:$0x2] =	stream.linear.gather [hbm4b:s20+s3], $0x80, $0x38;
	[tilespmem:$0x18100] =	vst v63  }
0x27: {  	p0 =	sne.s32 s19, $0x9C0;
	_ =	swait.ge [sflag:s12], $0x80  }
0x28: {  	[sflag:s12] =	ssyncset.done $0x0  }
0x29: {  	s19 =	sadd.s32 s18, s9;
	s18 =	smov.u32 s21;
	[sflag:s12] =	ssyncadd.s32 $0xFFFFFF80  }
0x2a: {  	[tilespmem:s14], [sflag:$0x2] =	stream.linear.gather [hbm4b:s19+s3], $0x80, $0x38;
	[tilespmem:$0x18100] =	vst v63  }
0x2b: {  	_ =	swait.ge [sflag:s12], $0x80  }
0x2c: {  	[sflag:s12] =	ssyncset.done $0x0  }
0x2d: {  	[sflag:s12] =	ssyncadd.s32 $0xFFFFFF80  }
0x2e: {  	[tilespmem:s3], [sflag:$0x1] =	stream.indirect.gather [hbm4b:s4+s15], $0x80, s13, s15, $0xb8;
	[tilespmem:$0x18100] =	vst v63  }
0x2f: {  	_ =	swait.ge [sflag:s16], $0x4000  }
.Ltmp0:
0x30: {  	[sflag:s16] =	ssyncset.done $0x0;
	(pc) =	sbr.rel @p0 .LBB2_2-.Ltmp0, $4  }
0x31: {  	[sflag:s16] =	ssyncadd.s32 $0xFFFFC000  }
0x32: {  	[spmem:s2] =	stream.indirect.scatter.add.f32 [tilespmem:s3], [sflag:$0x2], $0x80, s14, s15, $0xb8;
	[tilespmem:$0x18100] =	vst v63  }
0x33: {  	_ =	swait.ge [sflag:s12], $0x4000  }
0x34: {  	s19 =	smov.u32 s22;
	[sflag:s12] =	ssyncset.done $0x0  }
0x35: {  	s19 =	sadd.s32 s18, s10;
	[sflag:s12] =	ssyncadd.s32 $0xFFFFC000  }
0x36: {  	[tilespmem:s13], [sflag:$0x2] =	stream.linear.gather [hbm4b:s19+s3], $0x80, $0x38;
	[tilespmem:$0x18100] =	vst v63  }
0x37: {  	_ =	swait.ge [sflag:s12], $0x80  }
0x38: {  	[sflag:s12] =	ssyncset.done $0x0  }
0x39: {  	s31 =	sadd.s32 s18, s9;
	[sflag:s12] =	ssyncadd.s32 $0xFFFFFF80  }
0x3a: {  	[tilespmem:s14], [sflag:$0x2] =	stream.linear.gather [hbm4b:s31+s3], $0x80, $0x38;
	[tilespmem:$0x18100] =	vst v63  }
0x3b: {  	_ =	swait.ge [sflag:s12], $0x80  }
0x3c: {  	[sflag:s12] =	ssyncset.done $0x0  }
0x3d: {  	[sflag:s12] =	ssyncadd.s32 $0xFFFFFF80  }
0x3e: {  	[tilespmem:s3], [sflag:$0x1] =	stream.indirect.gather [hbm4b:s4+s15], $0x80, s13, s15, $0xb8;
	[tilespmem:$0x18100] =	vst v63  }
0x3f: {  	_ =	swait.ge [sflag:s16], $0x4000  }
0x40: {  	[sflag:s16] =	ssyncset.done $0x0  }
0x41: {  	[sflag:s16] =	ssyncadd.s32 $0xFFFFC000  }
0x42: {  	[spmem:s2] =	stream.indirect.scatter.add.f32 [tilespmem:s3], [sflag:$0x2], $0x80, s14, s15, $0xb8;
	[tilespmem:$0x18100] =	vst v63  }
0x43: {  	_ =	swait.ge [sflag:s12], $0x4000  }
0x44: {  	s17 =	sadd.s32 $0x1, s17;
	[sflag:s12] =	ssyncset.done $0x0  }
0x45: {  	p0 =	sne.s32 s17, s8;
	[sflag:s12] =	ssyncadd.s32 $0xFFFFC000  }
.Ltmp1:
0x46: {  	[bflag:$0x0] =	sbarrier.arrive $0xFFFF;
	(pc) =	sbr.rel @p0 .LBB2_1-.Ltmp1, $4  }
0x47: {  	[hbm:s7], [sflag:s6] =	dma.local [spmem:s11], $0x2800  }
0x48: {  	_ =	swait.ge [sflag:s12], $0x2800  }
0x49: {  	[sflag:s12] =	ssyncset.done $0x0  }
0x4a: {  	[sflag:s12] =	ssyncadd.s32 $0xFFFFD800  }
0x4b: {  	_ =	sfence.sel $0x180000  }
0x4c: {  	[bflag:$0x0] =	sbarrier.arrive $0xFFFF  }
0x4d: {  	p0 =	sne.s32 s0, $0x0;
	_ =	strace $0x90000053  }
0x4e: {  	s0 =	sadd.s32 @!p0 $0x100000, s1;
	[bflag:$0x2] =	sbarrier.arrive $0xFFFF  }
0x4f: {  	[sflag:s0] =	ssyncadd.tile.s32 @!p0 $0x1;
	_ =	shalt  }
.Lfunc_end2:
_tile_overlayer_lowered:
.L_overlay_start_2:
0x50: {  	(tag) =	ssettag $0x2  }
0x51: {  	s0 =	rddreg [dreg:$0x0];
	s2 =	stileid.u32  }
0x52: {  	s1 =	rddreg [dreg:$0x1];
	p0 =	sne.s32 s2, $0x0  }
0x53: {  	s3 =	rddreg [dreg:$0x2];
	[bflag:$0x3] =	sbarrier.arrive $0xFFFF;
	s2 =	simm.s32 @!p0 $0x1C02  }
0x54: {  	[timem:s3], [sflag:s2] =	dma.local @!p0 [hbm:s0], s1  }
0x55: {  	s0 =	simm.s32 @!p0 $0x2  }
0x56: {  	_ =	swait.ge @!p0 [sflag:s0], s1  }
0x57: {  	s1 =	ssub.s32 @!p0 $0x0, s1;
	[sflag:s0] =	ssyncset.done @!p0 $0x0  }
0x58: {  	[sflag:s0] =	ssyncadd.s32 @!p0 s1  }
0x59: {  	[bflag:$0x3] =	sbarrier.arrive $0xFFFF  }
0x5a: {  	_ =	shalt  }

</sc_bundles>
